<compile_context>
chip_gen: v7x
topology: tpu7x:2x2x1
jax: 0.10.2.dev20260603
libtpu: 0.0.44.dev20260713+nightly
codegen_flags: <defaults>
</compile_context>

<pallas_src>
import functools

import jax
import jax.numpy as jnp
from jax import lax
from jax.experimental import pallas as pl
from jax.experimental.pallas import tpu as pltpu
from jax.experimental.pallas import tpu_sc as plsc

_H = 2048
_W = 2048
_L = 16
_NC = 2
_NS = 16
_NW = _NC * _NS
_TR = _H // 8
_TC = _W // 128
_CPU = 4
_NCU = _TC // _CPU
_APW = _TR // _NW
_NU = _APW * _NCU
_NT = _NU // 2
_CH_STRIDE = _H * _W
_IN_SLAB = _CPU * 8 * 128
_OUT_SLAB = 2 * _CPU * 8 * 128
_OTR_STRIDE = (2 * _W // 128) * 8 * 128


def _sc_body(in_hbm, x_hbm, cons_hbm,
             inb0, inb1, xb00, xb01, xb10, xb11, cb00, cb01, cb10, cb11,
             si0, si1, so0, so1):
    wid = lax.axis_index("s") * _NC + lax.axis_index("c")
    a_base = wid * _APW
    inb = (inb0, inb1)
    xb = ((xb00, xb01), (xb10, xb11))
    cb = ((cb00, cb01), (cb10, cb11))
    si = (si0, si1)
    so = (so0, so1)

    iota = lax.broadcasted_iota(jnp.int32, (_L,), 0)
    i2 = iota * 2
    ones = jnp.full((_L,), 1.0, dtype=jnp.float32)

    for s in range(2):
        for u in range(2):
            def init_body(j, c, _cbu=cb[s][u]):
                tc = j // 16
                rr = 2 * ((j // 4) % 4)
                ck = j % 4
                base = tc * 1024 + rr * 128 + ck * 32
                plsc.store_scatter(_cbu, [i2 + base], ones)
                return c

            lax.fori_loop(0, 128, init_body, 0)

    def unit_coords(g):
        return a_base + g // _NCU, g % _NCU

    def in_cps(g, s):
        A, C = unit_coords(g)
        off = A * (_TC * 1024) + C * _IN_SLAB
        return [
            pltpu.make_async_copy(
                in_hbm.at[pl.ds(c * _CH_STRIDE + off, _IN_SLAB)],
                inb[s].at[pl.ds(c * _IN_SLAB, _IN_SLAB)],
                si[s])
            for c in range(4)
        ]

    def out_cps(g, s):
        A, C = unit_coords(g)
        cps = []
        for u in range(2):
            off = (2 * A + u) * _OTR_STRIDE + C * _OUT_SLAB
            cps.append(pltpu.make_async_copy(
                xb[s][u], x_hbm.at[pl.ds(off, _OUT_SLAB)], so[s]))
            cps.append(pltpu.make_async_copy(
                cb[s][u], cons_hbm.at[pl.ds(off, _OUT_SLAB)], so[s]))
        return cps

    def compute(s):
        _inb = inb[s]

        def col_body(k, _c):
            t_in = k // 8
            l_in = (k % 8) * _L
            in_off = t_in * 1024 + l_in
            tc_out = k // 4
            l_out = (k * 32) % 128
            out_off = tc_out * 1024 + l_out
            for ri in range(8):
                a0 = _inb[pl.ds(0 * _IN_SLAB + in_off + ri * 128, _L)]
                a1 = _inb[pl.ds(1 * _IN_SLAB + in_off + ri * 128, _L)]
                a2 = _inb[pl.ds(2 * _IN_SLAB + in_off + ri * 128, _L)]
                a3 = _inb[pl.ds(3 * _IN_SLAB + in_off + ri * 128, _L)]
                u0, rr0 = divmod(2 * ri, 8)
                u1, rr1 = divmod(2 * ri + 1, 8)
                ie0 = i2 + (out_off + rr0 * 128)
                io0 = ie0 + 1
                ie1 = i2 + (out_off + rr1 * 128)
                io1 = ie1 + 1
                plsc.store_scatter(xb[s][u0], [ie0], a0)
                plsc.store_scatter(xb[s][u0], [io0], a2)
                plsc.store_scatter(xb[s][u1], [ie1], a1)
                plsc.store_scatter(xb[s][u1], [io1], a3)
                t = a0 + a1 + 1.0
                v2 = (a0 + 1.0) * 0.5
                v1 = t * (1.0 / 3.0)
                v0 = (t + a2) * 0.25
                plsc.store_scatter(cb[s][u0], [io0], v1)
                plsc.store_scatter(cb[s][u1], [ie1], v2)
                plsc.store_scatter(cb[s][u1], [io1], v0)
            return _c

        lax.fori_loop(0, _CPU * 8, col_body, 0)

    for c in in_cps(0, 0):
        c.start()
    for c in in_cps(1, 1):
        c.start()

    def run_unit(t, s):
        g = 2 * t + s
        for c in in_cps(g, s):
            c.wait()

        @pl.when(t >= 1)
        def _():
            for c in out_cps(g - 2, s):
                c.wait()

        compute(s)
        for c in out_cps(g, s):
            c.start()

        @pl.when(t < _NT - 1)
        def _():
            for c in in_cps(g + 2, s):
                c.start()

    def main_body(t, carry):
        run_unit(t, 0)
        run_unit(t, 1)
        return carry

    lax.fori_loop(0, _NT, main_body, 0)

    for c in out_cps(2 * (_NT - 1), 0):
        c.wait()
    for c in out_cps(2 * (_NT - 1) + 1, 1):
        c.wait()


@jax.jit
def _unsqueeze_cons(inp_flat):
    mesh = plsc.VectorSubcoreMesh(core_axis_name="c", subcore_axis_name="s")
    run = functools.partial(
        pl.kernel,
        out_type=[
            jax.ShapeDtypeStruct((4 * _H * _W,), jnp.float32),
            jax.ShapeDtypeStruct((4 * _H * _W,), jnp.float32),
        ],
        mesh=mesh,
        compiler_params=pltpu.CompilerParams(needs_layout_passes=False),
        scratch_types=[
            pltpu.VMEM((4 * _IN_SLAB,), jnp.float32),
            pltpu.VMEM((4 * _IN_SLAB,), jnp.float32),
            pltpu.VMEM((_OUT_SLAB,), jnp.float32),
            pltpu.VMEM((_OUT_SLAB,), jnp.float32),
            pltpu.VMEM((_OUT_SLAB,), jnp.float32),
            pltpu.VMEM((_OUT_SLAB,), jnp.float32),
            pltpu.VMEM((_OUT_SLAB,), jnp.float32),
            pltpu.VMEM((_OUT_SLAB,), jnp.float32),
            pltpu.VMEM((_OUT_SLAB,), jnp.float32),
            pltpu.VMEM((_OUT_SLAB,), jnp.float32),
            pltpu.SemaphoreType.DMA,
            pltpu.SemaphoreType.DMA,
            pltpu.SemaphoreType.DMA,
            pltpu.SemaphoreType.DMA,
        ],
    )(_sc_body)
    return run(inp_flat)


def kernel(input):
    B, C, H, W = input.shape
    assert (B, C, H, W) == (1, 4, _H, _W)
    inp_flat = (input.reshape(4, _TR, 8, _TC, 128)
                .transpose(0, 1, 3, 2, 4)
                .reshape(-1))
    x_flat, cons_flat = _unsqueeze_cons(inp_flat)
    out_tr = 2 * _H // 8
    out_tc = 2 * _W // 128

    def detile(f):
        return (f.reshape(out_tr, out_tc, 8, 128)
                .transpose(0, 2, 1, 3)
                .reshape(1, 1, 2 * _H, 2 * _W))

    return (detile(x_flat), detile(cons_flat))

# --- scband reference (transcript-rebuilt; emitter-appended) ---
"""Pipeline reference for scband-un-squeeze-cons-layer-61744449847330 (READ-ONLY COPY).

The authoritative reference and input builder live on the scoring server;
editing this copy changes nothing except your own understanding.
"""

import jax, jax.numpy as jnp
import numpy as np


def _indices(H):
    temp = np.arange(H) * 2
    temp = temp.reshape(-1, 1)
    index_list = temp * np.ones((1, H))
    i = index_list.reshape(-1).astype(np.int64)
    j = index_list.T.reshape(-1).astype(np.int64)
    return jnp.asarray(i), jnp.asarray(j)


def setup_inputs(seed: int = 0) -> dict:
    key = jax.random.key(seed)
    x = jax.random.normal(key, (1, 4, 2048, 2048), dtype=jnp.float32)
    return {"input": x}


def reference(input):
    B, C, H, W = input.shape
    factor = 2
    factor2 = factor ** 2
    H_new = H * factor
    W_new = W * factor
    C_new = C // factor2
    i, j = _indices(H)
    i1 = i + 1
    j1 = j + 1
    # cons scale maps; original code always uses batch index 0 (faithful)
    s3 = jnp.ones((H, W), dtype=input.dtype)
    s2 = (input[0, 0] + 1.0) / 2.0
    s1 = (input[0, 0] + input[0, 1] + 1.0) / 3.0
    s0 = (input[0, 0] + input[0, 1] + input[0, 2] + 1.0) / 4.0
    x = jnp.zeros((B, C_new, H_new, W_new), dtype=input.dtype)
    cons = jnp.zeros((B, C_new, H_new, W_new), dtype=input.dtype)
    for t in range(B):
        x = x.at[t, 0, i, j].set(input[t, 0].reshape(-1))
        cons = cons.at[t, 0, i, j].set(s3.reshape(-1))
        x = x.at[t, 0, i1, j].set(input[t, 1].reshape(-1))
        cons = cons.at[t, 0, i1, j].set(s2.reshape(-1))
        x = x.at[t, 0, i, j1].set(input[t, 2].reshape(-1))
        cons = cons.at[t, 0, i, j1].set(s1.reshape(-1))
        x = x.at[t, 0, i1, j1].set(input[t, 3].reshape(-1))
        cons = cons.at[t, 0, i1, j1].set(s0.reshape(-1))
    return (x, cons)

if __name__ == "__main__":
    import jax
    _d = setup_inputs()
    print(jax.jit(kernel)(*tuple(_d.values())))

</pallas_src>

<mosaic_0001>
#map = affine_map<(d0, d1) -> (0)>
module attributes {stable_mosaic.version = 14 : i64} {
  func.func @_sc_body(%arg0: i32, %arg1: i32, %arg2: memref<16777216xf32, #tpu.memory_space<hbm>>, %arg3: memref<16777216xf32, #tpu.memory_space<hbm>>, %arg4: memref<16777216xf32, #tpu.memory_space<hbm>>, %arg5: memref<16384xf32, #tpu.memory_space<vmem>>, %arg6: memref<16384xf32, #tpu.memory_space<vmem>>, %arg7: memref<8192xf32, #tpu.memory_space<vmem>>, %arg8: memref<8192xf32, #tpu.memory_space<vmem>>, %arg9: memref<8192xf32, #tpu.memory_space<vmem>>, %arg10: memref<8192xf32, #tpu.memory_space<vmem>>, %arg11: memref<8192xf32, #tpu.memory_space<vmem>>, %arg12: memref<8192xf32, #tpu.memory_space<vmem>>, %arg13: memref<8192xf32, #tpu.memory_space<vmem>>, %arg14: memref<8192xf32, #tpu.memory_space<vmem>>, %arg15: memref<!tpu.dma_semaphore, #tpu.memory_space<semaphore_mem>>, %arg16: memref<!tpu.dma_semaphore, #tpu.memory_space<semaphore_mem>>, %arg17: memref<!tpu.dma_semaphore, #tpu.memory_space<semaphore_mem>>, %arg18: memref<!tpu.dma_semaphore, #tpu.memory_space<semaphore_mem>>) attributes {dimension_semantics = [#tpu.dimension_semantics<core_parallel>, #tpu.dimension_semantics<subcore_parallel>], iteration_bounds = array<i64: 2, 16>, scalar_prefetch = 0 : i64, scratch_operands = 14 : i64, tpu.core_type = #tpu.core_type<sc_vector_subcore>, window_params = [{transform_indices = #map}, {transform_indices = #map}, {transform_indices = #map}]} {
    %mul3A = arith.constant 2 : i32
    %mul3A_0 = arith.muli %arg1, %mul3A : i32
    %add3A = arith.addi %mul3A_0, %arg0 : i32
    %mul3A_1 = arith.constant 8 : i32
    %mul3A_2 = arith.muli %add3A, %mul3A_1 : i32
    %iota3A = tpu.iota {dimensions = array<i32: 0>} : vector<16xi32>
    %mul3A_3 = arith.constant 2 : i32
    %mul3A_4 = vector.broadcast %mul3A_3 : i32 to vector<16xi32>
    %mul3A_5 = arith.muli %iota3A, %mul3A_4 : vector<16xi32>
    %broadcast_in_dim3A = arith.constant 1.000000e+00 : f32
    %broadcast_in_dim3A_6 = vector.broadcast %broadcast_in_dim3A : f32 to vector<16xf32>
    %scan3A = arith.constant 0 : i32
    %scan3A_7 = arith.constant 0 : i32
    %scan3A_8 = arith.constant 128 : i32
    %scan3A_9 = arith.addi %scan3A_7, %scan3A_8 : i32
    %scan3A_10 = arith.constant 1 : i32
    scf.for %scan3A_162 = %scan3A_7 to %scan3A_9 step %scan3A_10  : i32 {
      %jit3A = arith.constant 16 : i32
      %div3A = arith.divsi %scan3A_162, %jit3A : i32
      %sign3A = arith.constant 0 : i32
      %sign3A_163 = arith.cmpi sgt, %scan3A_162, %sign3A : i32
      %sign3A_164 = arith.extui %sign3A_163 : i1 to i32
      %sign3A_165 = arith.constant 0 : i32
      %sign3A_166 = arith.cmpi slt, %scan3A_162, %sign3A_165 : i32
      %sign3A_167 = arith.extui %sign3A_166 : i1 to i32
      %sign3A_168 = arith.subi %sign3A_164, %sign3A_167 : i32
      %sign3A_169 = arith.constant 0 : i32
      %sign3A_170 = arith.cmpi sgt, %jit3A, %sign3A_169 : i32
      %sign3A_171 = arith.extui %sign3A_170 : i1 to i32
      %sign3A_172 = arith.constant 0 : i32
      %sign3A_173 = arith.cmpi slt, %jit3A, %sign3A_172 : i32
      %sign3A_174 = arith.extui %sign3A_173 : i1 to i32
      %sign3A_175 = arith.subi %sign3A_171, %sign3A_174 : i32
      %ne3A = arith.cmpi ne, %sign3A_168, %sign3A_175 : i32
      %rem3A = arith.remsi %scan3A_162, %jit3A : i32
      %ne3A_176 = arith.constant 0 : i32
      %ne3A_177 = arith.cmpi ne, %rem3A, %ne3A_176 : i32
      %and3A = arith.andi %ne3A, %ne3A_177 : i1
      %sub3A = arith.constant 1 : i32
      %sub3A_178 = arith.subi %div3A, %sub3A : i32
      %select_n3A = arith.select %and3A, %sub3A_178, %div3A : i32
      %jit3A_179 = arith.constant 4 : i32
      %div3A_180 = arith.divsi %scan3A_162, %jit3A_179 : i32
      %sign3A_181 = arith.constant 0 : i32
      %sign3A_182 = arith.cmpi sgt, %scan3A_162, %sign3A_181 : i32
      %sign3A_183 = arith.extui %sign3A_182 : i1 to i32
      %sign3A_184 = arith.constant 0 : i32
      %sign3A_185 = arith.cmpi slt, %scan3A_162, %sign3A_184 : i32
      %sign3A_186 = arith.extui %sign3A_185 : i1 to i32
      %sign3A_187 = arith.subi %sign3A_183, %sign3A_186 : i32
      %sign3A_188 = arith.constant 0 : i32
      %sign3A_189 = arith.cmpi sgt, %jit3A_179, %sign3A_188 : i32
      %sign3A_190 = arith.extui %sign3A_189 : i1 to i32
      %sign3A_191 = arith.constant 0 : i32
      %sign3A_192 = arith.cmpi slt, %jit3A_179, %sign3A_191 : i32
      %sign3A_193 = arith.extui %sign3A_192 : i1 to i32
      %sign3A_194 = arith.subi %sign3A_190, %sign3A_193 : i32
      %ne3A_195 = arith.cmpi ne, %sign3A_187, %sign3A_194 : i32
      %rem3A_196 = arith.remsi %scan3A_162, %jit3A_179 : i32
      %ne3A_197 = arith.constant 0 : i32
      %ne3A_198 = arith.cmpi ne, %rem3A_196, %ne3A_197 : i32
      %and3A_199 = arith.andi %ne3A_195, %ne3A_198 : i1
      %sub3A_200 = arith.constant 1 : i32
      %sub3A_201 = arith.subi %div3A_180, %sub3A_200 : i32
      %select_n3A_202 = arith.select %and3A_199, %sub3A_201, %div3A_180 : i32
      %jit3A_203 = arith.constant 4 : i32
      %eq3A = arith.constant 0 : i32
      %eq3A_204 = arith.cmpi eq, %jit3A_203, %eq3A : i32
      %jit3A_205 = arith.constant 1 : i32
      %select_n3A_206 = arith.select %eq3A_204, %jit3A_205, %jit3A_203 : i32
      %rem3A_207 = arith.remsi %select_n3A_202, %select_n3A_206 : i32
      %ne3A_208 = arith.constant 0 : i32
      %ne3A_209 = arith.cmpi ne, %rem3A_207, %ne3A_208 : i32
      %lt3A = arith.constant 0 : i32
      %lt3A_210 = arith.cmpi slt, %rem3A_207, %lt3A : i32
      %lt3A_211 = arith.constant 0 : i32
      %lt3A_212 = arith.cmpi slt, %select_n3A_206, %lt3A_211 : i32
      %ne3A_213 = arith.xori %lt3A_210, %lt3A_212 : i1
      %and3A_214 = arith.andi %ne3A_213, %ne3A_209 : i1
      %add3A_215 = arith.addi %rem3A_207, %select_n3A_206 : i32
      %select_n3A_216 = arith.select %and3A_214, %add3A_215, %rem3A_207 : i32
      %mul3A_217 = arith.constant 2 : i32
      %mul3A_218 = arith.muli %mul3A_217, %select_n3A_216 : i32
      %jit3A_219 = arith.constant 4 : i32
      %eq3A_220 = arith.constant 0 : i32
      %eq3A_221 = arith.cmpi eq, %jit3A_219, %eq3A_220 : i32
      %jit3A_222 = arith.constant 1 : i32
      %select_n3A_223 = arith.select %eq3A_221, %jit3A_222, %jit3A_219 : i32
      %rem3A_224 = arith.remsi %scan3A_162, %select_n3A_223 : i32
      %ne3A_225 = arith.constant 0 : i32
      %ne3A_226 = arith.cmpi ne, %rem3A_224, %ne3A_225 : i32
      %lt3A_227 = arith.constant 0 : i32
      %lt3A_228 = arith.cmpi slt, %rem3A_224, %lt3A_227 : i32
      %lt3A_229 = arith.constant 0 : i32
      %lt3A_230 = arith.cmpi slt, %select_n3A_223, %lt3A_229 : i32
      %ne3A_231 = arith.xori %lt3A_228, %lt3A_230 : i1
      %and3A_232 = arith.andi %ne3A_231, %ne3A_226 : i1
      %add3A_233 = arith.addi %rem3A_224, %select_n3A_223 : i32
      %select_n3A_234 = arith.select %and3A_232, %add3A_233, %rem3A_224 : i32
      %mul3A_235 = arith.constant 1024 : i32
      %mul3A_236 = arith.muli %select_n3A, %mul3A_235 : i32
      %mul3A_237 = arith.constant 128 : i32
      %mul3A_238 = arith.muli %mul3A_218, %mul3A_237 : i32
      %add3A_239 = arith.addi %mul3A_236, %mul3A_238 : i32
      %mul3A_240 = arith.constant 32 : i32
      %mul3A_241 = arith.muli %select_n3A_234, %mul3A_240 : i32
      %add3A_242 = arith.addi %add3A_239, %mul3A_241 : i32
      %add3A_243 = vector.broadcast %add3A_242 : i32 to vector<16xi32>
      %add3A_244 = arith.addi %mul3A_5, %add3A_243 : vector<16xi32>
      tpu.vector_store_idx %arg11[%add3A_244], %broadcast_in_dim3A_6 : memref<8192xf32, #tpu.memory_space<vmem>>[vector<16xi32>], vector<16xf32>,
    }
    %scan3A_11 = arith.constant 128 : i32
    %scan3A_12 = arith.constant 0 : i32
    %scan3A_13 = arith.constant 0 : i32
    %scan3A_14 = arith.constant 128 : i32
    %scan3A_15 = arith.addi %scan3A_13, %scan3A_14 : i32
    %scan3A_16 = arith.constant 1 : i32
    scf.for %scan3A_162 = %scan3A_13 to %scan3A_15 step %scan3A_16  : i32 {
      %jit3A = arith.constant 16 : i32
      %div3A = arith.divsi %scan3A_162, %jit3A : i32
      %sign3A = arith.constant 0 : i32
      %sign3A_163 = arith.cmpi sgt, %scan3A_162, %sign3A : i32
      %sign3A_164 = arith.extui %sign3A_163 : i1 to i32
      %sign3A_165 = arith.constant 0 : i32
      %sign3A_166 = arith.cmpi slt, %scan3A_162, %sign3A_165 : i32
      %sign3A_167 = arith.extui %sign3A_166 : i1 to i32
      %sign3A_168 = arith.subi %sign3A_164, %sign3A_167 : i32
      %sign3A_169 = arith.constant 0 : i32
      %sign3A_170 = arith.cmpi sgt, %jit3A, %sign3A_169 : i32
      %sign3A_171 = arith.extui %sign3A_170 : i1 to i32
      %sign3A_172 = arith.constant 0 : i32
      %sign3A_173 = arith.cmpi slt, %jit3A, %sign3A_172 : i32
      %sign3A_174 = arith.extui %sign3A_173 : i1 to i32
      %sign3A_175 = arith.subi %sign3A_171, %sign3A_174 : i32
      %ne3A = arith.cmpi ne, %sign3A_168, %sign3A_175 : i32
      %rem3A = arith.remsi %scan3A_162, %jit3A : i32
      %ne3A_176 = arith.constant 0 : i32
      %ne3A_177 = arith.cmpi ne, %rem3A, %ne3A_176 : i32
      %and3A = arith.andi %ne3A, %ne3A_177 : i1
      %sub3A = arith.constant 1 : i32
      %sub3A_178 = arith.subi %div3A, %sub3A : i32
      %select_n3A = arith.select %and3A, %sub3A_178, %div3A : i32
      %jit3A_179 = arith.constant 4 : i32
      %div3A_180 = arith.divsi %scan3A_162, %jit3A_179 : i32
      %sign3A_181 = arith.constant 0 : i32
      %sign3A_182 = arith.cmpi sgt, %scan3A_162, %sign3A_181 : i32
      %sign3A_183 = arith.extui %sign3A_182 : i1 to i32
      %sign3A_184 = arith.constant 0 : i32
      %sign3A_185 = arith.cmpi slt, %scan3A_162, %sign3A_184 : i32
      %sign3A_186 = arith.extui %sign3A_185 : i1 to i32
      %sign3A_187 = arith.subi %sign3A_183, %sign3A_186 : i32
      %sign3A_188 = arith.constant 0 : i32
      %sign3A_189 = arith.cmpi sgt, %jit3A_179, %sign3A_188 : i32
      %sign3A_190 = arith.extui %sign3A_189 : i1 to i32
      %sign3A_191 = arith.constant 0 : i32
      %sign3A_192 = arith.cmpi slt, %jit3A_179, %sign3A_191 : i32
      %sign3A_193 = arith.extui %sign3A_192 : i1 to i32
      %sign3A_194 = arith.subi %sign3A_190, %sign3A_193 : i32
      %ne3A_195 = arith.cmpi ne, %sign3A_187, %sign3A_194 : i32
      %rem3A_196 = arith.remsi %scan3A_162, %jit3A_179 : i32
      %ne3A_197 = arith.constant 0 : i32
      %ne3A_198 = arith.cmpi ne, %rem3A_196, %ne3A_197 : i32
      %and3A_199 = arith.andi %ne3A_195, %ne3A_198 : i1
      %sub3A_200 = arith.constant 1 : i32
      %sub3A_201 = arith.subi %div3A_180, %sub3A_200 : i32
      %select_n3A_202 = arith.select %and3A_199, %sub3A_201, %div3A_180 : i32
      %jit3A_203 = arith.constant 4 : i32
      %eq3A = arith.constant 0 : i32
      %eq3A_204 = arith.cmpi eq, %jit3A_203, %eq3A : i32
      %jit3A_205 = arith.constant 1 : i32
      %select_n3A_206 = arith.select %eq3A_204, %jit3A_205, %jit3A_203 : i32
      %rem3A_207 = arith.remsi %select_n3A_202, %select_n3A_206 : i32
      %ne3A_208 = arith.constant 0 : i32
      %ne3A_209 = arith.cmpi ne, %rem3A_207, %ne3A_208 : i32
      %lt3A = arith.constant 0 : i32
      %lt3A_210 = arith.cmpi slt, %rem3A_207, %lt3A : i32
      %lt3A_211 = arith.constant 0 : i32
      %lt3A_212 = arith.cmpi slt, %select_n3A_206, %lt3A_211 : i32
      %ne3A_213 = arith.xori %lt3A_210, %lt3A_212 : i1
      %and3A_214 = arith.andi %ne3A_213, %ne3A_209 : i1
      %add3A_215 = arith.addi %rem3A_207, %select_n3A_206 : i32
      %select_n3A_216 = arith.select %and3A_214, %add3A_215, %rem3A_207 : i32
      %mul3A_217 = arith.constant 2 : i32
      %mul3A_218 = arith.muli %mul3A_217, %select_n3A_216 : i32
      %jit3A_219 = arith.constant 4 : i32
      %eq3A_220 = arith.constant 0 : i32
      %eq3A_221 = arith.cmpi eq, %jit3A_219, %eq3A_220 : i32
      %jit3A_222 = arith.constant 1 : i32
      %select_n3A_223 = arith.select %eq3A_221, %jit3A_222, %jit3A_219 : i32
      %rem3A_224 = arith.remsi %scan3A_162, %select_n3A_223 : i32
      %ne3A_225 = arith.constant 0 : i32
      %ne3A_226 = arith.cmpi ne, %rem3A_224, %ne3A_225 : i32
      %lt3A_227 = arith.constant 0 : i32
      %lt3A_228 = arith.cmpi slt, %rem3A_224, %lt3A_227 : i32
      %lt3A_229 = arith.constant 0 : i32
      %lt3A_230 = arith.cmpi slt, %select_n3A_223, %lt3A_229 : i32
      %ne3A_231 = arith.xori %lt3A_228, %lt3A_230 : i1
      %and3A_232 = arith.andi %ne3A_231, %ne3A_226 : i1
      %add3A_233 = arith.addi %rem3A_224, %select_n3A_223 : i32
      %select_n3A_234 = arith.select %and3A_232, %add3A_233, %rem3A_224 : i32
      %mul3A_235 = arith.constant 1024 : i32
      %mul3A_236 = arith.muli %select_n3A, %mul3A_235 : i32
      %mul3A_237 = arith.constant 128 : i32
      %mul3A_238 = arith.muli %mul3A_218, %mul3A_237 : i32
      %add3A_239 = arith.addi %mul3A_236, %mul3A_238 : i32
      %mul3A_240 = arith.constant 32 : i32
      %mul3A_241 = arith.muli %select_n3A_234, %mul3A_240 : i32
      %add3A_242 = arith.addi %add3A_239, %mul3A_241 : i32
      %add3A_243 = vector.broadcast %add3A_242 : i32 to vector<16xi32>
      %add3A_244 = arith.addi %mul3A_5, %add3A_243 : vector<16xi32>
      tpu.vector_store_idx %arg12[%add3A_244], %broadcast_in_dim3A_6 : memref<8192xf32, #tpu.memory_space<vmem>>[vector<16xi32>], vector<16xf32>,
    }
    %scan3A_17 = arith.constant 128 : i32
    %scan3A_18 = arith.constant 0 : i32
    %scan3A_19 = arith.constant 0 : i32
    %scan3A_20 = arith.constant 128 : i32
    %scan3A_21 = arith.addi %scan3A_19, %scan3A_20 : i32
    %scan3A_22 = arith.constant 1 : i32
    scf.for %scan3A_162 = %scan3A_19 to %scan3A_21 step %scan3A_22  : i32 {
      %jit3A = arith.constant 16 : i32
      %div3A = arith.divsi %scan3A_162, %jit3A : i32
      %sign3A = arith.constant 0 : i32
      %sign3A_163 = arith.cmpi sgt, %scan3A_162, %sign3A : i32
      %sign3A_164 = arith.extui %sign3A_163 : i1 to i32
      %sign3A_165 = arith.constant 0 : i32
      %sign3A_166 = arith.cmpi slt, %scan3A_162, %sign3A_165 : i32
      %sign3A_167 = arith.extui %sign3A_166 : i1 to i32
      %sign3A_168 = arith.subi %sign3A_164, %sign3A_167 : i32
      %sign3A_169 = arith.constant 0 : i32
      %sign3A_170 = arith.cmpi sgt, %jit3A, %sign3A_169 : i32
      %sign3A_171 = arith.extui %sign3A_170 : i1 to i32
      %sign3A_172 = arith.constant 0 : i32
      %sign3A_173 = arith.cmpi slt, %jit3A, %sign3A_172 : i32
      %sign3A_174 = arith.extui %sign3A_173 : i1 to i32
      %sign3A_175 = arith.subi %sign3A_171, %sign3A_174 : i32
      %ne3A = arith.cmpi ne, %sign3A_168, %sign3A_175 : i32
      %rem3A = arith.remsi %scan3A_162, %jit3A : i32
      %ne3A_176 = arith.constant 0 : i32
      %ne3A_177 = arith.cmpi ne, %rem3A, %ne3A_176 : i32
      %and3A = arith.andi %ne3A, %ne3A_177 : i1
      %sub3A = arith.constant 1 : i32
      %sub3A_178 = arith.subi %div3A, %sub3A : i32
      %select_n3A = arith.select %and3A, %sub3A_178, %div3A : i32
      %jit3A_179 = arith.constant 4 : i32
      %div3A_180 = arith.divsi %scan3A_162, %jit3A_179 : i32
      %sign3A_181 = arith.constant 0 : i32
      %sign3A_182 = arith.cmpi sgt, %scan3A_162, %sign3A_181 : i32
      %sign3A_183 = arith.extui %sign3A_182 : i1 to i32
      %sign3A_184 = arith.constant 0 : i32
      %sign3A_185 = arith.cmpi slt, %scan3A_162, %sign3A_184 : i32
      %sign3A_186 = arith.extui %sign3A_185 : i1 to i32
      %sign3A_187 = arith.subi %sign3A_183, %sign3A_186 : i32
      %sign3A_188 = arith.constant 0 : i32
      %sign3A_189 = arith.cmpi sgt, %jit3A_179, %sign3A_188 : i32
      %sign3A_190 = arith.extui %sign3A_189 : i1 to i32
      %sign3A_191 = arith.constant 0 : i32
      %sign3A_192 = arith.cmpi slt, %jit3A_179, %sign3A_191 : i32
      %sign3A_193 = arith.extui %sign3A_192 : i1 to i32
      %sign3A_194 = arith.subi %sign3A_190, %sign3A_193 : i32
      %ne3A_195 = arith.cmpi ne, %sign3A_187, %sign3A_194 : i32
      %rem3A_196 = arith.remsi %scan3A_162, %jit3A_179 : i32
      %ne3A_197 = arith.constant 0 : i32
      %ne3A_198 = arith.cmpi ne, %rem3A_196, %ne3A_197 : i32
      %and3A_199 = arith.andi %ne3A_195, %ne3A_198 : i1
      %sub3A_200 = arith.constant 1 : i32
      %sub3A_201 = arith.subi %div3A_180, %sub3A_200 : i32
      %select_n3A_202 = arith.select %and3A_199, %sub3A_201, %div3A_180 : i32
      %jit3A_203 = arith.constant 4 : i32
      %eq3A = arith.constant 0 : i32
      %eq3A_204 = arith.cmpi eq, %jit3A_203, %eq3A : i32
      %jit3A_205 = arith.constant 1 : i32
      %select_n3A_206 = arith.select %eq3A_204, %jit3A_205, %jit3A_203 : i32
      %rem3A_207 = arith.remsi %select_n3A_202, %select_n3A_206 : i32
      %ne3A_208 = arith.constant 0 : i32
      %ne3A_209 = arith.cmpi ne, %rem3A_207, %ne3A_208 : i32
      %lt3A = arith.constant 0 : i32
      %lt3A_210 = arith.cmpi slt, %rem3A_207, %lt3A : i32
      %lt3A_211 = arith.constant 0 : i32
      %lt3A_212 = arith.cmpi slt, %select_n3A_206, %lt3A_211 : i32
      %ne3A_213 = arith.xori %lt3A_210, %lt3A_212 : i1
      %and3A_214 = arith.andi %ne3A_213, %ne3A_209 : i1
      %add3A_215 = arith.addi %rem3A_207, %select_n3A_206 : i32
      %select_n3A_216 = arith.select %and3A_214, %add3A_215, %rem3A_207 : i32
      %mul3A_217 = arith.constant 2 : i32
      %mul3A_218 = arith.muli %mul3A_217, %select_n3A_216 : i32
      %jit3A_219 = arith.constant 4 : i32
      %eq3A_220 = arith.constant 0 : i32
      %eq3A_221 = arith.cmpi eq, %jit3A_219, %eq3A_220 : i32
      %jit3A_222 = arith.constant 1 : i32
      %select_n3A_223 = arith.select %eq3A_221, %jit3A_222, %jit3A_219 : i32
      %rem3A_224 = arith.remsi %scan3A_162, %select_n3A_223 : i32
      %ne3A_225 = arith.constant 0 : i32
      %ne3A_226 = arith.cmpi ne, %rem3A_224, %ne3A_225 : i32
      %lt3A_227 = arith.constant 0 : i32
      %lt3A_228 = arith.cmpi slt, %rem3A_224, %lt3A_227 : i32
      %lt3A_229 = arith.constant 0 : i32
      %lt3A_230 = arith.cmpi slt, %select_n3A_223, %lt3A_229 : i32
      %ne3A_231 = arith.xori %lt3A_228, %lt3A_230 : i1
      %and3A_232 = arith.andi %ne3A_231, %ne3A_226 : i1
      %add3A_233 = arith.addi %rem3A_224, %select_n3A_223 : i32
      %select_n3A_234 = arith.select %and3A_232, %add3A_233, %rem3A_224 : i32
      %mul3A_235 = arith.constant 1024 : i32
      %mul3A_236 = arith.muli %select_n3A, %mul3A_235 : i32
      %mul3A_237 = arith.constant 128 : i32
      %mul3A_238 = arith.muli %mul3A_218, %mul3A_237 : i32
      %add3A_239 = arith.addi %mul3A_236, %mul3A_238 : i32
      %mul3A_240 = arith.constant 32 : i32
      %mul3A_241 = arith.muli %select_n3A_234, %mul3A_240 : i32
      %add3A_242 = arith.addi %add3A_239, %mul3A_241 : i32
      %add3A_243 = vector.broadcast %add3A_242 : i32 to vector<16xi32>
      %add3A_244 = arith.addi %mul3A_5, %add3A_243 : vector<16xi32>
      tpu.vector_store_idx %arg13[%add3A_244], %broadcast_in_dim3A_6 : memref<8192xf32, #tpu.memory_space<vmem>>[vector<16xi32>], vector<16xf32>,
    }
    %scan3A_23 = arith.constant 128 : i32
    %scan3A_24 = arith.constant 0 : i32
    %scan3A_25 = arith.constant 0 : i32
    %scan3A_26 = arith.constant 128 : i32
    %scan3A_27 = arith.addi %scan3A_25, %scan3A_26 : i32
    %scan3A_28 = arith.constant 1 : i32
    scf.for %scan3A_162 = %scan3A_25 to %scan3A_27 step %scan3A_28  : i32 {
      %jit3A = arith.constant 16 : i32
      %div3A = arith.divsi %scan3A_162, %jit3A : i32
      %sign3A = arith.constant 0 : i32
      %sign3A_163 = arith.cmpi sgt, %scan3A_162, %sign3A : i32
      %sign3A_164 = arith.extui %sign3A_163 : i1 to i32
      %sign3A_165 = arith.constant 0 : i32
      %sign3A_166 = arith.cmpi slt, %scan3A_162, %sign3A_165 : i32
      %sign3A_167 = arith.extui %sign3A_166 : i1 to i32
      %sign3A_168 = arith.subi %sign3A_164, %sign3A_167 : i32
      %sign3A_169 = arith.constant 0 : i32
      %sign3A_170 = arith.cmpi sgt, %jit3A, %sign3A_169 : i32
      %sign3A_171 = arith.extui %sign3A_170 : i1 to i32
      %sign3A_172 = arith.constant 0 : i32
      %sign3A_173 = arith.cmpi slt, %jit3A, %sign3A_172 : i32
      %sign3A_174 = arith.extui %sign3A_173 : i1 to i32
      %sign3A_175 = arith.subi %sign3A_171, %sign3A_174 : i32
      %ne3A = arith.cmpi ne, %sign3A_168, %sign3A_175 : i32
      %rem3A = arith.remsi %scan3A_162, %jit3A : i32
      %ne3A_176 = arith.constant 0 : i32
      %ne3A_177 = arith.cmpi ne, %rem3A, %ne3A_176 : i32
      %and3A = arith.andi %ne3A, %ne3A_177 : i1
      %sub3A = arith.constant 1 : i32
      %sub3A_178 = arith.subi %div3A, %sub3A : i32
      %select_n3A = arith.select %and3A, %sub3A_178, %div3A : i32
      %jit3A_179 = arith.constant 4 : i32
      %div3A_180 = arith.divsi %scan3A_162, %jit3A_179 : i32
      %sign3A_181 = arith.constant 0 : i32
      %sign3A_182 = arith.cmpi sgt, %scan3A_162, %sign3A_181 : i32
      %sign3A_183 = arith.extui %sign3A_182 : i1 to i32
      %sign3A_184 = arith.constant 0 : i32
      %sign3A_185 = arith.cmpi slt, %scan3A_162, %sign3A_184 : i32
      %sign3A_186 = arith.extui %sign3A_185 : i1 to i32
      %sign3A_187 = arith.subi %sign3A_183, %sign3A_186 : i32
      %sign3A_188 = arith.constant 0 : i32
      %sign3A_189 = arith.cmpi sgt, %jit3A_179, %sign3A_188 : i32
      %sign3A_190 = arith.extui %sign3A_189 : i1 to i32
      %sign3A_191 = arith.constant 0 : i32
      %sign3A_192 = arith.cmpi slt, %jit3A_179, %sign3A_191 : i32
      %sign3A_193 = arith.extui %sign3A_192 : i1 to i32
      %sign3A_194 = arith.subi %sign3A_190, %sign3A_193 : i32
      %ne3A_195 = arith.cmpi ne, %sign3A_187, %sign3A_194 : i32
      %rem3A_196 = arith.remsi %scan3A_162, %jit3A_179 : i32
      %ne3A_197 = arith.constant 0 : i32
      %ne3A_198 = arith.cmpi ne, %rem3A_196, %ne3A_197 : i32
      %and3A_199 = arith.andi %ne3A_195, %ne3A_198 : i1
      %sub3A_200 = arith.constant 1 : i32
      %sub3A_201 = arith.subi %div3A_180, %sub3A_200 : i32
      %select_n3A_202 = arith.select %and3A_199, %sub3A_201, %div3A_180 : i32
      %jit3A_203 = arith.constant 4 : i32
      %eq3A = arith.constant 0 : i32
      %eq3A_204 = arith.cmpi eq, %jit3A_203, %eq3A : i32
      %jit3A_205 = arith.constant 1 : i32
      %select_n3A_206 = arith.select %eq3A_204, %jit3A_205, %jit3A_203 : i32
      %rem3A_207 = arith.remsi %select_n3A_202, %select_n3A_206 : i32
      %ne3A_208 = arith.constant 0 : i32
      %ne3A_209 = arith.cmpi ne, %rem3A_207, %ne3A_208 : i32
      %lt3A = arith.constant 0 : i32
      %lt3A_210 = arith.cmpi slt, %rem3A_207, %lt3A : i32
      %lt3A_211 = arith.constant 0 : i32
      %lt3A_212 = arith.cmpi slt, %select_n3A_206, %lt3A_211 : i32
      %ne3A_213 = arith.xori %lt3A_210, %lt3A_212 : i1
      %and3A_214 = arith.andi %ne3A_213, %ne3A_209 : i1
      %add3A_215 = arith.addi %rem3A_207, %select_n3A_206 : i32
      %select_n3A_216 = arith.select %and3A_214, %add3A_215, %rem3A_207 : i32
      %mul3A_217 = arith.constant 2 : i32
      %mul3A_218 = arith.muli %mul3A_217, %select_n3A_216 : i32
      %jit3A_219 = arith.constant 4 : i32
      %eq3A_220 = arith.constant 0 : i32
      %eq3A_221 = arith.cmpi eq, %jit3A_219, %eq3A_220 : i32
      %jit3A_222 = arith.constant 1 : i32
      %select_n3A_223 = arith.select %eq3A_221, %jit3A_222, %jit3A_219 : i32
      %rem3A_224 = arith.remsi %scan3A_162, %select_n3A_223 : i32
      %ne3A_225 = arith.constant 0 : i32
      %ne3A_226 = arith.cmpi ne, %rem3A_224, %ne3A_225 : i32
      %lt3A_227 = arith.constant 0 : i32
      %lt3A_228 = arith.cmpi slt, %rem3A_224, %lt3A_227 : i32
      %lt3A_229 = arith.constant 0 : i32
      %lt3A_230 = arith.cmpi slt, %select_n3A_223, %lt3A_229 : i32
      %ne3A_231 = arith.xori %lt3A_228, %lt3A_230 : i1
      %and3A_232 = arith.andi %ne3A_231, %ne3A_226 : i1
      %add3A_233 = arith.addi %rem3A_224, %select_n3A_223 : i32
      %select_n3A_234 = arith.select %and3A_232, %add3A_233, %rem3A_224 : i32
      %mul3A_235 = arith.constant 1024 : i32
      %mul3A_236 = arith.muli %select_n3A, %mul3A_235 : i32
      %mul3A_237 = arith.constant 128 : i32
      %mul3A_238 = arith.muli %mul3A_218, %mul3A_237 : i32
      %add3A_239 = arith.addi %mul3A_236, %mul3A_238 : i32
      %mul3A_240 = arith.constant 32 : i32
      %mul3A_241 = arith.muli %select_n3A_234, %mul3A_240 : i32
      %add3A_242 = arith.addi %add3A_239, %mul3A_241 : i32
      %add3A_243 = vector.broadcast %add3A_242 : i32 to vector<16xi32>
      %add3A_244 = arith.addi %mul3A_5, %add3A_243 : vector<16xi32>
      tpu.vector_store_idx %arg14[%add3A_244], %broadcast_in_dim3A_6 : memref<8192xf32, #tpu.memory_space<vmem>>[vector<16xi32>], vector<16xf32>,
    }
    %scan3A_29 = arith.constant 128 : i32
    %add3A_30 = arith.constant 0 : i32
    %add3A_31 = arith.addi %mul3A_2, %add3A_30 : i32
    %mul3A_32 = arith.constant 16384 : i32
    %mul3A_33 = arith.muli %add3A_31, %mul3A_32 : i32
    %add3A_34 = arith.constant 0 : i32
    %add3A_35 = arith.addi %mul3A_33, %add3A_34 : i32
    %add3A_36 = arith.constant 0 : i32
    %add3A_37 = arith.addi %add3A_36, %add3A_35 : i32
    %add3A_38 = arith.constant 4194304 : i32
    %add3A_39 = arith.addi %add3A_38, %add3A_35 : i32
    %add3A_40 = arith.constant 8388608 : i32
    %add3A_41 = arith.addi %add3A_40, %add3A_35 : i32
    %add3A_42 = arith.constant 12582912 : i32
    %add3A_43 = arith.addi %add3A_42, %add3A_35 : i32
    %dma_start3A = arith.constant 0 : i32
    %dma_start3A_44 = tpu.memref_slice %arg5[%dma_start3A] : memref<16384xf32, #tpu.memory_space<vmem>> -> memref<4096xf32, #tpu.memory_space<vmem>>
    %dma_start3A_45 = tpu.memref_slice %arg2[%add3A_37] : memref<16777216xf32, #tpu.memory_space<hbm>> -> memref<4096xf32, #tpu.memory_space<hbm>>
    %dma_start3A_46 = arith.constant 0 : i32
    %dma_start3A_47 = tpu.memref_slice %arg5[%dma_start3A_46] : memref<16384xf32, #tpu.memory_space<vmem>> -> memref<4096xf32, #tpu.memory_space<vmem>>
    %dma_start3A_48 = tpu.memref_slice %arg2[%add3A_37] : memref<16777216xf32, #tpu.memory_space<hbm>> -> memref<4096xf32, #tpu.memory_space<hbm>>
    tpu.enqueue_dma source(%dma_start3A_48 : memref<4096xf32, #tpu.memory_space<hbm>>) target(%dma_start3A_47 : memref<4096xf32, #tpu.memory_space<vmem>>) target_semaphore(%arg15 : memref<!tpu.dma_semaphore, #tpu.memory_space<semaphore_mem>>)
    %dma_start3A_49 = arith.constant 4096 : i32
    %dma_start3A_50 = tpu.memref_slice %arg5[%dma_start3A_49] : memref<16384xf32, #tpu.memory_space<vmem>> -> memref<4096xf32, #tpu.memory_space<vmem>>
    %dma_start3A_51 = tpu.memref_slice %arg2[%add3A_39] : memref<16777216xf32, #tpu.memory_space<hbm>> -> memref<4096xf32, #tpu.memory_space<hbm>>
    %dma_start3A_52 = arith.constant 4096 : i32
    %dma_start3A_53 = tpu.memref_slice %arg5[%dma_start3A_52] : memref<16384xf32, #tpu.memory_space<vmem>> -> memref<4096xf32, #tpu.memory_space<vmem>>
    %dma_start3A_54 = tpu.memref_slice %arg2[%add3A_39] : memref<16777216xf32, #tpu.memory_space<hbm>> -> memref<4096xf32, #tpu.memory_space<hbm>>
    tpu.enqueue_dma source(%dma_start3A_54 : memref<4096xf32, #tpu.memory_space<hbm>>) target(%dma_start3A_53 : memref<4096xf32, #tpu.memory_space<vmem>>) target_semaphore(%arg15 : memref<!tpu.dma_semaphore, #tpu.memory_space<semaphore_mem>>)
    %dma_start3A_55 = arith.constant 8192 : i32
    %dma_start3A_56 = tpu.memref_slice %arg5[%dma_start3A_55] : memref<16384xf32, #tpu.memory_space<vmem>> -> memref<4096xf32, #tpu.memory_space<vmem>>
    %dma_start3A_57 = tpu.memref_slice %arg2[%add3A_41] : memref<16777216xf32, #tpu.memory_space<hbm>> -> memref<4096xf32, #tpu.memory_space<hbm>>
    %dma_start3A_58 = arith.constant 8192 : i32
    %dma_start3A_59 = tpu.memref_slice %arg5[%dma_start3A_58] : memref<16384xf32, #tpu.memory_space<vmem>> -> memref<4096xf32, #tpu.memory_space<vmem>>
    %dma_start3A_60 = tpu.memref_slice %arg2[%add3A_41] : memref<16777216xf32, #tpu.memory_space<hbm>> -> memref<4096xf32, #tpu.memory_space<hbm>>
    tpu.enqueue_dma source(%dma_start3A_60 : memref<4096xf32, #tpu.memory_space<hbm>>) target(%dma_start3A_59 : memref<4096xf32, #tpu.memory_space<vmem>>) target_semaphore(%arg15 : memref<!tpu.dma_semaphore, #tpu.memory_space<semaphore_mem>>)
    %dma_start3A_61 = arith.constant 12288 : i32
    %dma_start3A_62 = tpu.memref_slice %arg5[%dma_start3A_61] : memref<16384xf32, #tpu.memory_space<vmem>> -> memref<4096xf32, #tpu.memory_space<vmem>>
    %dma_start3A_63 = tpu.memref_slice %arg2[%add3A_43] : memref<16777216xf32, #tpu.memory_space<hbm>> -> memref<4096xf32, #tpu.memory_space<hbm>>
    %dma_start3A_64 = arith.constant 12288 : i32
    %dma_start3A_65 = tpu.memref_slice %arg5[%dma_start3A_64] : memref<16384xf32, #tpu.memory_space<vmem>> -> memref<4096xf32, #tpu.memory_space<vmem>>
    %dma_start3A_66 = tpu.memref_slice %arg2[%add3A_43] : memref<16777216xf32, #tpu.memory_space<hbm>> -> memref<4096xf32, #tpu.memory_space<hbm>>
    tpu.enqueue_dma source(%dma_start3A_66 : memref<4096xf32, #tpu.memory_space<hbm>>) target(%dma_start3A_65 : memref<4096xf32, #tpu.memory_space<vmem>>) target_semaphore(%arg15 : memref<!tpu.dma_semaphore, #tpu.memory_space<semaphore_mem>>)
    %add3A_67 = arith.constant 0 : i32
    %add3A_68 = arith.addi %mul3A_2, %add3A_67 : i32
    %mul3A_69 = arith.constant 16384 : i32
    %mul3A_70 = arith.muli %add3A_68, %mul3A_69 : i32
    %add3A_71 = arith.constant 4096 : i32
    %add3A_72 = arith.addi %mul3A_70, %add3A_71 : i32
    %add3A_73 = arith.constant 0 : i32
    %add3A_74 = arith.addi %add3A_73, %add3A_72 : i32
    %add3A_75 = arith.constant 4194304 : i32
    %add3A_76 = arith.addi %add3A_75, %add3A_72 : i32
    %add3A_77 = arith.constant 8388608 : i32
    %add3A_78 = arith.addi %add3A_77, %add3A_72 : i32
    %add3A_79 = arith.constant 12582912 : i32
    %add3A_80 = arith.addi %add3A_79, %add3A_72 : i32
    %dma_start3A_81 = arith.constant 0 : i32
    %dma_start3A_82 = tpu.memref_slice %arg6[%dma_start3A_81] : memref<16384xf32, #tpu.memory_space<vmem>> -> memref<4096xf32, #tpu.memory_space<vmem>>
    %dma_start3A_83 = tpu.memref_slice %arg2[%add3A_74] : memref<16777216xf32, #tpu.memory_space<hbm>> -> memref<4096xf32, #tpu.memory_space<hbm>>
    %dma_start3A_84 = arith.constant 0 : i32
    %dma_start3A_85 = tpu.memref_slice %arg6[%dma_start3A_84] : memref<16384xf32, #tpu.memory_space<vmem>> -> memref<4096xf32, #tpu.memory_space<vmem>>
    %dma_start3A_86 = tpu.memref_slice %arg2[%add3A_74] : memref<16777216xf32, #tpu.memory_space<hbm>> -> memref<4096xf32, #tpu.memory_space<hbm>>
    tpu.enqueue_dma source(%dma_start3A_86 : memref<4096xf32, #tpu.memory_space<hbm>>) target(%dma_start3A_85 : memref<4096xf32, #tpu.memory_space<vmem>>) target_semaphore(%arg16 : memref<!tpu.dma_semaphore, #tpu.memory_space<semaphore_mem>>)
    %dma_start3A_87 = arith.constant 4096 : i32
    %dma_start3A_88 = tpu.memref_slice %arg6[%dma_start3A_87] : memref<16384xf32, #tpu.memory_space<vmem>> -> memref<4096xf32, #tpu.memory_space<vmem>>
    %dma_start3A_89 = tpu.memref_slice %arg2[%add3A_76] : memref<16777216xf32, #tpu.memory_space<hbm>> -> memref<4096xf32, #tpu.memory_space<hbm>>
    %dma_start3A_90 = arith.constant 4096 : i32
    %dma_start3A_91 = tpu.memref_slice %arg6[%dma_start3A_90] : memref<16384xf32, #tpu.memory_space<vmem>> -> memref<4096xf32, #tpu.memory_space<vmem>>
    %dma_start3A_92 = tpu.memref_slice %arg2[%add3A_76] : memref<16777216xf32, #tpu.memory_space<hbm>> -> memref<4096xf32, #tpu.memory_space<hbm>>
    tpu.enqueue_dma source(%dma_start3A_92 : memref<4096xf32, #tpu.memory_space<hbm>>) target(%dma_start3A_91 : memref<4096xf32, #tpu.memory_space<vmem>>) target_semaphore(%arg16 : memref<!tpu.dma_semaphore, #tpu.memory_space<semaphore_mem>>)
    %dma_start3A_93 = arith.constant 8192 : i32
    %dma_start3A_94 = tpu.memref_slice %arg6[%dma_start3A_93] : memref<16384xf32, #tpu.memory_space<vmem>> -> memref<4096xf32, #tpu.memory_space<vmem>>
    %dma_start3A_95 = tpu.memref_slice %arg2[%add3A_78] : memref<16777216xf32, #tpu.memory_space<hbm>> -> memref<4096xf32, #tpu.memory_space<hbm>>
    %dma_start3A_96 = arith.constant 8192 : i32
    %dma_start3A_97 = tpu.memref_slice %arg6[%dma_start3A_96] : memref<16384xf32, #tpu.memory_space<vmem>> -> memref<4096xf32, #tpu.memory_space<vmem>>
    %dma_start3A_98 = tpu.memref_slice %arg2[%add3A_78] : memref<16777216xf32, #tpu.memory_space<hbm>> -> memref<4096xf32, #tpu.memory_space<hbm>>
    tpu.enqueue_dma source(%dma_start3A_98 : memref<4096xf32, #tpu.memory_space<hbm>>) target(%dma_start3A_97 : memref<4096xf32, #tpu.memory_space<vmem>>) target_semaphore(%arg16 : memref<!tpu.dma_semaphore, #tpu.memory_space<semaphore_mem>>)
    %dma_start3A_99 = arith.constant 12288 : i32
    %dma_start3A_100 = tpu.memref_slice %arg6[%dma_start3A_99] : memref<16384xf32, #tpu.memory_space<vmem>> -> memref<4096xf32, #tpu.memory_space<vmem>>
    %dma_start3A_101 = tpu.memref_slice %arg2[%add3A_80] : memref<16777216xf32, #tpu.memory_space<hbm>> -> memref<4096xf32, #tpu.memory_space<hbm>>
    %dma_start3A_102 = arith.constant 12288 : i32
    %dma_start3A_103 = tpu.memref_slice %arg6[%dma_start3A_102] : memref<16384xf32, #tpu.memory_space<vmem>> -> memref<4096xf32, #tpu.memory_space<vmem>>
    %dma_start3A_104 = tpu.memref_slice %arg2[%add3A_80] : memref<16777216xf32, #tpu.memory_space<hbm>> -> memref<4096xf32, #tpu.memory_space<hbm>>
    tpu.enqueue_dma source(%dma_start3A_104 : memref<4096xf32, #tpu.memory_space<hbm>>) target(%dma_start3A_103 : memref<4096xf32, #tpu.memory_space<vmem>>) target_semaphore(%arg16 : memref<!tpu.dma_semaphore, #tpu.memory_space<semaphore_mem>>)
    %scan3A_105 = arith.constant 0 : i32
    %scan3A_106 = arith.constant 0 : i32
    %scan3A_107 = arith.constant 16 : i32
    %scan3A_108 = arith.addi %scan3A_106, %scan3A_107 : i32
    %scan3A_109 = arith.constant 1 : i32
    scf.for %scan3A_162 = %scan3A_106 to %scan3A_108 step %scan3A_109  : i32 {
      %mul3A_163 = arith.constant 2 : i32
      %mul3A_164 = arith.muli %mul3A_163, %scan3A_162 : i32
      %add3A_165 = arith.constant 0 : i32
      %add3A_166 = arith.addi %mul3A_164, %add3A_165 : i32
      %jit3A = arith.constant 4 : i32
      %div3A = arith.divsi %add3A_166, %jit3A : i32
      %sign3A = arith.constant 0 : i32
      %sign3A_167 = arith.cmpi sgt, %add3A_166, %sign3A : i32
      %sign3A_168 = arith.extui %sign3A_167 : i1 to i32
      %sign3A_169 = arith.constant 0 : i32
      %sign3A_170 = arith.cmpi slt, %add3A_166, %sign3A_169 : i32
      %sign3A_171 = arith.extui %sign3A_170 : i1 to i32
      %sign3A_172 = arith.subi %sign3A_168, %sign3A_171 : i32
      %sign3A_173 = arith.constant 0 : i32
      %sign3A_174 = arith.cmpi sgt, %jit3A, %sign3A_173 : i32
      %sign3A_175 = arith.extui %sign3A_174 : i1 to i32
      %sign3A_176 = arith.constant 0 : i32
      %sign3A_177 = arith.cmpi slt, %jit3A, %sign3A_176 : i32
      %sign3A_178 = arith.extui %sign3A_177 : i1 to i32
      %sign3A_179 = arith.subi %sign3A_175, %sign3A_178 : i32
      %ne3A = arith.cmpi ne, %sign3A_172, %sign3A_179 : i32
      %rem3A = arith.remsi %add3A_166, %jit3A : i32
      %ne3A_180 = arith.constant 0 : i32
      %ne3A_181 = arith.cmpi ne, %rem3A, %ne3A_180 : i32
      %and3A = arith.andi %ne3A, %ne3A_181 : i1
      %sub3A = arith.constant 1 : i32
      %sub3A_182 = arith.subi %div3A, %sub3A : i32
      %select_n3A = arith.select %and3A, %sub3A_182, %div3A : i32
      %add3A_183 = arith.addi %mul3A_2, %select_n3A : i32
      %jit3A_184 = arith.constant 4 : i32
      %eq3A = arith.constant 0 : i32
      %eq3A_185 = arith.cmpi eq, %jit3A_184, %eq3A : i32
      %jit3A_186 = arith.constant 1 : i32
      %select_n3A_187 = arith.select %eq3A_185, %jit3A_186, %jit3A_184 : i32
      %rem3A_188 = arith.remsi %add3A_166, %select_n3A_187 : i32
      %ne3A_189 = arith.constant 0 : i32
      %ne3A_190 = arith.cmpi ne, %rem3A_188, %ne3A_189 : i32
      %lt3A = arith.constant 0 : i32
      %lt3A_191 = arith.cmpi slt, %rem3A_188, %lt3A : i32
      %lt3A_192 = arith.constant 0 : i32
      %lt3A_193 = arith.cmpi slt, %select_n3A_187, %lt3A_192 : i32
      %ne3A_194 = arith.xori %lt3A_191, %lt3A_193 : i1
      %and3A_195 = arith.andi %ne3A_194, %ne3A_190 : i1
      %add3A_196 = arith.addi %rem3A_188, %select_n3A_187 : i32
      %select_n3A_197 = arith.select %and3A_195, %add3A_196, %rem3A_188 : i32
      %mul3A_198 = arith.constant 16384 : i32
      %mul3A_199 = arith.muli %add3A_183, %mul3A_198 : i32
      %mul3A_200 = arith.constant 4096 : i32
      %mul3A_201 = arith.muli %select_n3A_197, %mul3A_200 : i32
      %add3A_202 = arith.addi %mul3A_199, %mul3A_201 : i32
      %add3A_203 = arith.constant 0 : i32
      %add3A_204 = arith.addi %add3A_203, %add3A_202 : i32
      %add3A_205 = arith.constant 4194304 : i32
      %add3A_206 = arith.addi %add3A_205, %add3A_202 : i32
      %add3A_207 = arith.constant 8388608 : i32
      %add3A_208 = arith.addi %add3A_207, %add3A_202 : i32
      %add3A_209 = arith.constant 12582912 : i32
      %add3A_210 = arith.addi %add3A_209, %add3A_202 : i32
      %dma_wait3A_211 = arith.constant 0 : i32
      %dma_wait3A_212 = tpu.memref_slice %arg5[%dma_wait3A_211] : memref<16384xf32, #tpu.memory_space<vmem>> -> memref<4096xf32, #tpu.memory_space<vmem>>
      %dma_wait3A_213 = tpu.memref_slice %arg2[%add3A_204] : memref<16777216xf32, #tpu.memory_space<hbm>> -> memref<4096xf32, #tpu.memory_space<hbm>>
      %dma_wait3A_214 = arith.constant 0 : i32
      %dma_wait3A_215 = tpu.memref_slice %arg5[%dma_wait3A_214] : memref<16384xf32, #tpu.memory_space<vmem>> -> memref<4096xf32, #tpu.memory_space<vmem>>
      %dma_wait3A_216 = tpu.memref_slice %arg2[%add3A_204] : memref<16777216xf32, #tpu.memory_space<hbm>> -> memref<4096xf32, #tpu.memory_space<hbm>>
      tpu.wait_dma2 semaphore(%arg15 : memref<!tpu.dma_semaphore, #tpu.memory_space<semaphore_mem>>) src(%dma_wait3A_216 : memref<4096xf32, #tpu.memory_space<hbm>>) dst(%dma_wait3A_215 : memref<4096xf32, #tpu.memory_space<vmem>>)
      %dma_wait3A_217 = arith.constant 4096 : i32
      %dma_wait3A_218 = tpu.memref_slice %arg5[%dma_wait3A_217] : memref<16384xf32, #tpu.memory_space<vmem>> -> memref<4096xf32, #tpu.memory_space<vmem>>
      %dma_wait3A_219 = tpu.memref_slice %arg2[%add3A_206] : memref<16777216xf32, #tpu.memory_space<hbm>> -> memref<4096xf32, #tpu.memory_space<hbm>>
      %dma_wait3A_220 = arith.constant 4096 : i32
      %dma_wait3A_221 = tpu.memref_slice %arg5[%dma_wait3A_220] : memref<16384xf32, #tpu.memory_space<vmem>> -> memref<4096xf32, #tpu.memory_space<vmem>>
      %dma_wait3A_222 = tpu.memref_slice %arg2[%add3A_206] : memref<16777216xf32, #tpu.memory_space<hbm>> -> memref<4096xf32, #tpu.memory_space<hbm>>
      tpu.wait_dma2 semaphore(%arg15 : memref<!tpu.dma_semaphore, #tpu.memory_space<semaphore_mem>>) src(%dma_wait3A_222 : memref<4096xf32, #tpu.memory_space<hbm>>) dst(%dma_wait3A_221 : memref<4096xf32, #tpu.memory_space<vmem>>)
      %dma_wait3A_223 = arith.constant 8192 : i32
      %dma_wait3A_224 = tpu.memref_slice %arg5[%dma_wait3A_223] : memref<16384xf32, #tpu.memory_space<vmem>> -> memref<4096xf32, #tpu.memory_space<vmem>>
      %dma_wait3A_225 = tpu.memref_slice %arg2[%add3A_208] : memref<16777216xf32, #tpu.memory_space<hbm>> -> memref<4096xf32, #tpu.memory_space<hbm>>
      %dma_wait3A_226 = arith.constant 8192 : i32
      %dma_wait3A_227 = tpu.memref_slice %arg5[%dma_wait3A_226] : memref<16384xf32, #tpu.memory_space<vmem>> -> memref<4096xf32, #tpu.memory_space<vmem>>
      %dma_wait3A_228 = tpu.memref_slice %arg2[%add3A_208] : memref<16777216xf32, #tpu.memory_space<hbm>> -> memref<4096xf32, #tpu.memory_space<hbm>>
      tpu.wait_dma2 semaphore(%arg15 : memref<!tpu.dma_semaphore, #tpu.memory_space<semaphore_mem>>) src(%dma_wait3A_228 : memref<4096xf32, #tpu.memory_space<hbm>>) dst(%dma_wait3A_227 : memref<4096xf32, #tpu.memory_space<vmem>>)
      %dma_wait3A_229 = arith.constant 12288 : i32
      %dma_wait3A_230 = tpu.memref_slice %arg5[%dma_wait3A_229] : memref<16384xf32, #tpu.memory_space<vmem>> -> memref<4096xf32, #tpu.memory_space<vmem>>
      %dma_wait3A_231 = tpu.memref_slice %arg2[%add3A_210] : memref<16777216xf32, #tpu.memory_space<hbm>> -> memref<4096xf32, #tpu.memory_space<hbm>>
      %dma_wait3A_232 = arith.constant 12288 : i32
      %dma_wait3A_233 = tpu.memref_slice %arg5[%dma_wait3A_232] : memref<16384xf32, #tpu.memory_space<vmem>> -> memref<4096xf32, #tpu.memory_space<vmem>>
      %dma_wait3A_234 = tpu.memref_slice %arg2[%add3A_210] : memref<16777216xf32, #tpu.memory_space<hbm>> -> memref<4096xf32, #tpu.memory_space<hbm>>
      tpu.wait_dma2 semaphore(%arg15 : memref<!tpu.dma_semaphore, #tpu.memory_space<semaphore_mem>>) src(%dma_wait3A_234 : memref<4096xf32, #tpu.memory_space<hbm>>) dst(%dma_wait3A_233 : memref<4096xf32, #tpu.memory_space<vmem>>)
      %ge3A = arith.constant 1 : i32
      %ge3A_235 = arith.cmpi sge, %scan3A_162, %ge3A : i32
      %convert_element_type3A = arith.extui %ge3A_235 : i1 to i32
      %cond3A = arith.constant 0 : i32
      %cond3A_236 = arith.cmpi ne, %convert_element_type3A, %cond3A : i32
      scf.if %cond3A_236 {
        %sub3A_480 = arith.constant 2 : i32
        %sub3A_481 = arith.subi %add3A_166, %sub3A_480 : i32
        %jit3A_482 = arith.constant 4 : i32
        %div3A_483 = arith.divsi %sub3A_481, %jit3A_482 : i32
        %sign3A_484 = arith.constant 0 : i32
        %sign3A_485 = arith.cmpi sgt, %sub3A_481, %sign3A_484 : i32
        %sign3A_486 = arith.extui %sign3A_485 : i1 to i32
        %sign3A_487 = arith.constant 0 : i32
        %sign3A_488 = arith.cmpi slt, %sub3A_481, %sign3A_487 : i32
        %sign3A_489 = arith.extui %sign3A_488 : i1 to i32
        %sign3A_490 = arith.subi %sign3A_486, %sign3A_489 : i32
        %sign3A_491 = arith.constant 0 : i32
        %sign3A_492 = arith.cmpi sgt, %jit3A_482, %sign3A_491 : i32
        %sign3A_493 = arith.extui %sign3A_492 : i1 to i32
        %sign3A_494 = arith.constant 0 : i32
        %sign3A_495 = arith.cmpi slt, %jit3A_482, %sign3A_494 : i32
        %sign3A_496 = arith.extui %sign3A_495 : i1 to i32
        %sign3A_497 = arith.subi %sign3A_493, %sign3A_496 : i32
        %ne3A_498 = arith.cmpi ne, %sign3A_490, %sign3A_497 : i32
        %rem3A_499 = arith.remsi %sub3A_481, %jit3A_482 : i32
        %ne3A_500 = arith.constant 0 : i32
        %ne3A_501 = arith.cmpi ne, %rem3A_499, %ne3A_500 : i32
        %and3A_502 = arith.andi %ne3A_498, %ne3A_501 : i1
        %sub3A_503 = arith.constant 1 : i32
        %sub3A_504 = arith.subi %div3A_483, %sub3A_503 : i32
        %select_n3A_505 = arith.select %and3A_502, %sub3A_504, %div3A_483 : i32
        %add3A_506 = arith.addi %mul3A_2, %select_n3A_505 : i32
        %jit3A_507 = arith.constant 4 : i32
        %eq3A_508 = arith.constant 0 : i32
        %eq3A_509 = arith.cmpi eq, %jit3A_507, %eq3A_508 : i32
        %jit3A_510 = arith.constant 1 : i32
        %select_n3A_511 = arith.select %eq3A_509, %jit3A_510, %jit3A_507 : i32
        %rem3A_512 = arith.remsi %sub3A_481, %select_n3A_511 : i32
        %ne3A_513 = arith.constant 0 : i32
        %ne3A_514 = arith.cmpi ne, %rem3A_512, %ne3A_513 : i32
        %lt3A_515 = arith.constant 0 : i32
        %lt3A_516 = arith.cmpi slt, %rem3A_512, %lt3A_515 : i32
        %lt3A_517 = arith.constant 0 : i32
        %lt3A_518 = arith.cmpi slt, %select_n3A_511, %lt3A_517 : i32
        %ne3A_519 = arith.xori %lt3A_516, %lt3A_518 : i1
        %and3A_520 = arith.andi %ne3A_519, %ne3A_514 : i1
        %add3A_521 = arith.addi %rem3A_512, %select_n3A_511 : i32
        %select_n3A_522 = arith.select %and3A_520, %add3A_521, %rem3A_512 : i32
        %mul3A_523 = arith.constant 2 : i32
        %mul3A_524 = arith.muli %mul3A_523, %add3A_506 : i32
        %add3A_525 = arith.constant 0 : i32
        %add3A_526 = arith.addi %mul3A_524, %add3A_525 : i32
        %mul3A_527 = arith.constant 32768 : i32
        %mul3A_528 = arith.muli %add3A_526, %mul3A_527 : i32
        %mul3A_529 = arith.constant 8192 : i32
        %mul3A_530 = arith.muli %select_n3A_522, %mul3A_529 : i32
        %add3A_531 = arith.addi %mul3A_528, %mul3A_530 : i32
        %mul3A_532 = arith.constant 2 : i32
        %mul3A_533 = arith.muli %mul3A_532, %add3A_506 : i32
        %add3A_534 = arith.constant 1 : i32
        %add3A_535 = arith.addi %mul3A_533, %add3A_534 : i32
        %mul3A_536 = arith.constant 32768 : i32
        %mul3A_537 = arith.muli %add3A_535, %mul3A_536 : i32
        %mul3A_538 = arith.constant 8192 : i32
        %mul3A_539 = arith.muli %select_n3A_522, %mul3A_538 : i32
        %add3A_540 = arith.addi %mul3A_537, %mul3A_539 : i32
        %dma_wait3A_541 = tpu.memref_slice %arg3[%add3A_531] : memref<16777216xf32, #tpu.memory_space<hbm>> -> memref<8192xf32, #tpu.memory_space<hbm>>
        %dma_wait3A_542 = tpu.memref_slice %arg3[%add3A_531] : memref<16777216xf32, #tpu.memory_space<hbm>> -> memref<8192xf32, #tpu.memory_space<hbm>>
        tpu.wait_dma2 semaphore(%arg17 : memref<!tpu.dma_semaphore, #tpu.memory_space<semaphore_mem>>) src(%arg7 : memref<8192xf32, #tpu.memory_space<vmem>>) dst(%dma_wait3A_542 : memref<8192xf32, #tpu.memory_space<hbm>>)
        %dma_wait3A_543 = tpu.memref_slice %arg4[%add3A_531] : memref<16777216xf32, #tpu.memory_space<hbm>> -> memref<8192xf32, #tpu.memory_space<hbm>>
        %dma_wait3A_544 = tpu.memref_slice %arg4[%add3A_531] : memref<16777216xf32, #tpu.memory_space<hbm>> -> memref<8192xf32, #tpu.memory_space<hbm>>
        tpu.wait_dma2 semaphore(%arg17 : memref<!tpu.dma_semaphore, #tpu.memory_space<semaphore_mem>>) src(%arg11 : memref<8192xf32, #tpu.memory_space<vmem>>) dst(%dma_wait3A_544 : memref<8192xf32, #tpu.memory_space<hbm>>)
        %dma_wait3A_545 = tpu.memref_slice %arg3[%add3A_540] : memref<16777216xf32, #tpu.memory_space<hbm>> -> memref<8192xf32, #tpu.memory_space<hbm>>
        %dma_wait3A_546 = tpu.memref_slice %arg3[%add3A_540] : memref<16777216xf32, #tpu.memory_space<hbm>> -> memref<8192xf32, #tpu.memory_space<hbm>>
        tpu.wait_dma2 semaphore(%arg17 : memref<!tpu.dma_semaphore, #tpu.memory_space<semaphore_mem>>) src(%arg8 : memref<8192xf32, #tpu.memory_space<vmem>>) dst(%dma_wait3A_546 : memref<8192xf32, #tpu.memory_space<hbm>>)
        %dma_wait3A_547 = tpu.memref_slice %arg4[%add3A_540] : memref<16777216xf32, #tpu.memory_space<hbm>> -> memref<8192xf32, #tpu.memory_space<hbm>>
        %dma_wait3A_548 = tpu.memref_slice %arg4[%add3A_540] : memref<16777216xf32, #tpu.memory_space<hbm>> -> memref<8192xf32, #tpu.memory_space<hbm>>
        tpu.wait_dma2 semaphore(%arg17 : memref<!tpu.dma_semaphore, #tpu.memory_space<semaphore_mem>>) src(%arg12 : memref<8192xf32, #tpu.memory_space<vmem>>) dst(%dma_wait3A_548 : memref<8192xf32, #tpu.memory_space<hbm>>)
      } else {
      }
      %scan3A_237 = arith.constant 0 : i32
      %scan3A_238 = arith.constant 0 : i32
      %scan3A_239 = arith.constant 32 : i32
      %scan3A_240 = arith.addi %scan3A_238, %scan3A_239 : i32
      %scan3A_241 = arith.constant 1 : i32
      scf.for %scan3A_480 = %scan3A_238 to %scan3A_240 step %scan3A_241  : i32 {
        %jit3A_481 = arith.constant 8 : i32
        %div3A_482 = arith.divsi %scan3A_480, %jit3A_481 : i32
        %sign3A_483 = arith.constant 0 : i32
        %sign3A_484 = arith.cmpi sgt, %scan3A_480, %sign3A_483 : i32
        %sign3A_485 = arith.extui %sign3A_484 : i1 to i32
        %sign3A_486 = arith.constant 0 : i32
        %sign3A_487 = arith.cmpi slt, %scan3A_480, %sign3A_486 : i32
        %sign3A_488 = arith.extui %sign3A_487 : i1 to i32
        %sign3A_489 = arith.subi %sign3A_485, %sign3A_488 : i32
        %sign3A_490 = arith.constant 0 : i32
        %sign3A_491 = arith.cmpi sgt, %jit3A_481, %sign3A_490 : i32
        %sign3A_492 = arith.extui %sign3A_491 : i1 to i32
        %sign3A_493 = arith.constant 0 : i32
        %sign3A_494 = arith.cmpi slt, %jit3A_481, %sign3A_493 : i32
        %sign3A_495 = arith.extui %sign3A_494 : i1 to i32
        %sign3A_496 = arith.subi %sign3A_492, %sign3A_495 : i32
        %ne3A_497 = arith.cmpi ne, %sign3A_489, %sign3A_496 : i32
        %rem3A_498 = arith.remsi %scan3A_480, %jit3A_481 : i32
        %ne3A_499 = arith.constant 0 : i32
        %ne3A_500 = arith.cmpi ne, %rem3A_498, %ne3A_499 : i32
        %and3A_501 = arith.andi %ne3A_497, %ne3A_500 : i1
        %sub3A_502 = arith.constant 1 : i32
        %sub3A_503 = arith.subi %div3A_482, %sub3A_502 : i32
        %select_n3A_504 = arith.select %and3A_501, %sub3A_503, %div3A_482 : i32
        %jit3A_505 = arith.constant 8 : i32
        %eq3A_506 = arith.constant 0 : i32
        %eq3A_507 = arith.cmpi eq, %jit3A_505, %eq3A_506 : i32
        %jit3A_508 = arith.constant 1 : i32
        %select_n3A_509 = arith.select %eq3A_507, %jit3A_508, %jit3A_505 : i32
        %rem3A_510 = arith.remsi %scan3A_480, %select_n3A_509 : i32
        %ne3A_511 = arith.constant 0 : i32
        %ne3A_512 = arith.cmpi ne, %rem3A_510, %ne3A_511 : i32
        %lt3A_513 = arith.constant 0 : i32
        %lt3A_514 = arith.cmpi slt, %rem3A_510, %lt3A_513 : i32
        %lt3A_515 = arith.constant 0 : i32
        %lt3A_516 = arith.cmpi slt, %select_n3A_509, %lt3A_515 : i32
        %ne3A_517 = arith.xori %lt3A_514, %lt3A_516 : i1
        %and3A_518 = arith.andi %ne3A_517, %ne3A_512 : i1
        %add3A_519 = arith.addi %rem3A_510, %select_n3A_509 : i32
        %select_n3A_520 = arith.select %and3A_518, %add3A_519, %rem3A_510 : i32
        %mul3A_521 = arith.constant 16 : i32
        %mul3A_522 = arith.muli %select_n3A_520, %mul3A_521 : i32
        %mul3A_523 = arith.constant 1024 : i32
        %mul3A_524 = arith.muli %select_n3A_504, %mul3A_523 : i32
        %add3A_525 = arith.addi %mul3A_524, %mul3A_522 : i32
        %jit3A_526 = arith.constant 4 : i32
        %div3A_527 = arith.divsi %scan3A_480, %jit3A_526 : i32
        %sign3A_528 = arith.constant 0 : i32
        %sign3A_529 = arith.cmpi sgt, %scan3A_480, %sign3A_528 : i32
        %sign3A_530 = arith.extui %sign3A_529 : i1 to i32
        %sign3A_531 = arith.constant 0 : i32
        %sign3A_532 = arith.cmpi slt, %scan3A_480, %sign3A_531 : i32
        %sign3A_533 = arith.extui %sign3A_532 : i1 to i32
        %sign3A_534 = arith.subi %sign3A_530, %sign3A_533 : i32
        %sign3A_535 = arith.constant 0 : i32
        %sign3A_536 = arith.cmpi sgt, %jit3A_526, %sign3A_535 : i32
        %sign3A_537 = arith.extui %sign3A_536 : i1 to i32
        %sign3A_538 = arith.constant 0 : i32
        %sign3A_539 = arith.cmpi slt, %jit3A_526, %sign3A_538 : i32
        %sign3A_540 = arith.extui %sign3A_539 : i1 to i32
        %sign3A_541 = arith.subi %sign3A_537, %sign3A_540 : i32
        %ne3A_542 = arith.cmpi ne, %sign3A_534, %sign3A_541 : i32
        %rem3A_543 = arith.remsi %scan3A_480, %jit3A_526 : i32
        %ne3A_544 = arith.constant 0 : i32
        %ne3A_545 = arith.cmpi ne, %rem3A_543, %ne3A_544 : i32
        %and3A_546 = arith.andi %ne3A_542, %ne3A_545 : i1
        %sub3A_547 = arith.constant 1 : i32
        %sub3A_548 = arith.subi %div3A_527, %sub3A_547 : i32
        %select_n3A_549 = arith.select %and3A_546, %sub3A_548, %div3A_527 : i32
        %mul3A_550 = arith.constant 32 : i32
        %mul3A_551 = arith.muli %scan3A_480, %mul3A_550 : i32
        %jit3A_552 = arith.constant 128 : i32
        %eq3A_553 = arith.constant 0 : i32
        %eq3A_554 = arith.cmpi eq, %jit3A_552, %eq3A_553 : i32
        %jit3A_555 = arith.constant 1 : i32
        %select_n3A_556 = arith.select %eq3A_554, %jit3A_555, %jit3A_552 : i32
        %rem3A_557 = arith.remsi %mul3A_551, %select_n3A_556 : i32
        %ne3A_558 = arith.constant 0 : i32
        %ne3A_559 = arith.cmpi ne, %rem3A_557, %ne3A_558 : i32
        %lt3A_560 = arith.constant 0 : i32
        %lt3A_561 = arith.cmpi slt, %rem3A_557, %lt3A_560 : i32
        %lt3A_562 = arith.constant 0 : i32
        %lt3A_563 = arith.cmpi slt, %select_n3A_556, %lt3A_562 : i32
        %ne3A_564 = arith.xori %lt3A_561, %lt3A_563 : i1
        %and3A_565 = arith.andi %ne3A_564, %ne3A_559 : i1
        %add3A_566 = arith.addi %rem3A_557, %select_n3A_556 : i32
        %select_n3A_567 = arith.select %and3A_565, %add3A_566, %rem3A_557 : i32
        %mul3A_568 = arith.constant 1024 : i32
        %mul3A_569 = arith.muli %select_n3A_549, %mul3A_568 : i32
        %add3A_570 = arith.addi %mul3A_569, %select_n3A_567 : i32
        %add3A_571 = arith.constant 0 : i32
        %add3A_572 = arith.addi %add3A_571, %add3A_525 : i32
        %add3A_573 = arith.constant 0 : i32
        %add3A_574 = arith.addi %add3A_572, %add3A_573 : i32
        %get3A = arith.index_cast %add3A_574 : i32 to index
        %get3A_575 = tpu.vector_load %arg5[%get3A] {strides = array<i32>} : memref<16384xf32, #tpu.memory_space<vmem>>, vector<16xf32>,
        %add3A_576 = arith.constant 4096 : i32
        %add3A_577 = arith.addi %add3A_576, %add3A_525 : i32
        %add3A_578 = arith.constant 0 : i32
        %add3A_579 = arith.addi %add3A_577, %add3A_578 : i32
        %get3A_580 = arith.index_cast %add3A_579 : i32 to index
        %get3A_581 = tpu.vector_load %arg5[%get3A_580] {strides = array<i32>} : memref<16384xf32, #tpu.memory_space<vmem>>, vector<16xf32>,
        %add3A_582 = arith.constant 8192 : i32
        %add3A_583 = arith.addi %add3A_582, %add3A_525 : i32
        %add3A_584 = arith.constant 0 : i32
        %add3A_585 = arith.addi %add3A_583, %add3A_584 : i32
        %get3A_586 = arith.index_cast %add3A_585 : i32 to index
        %get3A_587 = tpu.vector_load %arg5[%get3A_586] {strides = array<i32>} : memref<16384xf32, #tpu.memory_space<vmem>>, vector<16xf32>,
        %add3A_588 = arith.constant 12288 : i32
        %add3A_589 = arith.addi %add3A_588, %add3A_525 : i32
        %add3A_590 = arith.constant 0 : i32
        %add3A_591 = arith.addi %add3A_589, %add3A_590 : i32
        %get3A_592 = arith.index_cast %add3A_591 : i32 to index
        %get3A_593 = tpu.vector_load %arg5[%get3A_592] {strides = array<i32>} : memref<16384xf32, #tpu.memory_space<vmem>>, vector<16xf32>,
        %add3A_594 = arith.constant 0 : i32
        %add3A_595 = arith.addi %add3A_570, %add3A_594 : i32
        %add3A_596 = vector.broadcast %add3A_595 : i32 to vector<16xi32>
        %add3A_597 = arith.addi %mul3A_5, %add3A_596 : vector<16xi32>
        %add3A_598 = arith.constant 1 : i32
        %add3A_599 = vector.broadcast %add3A_598 : i32 to vector<16xi32>
        %add3A_600 = arith.addi %add3A_597, %add3A_599 : vector<16xi32>
        %add3A_601 = arith.constant 128 : i32
        %add3A_602 = arith.addi %add3A_570, %add3A_601 : i32
        %add3A_603 = vector.broadcast %add3A_602 : i32 to vector<16xi32>
        %add3A_604 = arith.addi %mul3A_5, %add3A_603 : vector<16xi32>
        %add3A_605 = arith.constant 1 : i32
        %add3A_606 = vector.broadcast %add3A_605 : i32 to vector<16xi32>
        %add3A_607 = arith.addi %add3A_604, %add3A_606 : vector<16xi32>
        tpu.vector_store_idx %arg7[%add3A_597], %get3A_575 : memref<8192xf32, #tpu.memory_space<vmem>>[vector<16xi32>], vector<16xf32>,
        tpu.vector_store_idx %arg7[%add3A_600], %get3A_587 : memref<8192xf32, #tpu.memory_space<vmem>>[vector<16xi32>], vector<16xf32>,
        tpu.vector_store_idx %arg7[%add3A_604], %get3A_581 : memref<8192xf32, #tpu.memory_space<vmem>>[vector<16xi32>], vector<16xf32>,
        tpu.vector_store_idx %arg7[%add3A_607], %get3A_593 : memref<8192xf32, #tpu.memory_space<vmem>>[vector<16xi32>], vector<16xf32>,
        %add3A_608 = arith.addf %get3A_575, %get3A_581 : vector<16xf32>
        %add3A_609 = arith.constant 1.000000e+00 : f32
        %add3A_610 = vector.broadcast %add3A_609 : f32 to vector<16xf32>
        %add3A_611 = arith.addf %add3A_608, %add3A_610 : vector<16xf32>
        %add3A_612 = arith.constant 1.000000e+00 : f32
        %add3A_613 = vector.broadcast %add3A_612 : f32 to vector<16xf32>
        %add3A_614 = arith.addf %get3A_575, %add3A_613 : vector<16xf32>
        %mul3A_615 = arith.constant 5.000000e-01 : f32
        %mul3A_616 = vector.broadcast %mul3A_615 : f32 to vector<16xf32>
        %mul3A_617 = arith.mulf %add3A_614, %mul3A_616 : vector<16xf32>
        %mul3A_618 = arith.constant 0.333333343 : f32
        %mul3A_619 = vector.broadcast %mul3A_618 : f32 to vector<16xf32>
        %mul3A_620 = arith.mulf %add3A_611, %mul3A_619 : vector<16xf32>
        %add3A_621 = arith.addf %add3A_611, %get3A_587 : vector<16xf32>
        %mul3A_622 = arith.constant 2.500000e-01 : f32
        %mul3A_623 = vector.broadcast %mul3A_622 : f32 to vector<16xf32>
        %mul3A_624 = arith.mulf %add3A_621, %mul3A_623 : vector<16xf32>
        tpu.vector_store_idx %arg11[%add3A_600], %mul3A_620 : memref<8192xf32, #tpu.memory_space<vmem>>[vector<16xi32>], vector<16xf32>,
        tpu.vector_store_idx %arg11[%add3A_604], %mul3A_617 : memref<8192xf32, #tpu.memory_space<vmem>>[vector<16xi32>], vector<16xf32>,
        tpu.vector_store_idx %arg11[%add3A_607], %mul3A_624 : memref<8192xf32, #tpu.memory_space<vmem>>[vector<16xi32>], vector<16xf32>,
        %add3A_625 = arith.constant 0 : i32
        %add3A_626 = arith.addi %add3A_625, %add3A_525 : i32
        %add3A_627 = arith.constant 128 : i32
        %add3A_628 = arith.addi %add3A_626, %add3A_627 : i32
        %get3A_629 = arith.index_cast %add3A_628 : i32 to index
        %get3A_630 = tpu.vector_load %arg5[%get3A_629] {strides = array<i32>} : memref<16384xf32, #tpu.memory_space<vmem>>, vector<16xf32>,
        %add3A_631 = arith.constant 4096 : i32
        %add3A_632 = arith.addi %add3A_631, %add3A_525 : i32
        %add3A_633 = arith.constant 128 : i32
        %add3A_634 = arith.addi %add3A_632, %add3A_633 : i32
        %get3A_635 = arith.index_cast %add3A_634 : i32 to index
        %get3A_636 = tpu.vector_load %arg5[%get3A_635] {strides = array<i32>} : memref<16384xf32, #tpu.memory_space<vmem>>, vector<16xf32>,
        %add3A_637 = arith.constant 8192 : i32
        %add3A_638 = arith.addi %add3A_637, %add3A_525 : i32
        %add3A_639 = arith.constant 128 : i32
        %add3A_640 = arith.addi %add3A_638, %add3A_639 : i32
        %get3A_641 = arith.index_cast %add3A_640 : i32 to index
        %get3A_642 = tpu.vector_load %arg5[%get3A_641] {strides = array<i32>} : memref<16384xf32, #tpu.memory_space<vmem>>, vector<16xf32>,
        %add3A_643 = arith.constant 12288 : i32
        %add3A_644 = arith.addi %add3A_643, %add3A_525 : i32
        %add3A_645 = arith.constant 128 : i32
        %add3A_646 = arith.addi %add3A_644, %add3A_645 : i32
        %get3A_647 = arith.index_cast %add3A_646 : i32 to index
        %get3A_648 = tpu.vector_load %arg5[%get3A_647] {strides = array<i32>} : memref<16384xf32, #tpu.memory_space<vmem>>, vector<16xf32>,
        %add3A_649 = arith.constant 256 : i32
        %add3A_650 = arith.addi %add3A_570, %add3A_649 : i32
        %add3A_651 = vector.broadcast %add3A_650 : i32 to vector<16xi32>
        %add3A_652 = arith.addi %mul3A_5, %add3A_651 : vector<16xi32>
        %add3A_653 = arith.constant 1 : i32
        %add3A_654 = vector.broadcast %add3A_653 : i32 to vector<16xi32>
        %add3A_655 = arith.addi %add3A_652, %add3A_654 : vector<16xi32>
        %add3A_656 = arith.constant 384 : i32
        %add3A_657 = arith.addi %add3A_570, %add3A_656 : i32
        %add3A_658 = vector.broadcast %add3A_657 : i32 to vector<16xi32>
        %add3A_659 = arith.addi %mul3A_5, %add3A_658 : vector<16xi32>
        %add3A_660 = arith.constant 1 : i32
        %add3A_661 = vector.broadcast %add3A_660 : i32 to vector<16xi32>
        %add3A_662 = arith.addi %add3A_659, %add3A_661 : vector<16xi32>
        tpu.vector_store_idx %arg7[%add3A_652], %get3A_630 : memref<8192xf32, #tpu.memory_space<vmem>>[vector<16xi32>], vector<16xf32>,
        tpu.vector_store_idx %arg7[%add3A_655], %get3A_642 : memref<8192xf32, #tpu.memory_space<vmem>>[vector<16xi32>], vector<16xf32>,
        tpu.vector_store_idx %arg7[%add3A_659], %get3A_636 : memref<8192xf32, #tpu.memory_space<vmem>>[vector<16xi32>], vector<16xf32>,
        tpu.vector_store_idx %arg7[%add3A_662], %get3A_648 : memref<8192xf32, #tpu.memory_space<vmem>>[vector<16xi32>], vector<16xf32>,
        %add3A_663 = arith.addf %get3A_630, %get3A_636 : vector<16xf32>
        %add3A_664 = arith.constant 1.000000e+00 : f32
        %add3A_665 = vector.broadcast %add3A_664 : f32 to vector<16xf32>
        %add3A_666 = arith.addf %add3A_663, %add3A_665 : vector<16xf32>
        %add3A_667 = arith.constant 1.000000e+00 : f32
        %add3A_668 = vector.broadcast %add3A_667 : f32 to vector<16xf32>
        %add3A_669 = arith.addf %get3A_630, %add3A_668 : vector<16xf32>
        %mul3A_670 = arith.constant 5.000000e-01 : f32
        %mul3A_671 = vector.broadcast %mul3A_670 : f32 to vector<16xf32>
        %mul3A_672 = arith.mulf %add3A_669, %mul3A_671 : vector<16xf32>
        %mul3A_673 = arith.constant 0.333333343 : f32
        %mul3A_674 = vector.broadcast %mul3A_673 : f32 to vector<16xf32>
        %mul3A_675 = arith.mulf %add3A_666, %mul3A_674 : vector<16xf32>
        %add3A_676 = arith.addf %add3A_666, %get3A_642 : vector<16xf32>
        %mul3A_677 = arith.constant 2.500000e-01 : f32
        %mul3A_678 = vector.broadcast %mul3A_677 : f32 to vector<16xf32>
        %mul3A_679 = arith.mulf %add3A_676, %mul3A_678 : vector<16xf32>
        tpu.vector_store_idx %arg11[%add3A_655], %mul3A_675 : memref<8192xf32, #tpu.memory_space<vmem>>[vector<16xi32>], vector<16xf32>,
        tpu.vector_store_idx %arg11[%add3A_659], %mul3A_672 : memref<8192xf32, #tpu.memory_space<vmem>>[vector<16xi32>], vector<16xf32>,
        tpu.vector_store_idx %arg11[%add3A_662], %mul3A_679 : memref<8192xf32, #tpu.memory_space<vmem>>[vector<16xi32>], vector<16xf32>,
        %add3A_680 = arith.constant 0 : i32
        %add3A_681 = arith.addi %add3A_680, %add3A_525 : i32
        %add3A_682 = arith.constant 256 : i32
        %add3A_683 = arith.addi %add3A_681, %add3A_682 : i32
        %get3A_684 = arith.index_cast %add3A_683 : i32 to index
        %get3A_685 = tpu.vector_load %arg5[%get3A_684] {strides = array<i32>} : memref<16384xf32, #tpu.memory_space<vmem>>, vector<16xf32>,
        %add3A_686 = arith.constant 4096 : i32
        %add3A_687 = arith.addi %add3A_686, %add3A_525 : i32
        %add3A_688 = arith.constant 256 : i32
        %add3A_689 = arith.addi %add3A_687, %add3A_688 : i32
        %get3A_690 = arith.index_cast %add3A_689 : i32 to index
        %get3A_691 = tpu.vector_load %arg5[%get3A_690] {strides = array<i32>} : memref<16384xf32, #tpu.memory_space<vmem>>, vector<16xf32>,
        %add3A_692 = arith.constant 8192 : i32
        %add3A_693 = arith.addi %add3A_692, %add3A_525 : i32
        %add3A_694 = arith.constant 256 : i32
        %add3A_695 = arith.addi %add3A_693, %add3A_694 : i32
        %get3A_696 = arith.index_cast %add3A_695 : i32 to index
        %get3A_697 = tpu.vector_load %arg5[%get3A_696] {strides = array<i32>} : memref<16384xf32, #tpu.memory_space<vmem>>, vector<16xf32>,
        %add3A_698 = arith.constant 12288 : i32
        %add3A_699 = arith.addi %add3A_698, %add3A_525 : i32
        %add3A_700 = arith.constant 256 : i32
        %add3A_701 = arith.addi %add3A_699, %add3A_700 : i32
        %get3A_702 = arith.index_cast %add3A_701 : i32 to index
        %get3A_703 = tpu.vector_load %arg5[%get3A_702] {strides = array<i32>} : memref<16384xf32, #tpu.memory_space<vmem>>, vector<16xf32>,
        %add3A_704 = arith.constant 512 : i32
        %add3A_705 = arith.addi %add3A_570, %add3A_704 : i32
        %add3A_706 = vector.broadcast %add3A_705 : i32 to vector<16xi32>
        %add3A_707 = arith.addi %mul3A_5, %add3A_706 : vector<16xi32>
        %add3A_708 = arith.constant 1 : i32
        %add3A_709 = vector.broadcast %add3A_708 : i32 to vector<16xi32>
        %add3A_710 = arith.addi %add3A_707, %add3A_709 : vector<16xi32>
        %add3A_711 = arith.constant 640 : i32
        %add3A_712 = arith.addi %add3A_570, %add3A_711 : i32
        %add3A_713 = vector.broadcast %add3A_712 : i32 to vector<16xi32>
        %add3A_714 = arith.addi %mul3A_5, %add3A_713 : vector<16xi32>
        %add3A_715 = arith.constant 1 : i32
        %add3A_716 = vector.broadcast %add3A_715 : i32 to vector<16xi32>
        %add3A_717 = arith.addi %add3A_714, %add3A_716 : vector<16xi32>
        tpu.vector_store_idx %arg7[%add3A_707], %get3A_685 : memref<8192xf32, #tpu.memory_space<vmem>>[vector<16xi32>], vector<16xf32>,
        tpu.vector_store_idx %arg7[%add3A_710], %get3A_697 : memref<8192xf32, #tpu.memory_space<vmem>>[vector<16xi32>], vector<16xf32>,
        tpu.vector_store_idx %arg7[%add3A_714], %get3A_691 : memref<8192xf32, #tpu.memory_space<vmem>>[vector<16xi32>], vector<16xf32>,
        tpu.vector_store_idx %arg7[%add3A_717], %get3A_703 : memref<8192xf32, #tpu.memory_space<vmem>>[vector<16xi32>], vector<16xf32>,
        %add3A_718 = arith.addf %get3A_685, %get3A_691 : vector<16xf32>
        %add3A_719 = arith.constant 1.000000e+00 : f32
        %add3A_720 = vector.broadcast %add3A_719 : f32 to vector<16xf32>
        %add3A_721 = arith.addf %add3A_718, %add3A_720 : vector<16xf32>
        %add3A_722 = arith.constant 1.000000e+00 : f32
        %add3A_723 = vector.broadcast %add3A_722 : f32 to vector<16xf32>
        %add3A_724 = arith.addf %get3A_685, %add3A_723 : vector<16xf32>
        %mul3A_725 = arith.constant 5.000000e-01 : f32
        %mul3A_726 = vector.broadcast %mul3A_725 : f32 to vector<16xf32>
        %mul3A_727 = arith.mulf %add3A_724, %mul3A_726 : vector<16xf32>
        %mul3A_728 = arith.constant 0.333333343 : f32
        %mul3A_729 = vector.broadcast %mul3A_728 : f32 to vector<16xf32>
        %mul3A_730 = arith.mulf %add3A_721, %mul3A_729 : vector<16xf32>
        %add3A_731 = arith.addf %add3A_721, %get3A_697 : vector<16xf32>
        %mul3A_732 = arith.constant 2.500000e-01 : f32
        %mul3A_733 = vector.broadcast %mul3A_732 : f32 to vector<16xf32>
        %mul3A_734 = arith.mulf %add3A_731, %mul3A_733 : vector<16xf32>
        tpu.vector_store_idx %arg11[%add3A_710], %mul3A_730 : memref<8192xf32, #tpu.memory_space<vmem>>[vector<16xi32>], vector<16xf32>,
        tpu.vector_store_idx %arg11[%add3A_714], %mul3A_727 : memref<8192xf32, #tpu.memory_space<vmem>>[vector<16xi32>], vector<16xf32>,
        tpu.vector_store_idx %arg11[%add3A_717], %mul3A_734 : memref<8192xf32, #tpu.memory_space<vmem>>[vector<16xi32>], vector<16xf32>,
        %add3A_735 = arith.constant 0 : i32
        %add3A_736 = arith.addi %add3A_735, %add3A_525 : i32
        %add3A_737 = arith.constant 384 : i32
        %add3A_738 = arith.addi %add3A_736, %add3A_737 : i32
        %get3A_739 = arith.index_cast %add3A_738 : i32 to index
        %get3A_740 = tpu.vector_load %arg5[%get3A_739] {strides = array<i32>} : memref<16384xf32, #tpu.memory_space<vmem>>, vector<16xf32>,
        %add3A_741 = arith.constant 4096 : i32
        %add3A_742 = arith.addi %add3A_741, %add3A_525 : i32
        %add3A_743 = arith.constant 384 : i32
        %add3A_744 = arith.addi %add3A_742, %add3A_743 : i32
        %get3A_745 = arith.index_cast %add3A_744 : i32 to index
        %get3A_746 = tpu.vector_load %arg5[%get3A_745] {strides = array<i32>} : memref<16384xf32, #tpu.memory_space<vmem>>, vector<16xf32>,
        %add3A_747 = arith.constant 8192 : i32
        %add3A_748 = arith.addi %add3A_747, %add3A_525 : i32
        %add3A_749 = arith.constant 384 : i32
        %add3A_750 = arith.addi %add3A_748, %add3A_749 : i32
        %get3A_751 = arith.index_cast %add3A_750 : i32 to index
        %get3A_752 = tpu.vector_load %arg5[%get3A_751] {strides = array<i32>} : memref<16384xf32, #tpu.memory_space<vmem>>, vector<16xf32>,
        %add3A_753 = arith.constant 12288 : i32
        %add3A_754 = arith.addi %add3A_753, %add3A_525 : i32
        %add3A_755 = arith.constant 384 : i32
        %add3A_756 = arith.addi %add3A_754, %add3A_755 : i32
        %get3A_757 = arith.index_cast %add3A_756 : i32 to index
        %get3A_758 = tpu.vector_load %arg5[%get3A_757] {strides = array<i32>} : memref<16384xf32, #tpu.memory_space<vmem>>, vector<16xf32>,
        %add3A_759 = arith.constant 768 : i32
        %add3A_760 = arith.addi %add3A_570, %add3A_759 : i32
        %add3A_761 = vector.broadcast %add3A_760 : i32 to vector<16xi32>
        %add3A_762 = arith.addi %mul3A_5, %add3A_761 : vector<16xi32>
        %add3A_763 = arith.constant 1 : i32
        %add3A_764 = vector.broadcast %add3A_763 : i32 to vector<16xi32>
        %add3A_765 = arith.addi %add3A_762, %add3A_764 : vector<16xi32>
        %add3A_766 = arith.constant 896 : i32
        %add3A_767 = arith.addi %add3A_570, %add3A_766 : i32
        %add3A_768 = vector.broadcast %add3A_767 : i32 to vector<16xi32>
        %add3A_769 = arith.addi %mul3A_5, %add3A_768 : vector<16xi32>
        %add3A_770 = arith.constant 1 : i32
        %add3A_771 = vector.broadcast %add3A_770 : i32 to vector<16xi32>
        %add3A_772 = arith.addi %add3A_769, %add3A_771 : vector<16xi32>
        tpu.vector_store_idx %arg7[%add3A_762], %get3A_740 : memref<8192xf32, #tpu.memory_space<vmem>>[vector<16xi32>], vector<16xf32>,
        tpu.vector_store_idx %arg7[%add3A_765], %get3A_752 : memref<8192xf32, #tpu.memory_space<vmem>>[vector<16xi32>], vector<16xf32>,
        tpu.vector_store_idx %arg7[%add3A_769], %get3A_746 : memref<8192xf32, #tpu.memory_space<vmem>>[vector<16xi32>], vector<16xf32>,
        tpu.vector_store_idx %arg7[%add3A_772], %get3A_758 : memref<8192xf32, #tpu.memory_space<vmem>>[vector<16xi32>], vector<16xf32>,
        %add3A_773 = arith.addf %get3A_740, %get3A_746 : vector<16xf32>
        %add3A_774 = arith.constant 1.000000e+00 : f32
        %add3A_775 = vector.broadcast %add3A_774 : f32 to vector<16xf32>
        %add3A_776 = arith.addf %add3A_773, %add3A_775 : vector<16xf32>
        %add3A_777 = arith.constant 1.000000e+00 : f32
        %add3A_778 = vector.broadcast %add3A_777 : f32 to vector<16xf32>
        %add3A_779 = arith.addf %get3A_740, %add3A_778 : vector<16xf32>
        %mul3A_780 = arith.constant 5.000000e-01 : f32
        %mul3A_781 = vector.broadcast %mul3A_780 : f32 to vector<16xf32>
        %mul3A_782 = arith.mulf %add3A_779, %mul3A_781 : vector<16xf32>
        %mul3A_783 = arith.constant 0.333333343 : f32
        %mul3A_784 = vector.broadcast %mul3A_783 : f32 to vector<16xf32>
        %mul3A_785 = arith.mulf %add3A_776, %mul3A_784 : vector<16xf32>
        %add3A_786 = arith.addf %add3A_776, %get3A_752 : vector<16xf32>
        %mul3A_787 = arith.constant 2.500000e-01 : f32
        %mul3A_788 = vector.broadcast %mul3A_787 : f32 to vector<16xf32>
        %mul3A_789 = arith.mulf %add3A_786, %mul3A_788 : vector<16xf32>
        tpu.vector_store_idx %arg11[%add3A_765], %mul3A_785 : memref<8192xf32, #tpu.memory_space<vmem>>[vector<16xi32>], vector<16xf32>,
        tpu.vector_store_idx %arg11[%add3A_769], %mul3A_782 : memref<8192xf32, #tpu.memory_space<vmem>>[vector<16xi32>], vector<16xf32>,
        tpu.vector_store_idx %arg11[%add3A_772], %mul3A_789 : memref<8192xf32, #tpu.memory_space<vmem>>[vector<16xi32>], vector<16xf32>,
        %add3A_790 = arith.constant 0 : i32
        %add3A_791 = arith.addi %add3A_790, %add3A_525 : i32
        %add3A_792 = arith.constant 512 : i32
        %add3A_793 = arith.addi %add3A_791, %add3A_792 : i32
        %get3A_794 = arith.index_cast %add3A_793 : i32 to index
        %get3A_795 = tpu.vector_load %arg5[%get3A_794] {strides = array<i32>} : memref<16384xf32, #tpu.memory_space<vmem>>, vector<16xf32>,
        %add3A_796 = arith.constant 4096 : i32
        %add3A_797 = arith.addi %add3A_796, %add3A_525 : i32
        %add3A_798 = arith.constant 512 : i32
        %add3A_799 = arith.addi %add3A_797, %add3A_798 : i32
        %get3A_800 = arith.index_cast %add3A_799 : i32 to index
        %get3A_801 = tpu.vector_load %arg5[%get3A_800] {strides = array<i32>} : memref<16384xf32, #tpu.memory_space<vmem>>, vector<16xf32>,
        %add3A_802 = arith.constant 8192 : i32
        %add3A_803 = arith.addi %add3A_802, %add3A_525 : i32
        %add3A_804 = arith.constant 512 : i32
        %add3A_805 = arith.addi %add3A_803, %add3A_804 : i32
        %get3A_806 = arith.index_cast %add3A_805 : i32 to index
        %get3A_807 = tpu.vector_load %arg5[%get3A_806] {strides = array<i32>} : memref<16384xf32, #tpu.memory_space<vmem>>, vector<16xf32>,
        %add3A_808 = arith.constant 12288 : i32
        %add3A_809 = arith.addi %add3A_808, %add3A_525 : i32
        %add3A_810 = arith.constant 512 : i32
        %add3A_811 = arith.addi %add3A_809, %add3A_810 : i32
        %get3A_812 = arith.index_cast %add3A_811 : i32 to index
        %get3A_813 = tpu.vector_load %arg5[%get3A_812] {strides = array<i32>} : memref<16384xf32, #tpu.memory_space<vmem>>, vector<16xf32>,
        %add3A_814 = arith.constant 0 : i32
        %add3A_815 = arith.addi %add3A_570, %add3A_814 : i32
        %add3A_816 = vector.broadcast %add3A_815 : i32 to vector<16xi32>
        %add3A_817 = arith.addi %mul3A_5, %add3A_816 : vector<16xi32>
        %add3A_818 = arith.constant 1 : i32
        %add3A_819 = vector.broadcast %add3A_818 : i32 to vector<16xi32>
        %add3A_820 = arith.addi %add3A_817, %add3A_819 : vector<16xi32>
        %add3A_821 = arith.constant 128 : i32
        %add3A_822 = arith.addi %add3A_570, %add3A_821 : i32
        %add3A_823 = vector.broadcast %add3A_822 : i32 to vector<16xi32>
        %add3A_824 = arith.addi %mul3A_5, %add3A_823 : vector<16xi32>
        %add3A_825 = arith.constant 1 : i32
        %add3A_826 = vector.broadcast %add3A_825 : i32 to vector<16xi32>
        %add3A_827 = arith.addi %add3A_824, %add3A_826 : vector<16xi32>
        tpu.vector_store_idx %arg8[%add3A_817], %get3A_795 : memref<8192xf32, #tpu.memory_space<vmem>>[vector<16xi32>], vector<16xf32>,
        tpu.vector_store_idx %arg8[%add3A_820], %get3A_807 : memref<8192xf32, #tpu.memory_space<vmem>>[vector<16xi32>], vector<16xf32>,
        tpu.vector_store_idx %arg8[%add3A_824], %get3A_801 : memref<8192xf32, #tpu.memory_space<vmem>>[vector<16xi32>], vector<16xf32>,
        tpu.vector_store_idx %arg8[%add3A_827], %get3A_813 : memref<8192xf32, #tpu.memory_space<vmem>>[vector<16xi32>], vector<16xf32>,
        %add3A_828 = arith.addf %get3A_795, %get3A_801 : vector<16xf32>
        %add3A_829 = arith.constant 1.000000e+00 : f32
        %add3A_830 = vector.broadcast %add3A_829 : f32 to vector<16xf32>
        %add3A_831 = arith.addf %add3A_828, %add3A_830 : vector<16xf32>
        %add3A_832 = arith.constant 1.000000e+00 : f32
        %add3A_833 = vector.broadcast %add3A_832 : f32 to vector<16xf32>
        %add3A_834 = arith.addf %get3A_795, %add3A_833 : vector<16xf32>
        %mul3A_835 = arith.constant 5.000000e-01 : f32
        %mul3A_836 = vector.broadcast %mul3A_835 : f32 to vector<16xf32>
        %mul3A_837 = arith.mulf %add3A_834, %mul3A_836 : vector<16xf32>
        %mul3A_838 = arith.constant 0.333333343 : f32
        %mul3A_839 = vector.broadcast %mul3A_838 : f32 to vector<16xf32>
        %mul3A_840 = arith.mulf %add3A_831, %mul3A_839 : vector<16xf32>
        %add3A_841 = arith.addf %add3A_831, %get3A_807 : vector<16xf32>
        %mul3A_842 = arith.constant 2.500000e-01 : f32
        %mul3A_843 = vector.broadcast %mul3A_842 : f32 to vector<16xf32>
        %mul3A_844 = arith.mulf %add3A_841, %mul3A_843 : vector<16xf32>
        tpu.vector_store_idx %arg12[%add3A_820], %mul3A_840 : memref<8192xf32, #tpu.memory_space<vmem>>[vector<16xi32>], vector<16xf32>,
        tpu.vector_store_idx %arg12[%add3A_824], %mul3A_837 : memref<8192xf32, #tpu.memory_space<vmem>>[vector<16xi32>], vector<16xf32>,
        tpu.vector_store_idx %arg12[%add3A_827], %mul3A_844 : memref<8192xf32, #tpu.memory_space<vmem>>[vector<16xi32>], vector<16xf32>,
        %add3A_845 = arith.constant 0 : i32
        %add3A_846 = arith.addi %add3A_845, %add3A_525 : i32
        %add3A_847 = arith.constant 640 : i32
        %add3A_848 = arith.addi %add3A_846, %add3A_847 : i32
        %get3A_849 = arith.index_cast %add3A_848 : i32 to index
        %get3A_850 = tpu.vector_load %arg5[%get3A_849] {strides = array<i32>} : memref<16384xf32, #tpu.memory_space<vmem>>, vector<16xf32>,
        %add3A_851 = arith.constant 4096 : i32
        %add3A_852 = arith.addi %add3A_851, %add3A_525 : i32
        %add3A_853 = arith.constant 640 : i32
        %add3A_854 = arith.addi %add3A_852, %add3A_853 : i32
        %get3A_855 = arith.index_cast %add3A_854 : i32 to index
        %get3A_856 = tpu.vector_load %arg5[%get3A_855] {strides = array<i32>} : memref<16384xf32, #tpu.memory_space<vmem>>, vector<16xf32>,
        %add3A_857 = arith.constant 8192 : i32
        %add3A_858 = arith.addi %add3A_857, %add3A_525 : i32
        %add3A_859 = arith.constant 640 : i32
        %add3A_860 = arith.addi %add3A_858, %add3A_859 : i32
        %get3A_861 = arith.index_cast %add3A_860 : i32 to index
        %get3A_862 = tpu.vector_load %arg5[%get3A_861] {strides = array<i32>} : memref<16384xf32, #tpu.memory_space<vmem>>, vector<16xf32>,
        %add3A_863 = arith.constant 12288 : i32
        %add3A_864 = arith.addi %add3A_863, %add3A_525 : i32
        %add3A_865 = arith.constant 640 : i32
        %add3A_866 = arith.addi %add3A_864, %add3A_865 : i32
        %get3A_867 = arith.index_cast %add3A_866 : i32 to index
        %get3A_868 = tpu.vector_load %arg5[%get3A_867] {strides = array<i32>} : memref<16384xf32, #tpu.memory_space<vmem>>, vector<16xf32>,
        %add3A_869 = arith.constant 256 : i32
        %add3A_870 = arith.addi %add3A_570, %add3A_869 : i32
        %add3A_871 = vector.broadcast %add3A_870 : i32 to vector<16xi32>
        %add3A_872 = arith.addi %mul3A_5, %add3A_871 : vector<16xi32>
        %add3A_873 = arith.constant 1 : i32
        %add3A_874 = vector.broadcast %add3A_873 : i32 to vector<16xi32>
        %add3A_875 = arith.addi %add3A_872, %add3A_874 : vector<16xi32>
        %add3A_876 = arith.constant 384 : i32
        %add3A_877 = arith.addi %add3A_570, %add3A_876 : i32
        %add3A_878 = vector.broadcast %add3A_877 : i32 to vector<16xi32>
        %add3A_879 = arith.addi %mul3A_5, %add3A_878 : vector<16xi32>
        %add3A_880 = arith.constant 1 : i32
        %add3A_881 = vector.broadcast %add3A_880 : i32 to vector<16xi32>
        %add3A_882 = arith.addi %add3A_879, %add3A_881 : vector<16xi32>
        tpu.vector_store_idx %arg8[%add3A_872], %get3A_850 : memref<8192xf32, #tpu.memory_space<vmem>>[vector<16xi32>], vector<16xf32>,
        tpu.vector_store_idx %arg8[%add3A_875], %get3A_862 : memref<8192xf32, #tpu.memory_space<vmem>>[vector<16xi32>], vector<16xf32>,
        tpu.vector_store_idx %arg8[%add3A_879], %get3A_856 : memref<8192xf32, #tpu.memory_space<vmem>>[vector<16xi32>], vector<16xf32>,
        tpu.vector_store_idx %arg8[%add3A_882], %get3A_868 : memref<8192xf32, #tpu.memory_space<vmem>>[vector<16xi32>], vector<16xf32>,
        %add3A_883 = arith.addf %get3A_850, %get3A_856 : vector<16xf32>
        %add3A_884 = arith.constant 1.000000e+00 : f32
        %add3A_885 = vector.broadcast %add3A_884 : f32 to vector<16xf32>
        %add3A_886 = arith.addf %add3A_883, %add3A_885 : vector<16xf32>
        %add3A_887 = arith.constant 1.000000e+00 : f32
        %add3A_888 = vector.broadcast %add3A_887 : f32 to vector<16xf32>
        %add3A_889 = arith.addf %get3A_850, %add3A_888 : vector<16xf32>
        %mul3A_890 = arith.constant 5.000000e-01 : f32
        %mul3A_891 = vector.broadcast %mul3A_890 : f32 to vector<16xf32>
        %mul3A_892 = arith.mulf %add3A_889, %mul3A_891 : vector<16xf32>
        %mul3A_893 = arith.constant 0.333333343 : f32
        %mul3A_894 = vector.broadcast %mul3A_893 : f32 to vector<16xf32>
        %mul3A_895 = arith.mulf %add3A_886, %mul3A_894 : vector<16xf32>
        %add3A_896 = arith.addf %add3A_886, %get3A_862 : vector<16xf32>
        %mul3A_897 = arith.constant 2.500000e-01 : f32
        %mul3A_898 = vector.broadcast %mul3A_897 : f32 to vector<16xf32>
        %mul3A_899 = arith.mulf %add3A_896, %mul3A_898 : vector<16xf32>
        tpu.vector_store_idx %arg12[%add3A_875], %mul3A_895 : memref<8192xf32, #tpu.memory_space<vmem>>[vector<16xi32>], vector<16xf32>,
        tpu.vector_store_idx %arg12[%add3A_879], %mul3A_892 : memref<8192xf32, #tpu.memory_space<vmem>>[vector<16xi32>], vector<16xf32>,
        tpu.vector_store_idx %arg12[%add3A_882], %mul3A_899 : memref<8192xf32, #tpu.memory_space<vmem>>[vector<16xi32>], vector<16xf32>,
        %add3A_900 = arith.constant 0 : i32
        %add3A_901 = arith.addi %add3A_900, %add3A_525 : i32
        %add3A_902 = arith.constant 768 : i32
        %add3A_903 = arith.addi %add3A_901, %add3A_902 : i32
        %get3A_904 = arith.index_cast %add3A_903 : i32 to index
        %get3A_905 = tpu.vector_load %arg5[%get3A_904] {strides = array<i32>} : memref<16384xf32, #tpu.memory_space<vmem>>, vector<16xf32>,
        %add3A_906 = arith.constant 4096 : i32
        %add3A_907 = arith.addi %add3A_906, %add3A_525 : i32
        %add3A_908 = arith.constant 768 : i32
        %add3A_909 = arith.addi %add3A_907, %add3A_908 : i32
        %get3A_910 = arith.index_cast %add3A_909 : i32 to index
        %get3A_911 = tpu.vector_load %arg5[%get3A_910] {strides = array<i32>} : memref<16384xf32, #tpu.memory_space<vmem>>, vector<16xf32>,
        %add3A_912 = arith.constant 8192 : i32
        %add3A_913 = arith.addi %add3A_912, %add3A_525 : i32
        %add3A_914 = arith.constant 768 : i32
        %add3A_915 = arith.addi %add3A_913, %add3A_914 : i32
        %get3A_916 = arith.index_cast %add3A_915 : i32 to index
        %get3A_917 = tpu.vector_load %arg5[%get3A_916] {strides = array<i32>} : memref<16384xf32, #tpu.memory_space<vmem>>, vector<16xf32>,
        %add3A_918 = arith.constant 12288 : i32
        %add3A_919 = arith.addi %add3A_918, %add3A_525 : i32
        %add3A_920 = arith.constant 768 : i32
        %add3A_921 = arith.addi %add3A_919, %add3A_920 : i32
        %get3A_922 = arith.index_cast %add3A_921 : i32 to index
        %get3A_923 = tpu.vector_load %arg5[%get3A_922] {strides = array<i32>} : memref<16384xf32, #tpu.memory_space<vmem>>, vector<16xf32>,
        %add3A_924 = arith.constant 512 : i32
        %add3A_925 = arith.addi %add3A_570, %add3A_924 : i32
        %add3A_926 = vector.broadcast %add3A_925 : i32 to vector<16xi32>
        %add3A_927 = arith.addi %mul3A_5, %add3A_926 : vector<16xi32>
        %add3A_928 = arith.constant 1 : i32
        %add3A_929 = vector.broadcast %add3A_928 : i32 to vector<16xi32>
        %add3A_930 = arith.addi %add3A_927, %add3A_929 : vector<16xi32>
        %add3A_931 = arith.constant 640 : i32
        %add3A_932 = arith.addi %add3A_570, %add3A_931 : i32
        %add3A_933 = vector.broadcast %add3A_932 : i32 to vector<16xi32>
        %add3A_934 = arith.addi %mul3A_5, %add3A_933 : vector<16xi32>
        %add3A_935 = arith.constant 1 : i32
        %add3A_936 = vector.broadcast %add3A_935 : i32 to vector<16xi32>
        %add3A_937 = arith.addi %add3A_934, %add3A_936 : vector<16xi32>
        tpu.vector_store_idx %arg8[%add3A_927], %get3A_905 : memref<8192xf32, #tpu.memory_space<vmem>>[vector<16xi32>], vector<16xf32>,
        tpu.vector_store_idx %arg8[%add3A_930], %get3A_917 : memref<8192xf32, #tpu.memory_space<vmem>>[vector<16xi32>], vector<16xf32>,
        tpu.vector_store_idx %arg8[%add3A_934], %get3A_911 : memref<8192xf32, #tpu.memory_space<vmem>>[vector<16xi32>], vector<16xf32>,
        tpu.vector_store_idx %arg8[%add3A_937], %get3A_923 : memref<8192xf32, #tpu.memory_space<vmem>>[vector<16xi32>], vector<16xf32>,
        %add3A_938 = arith.addf %get3A_905, %get3A_911 : vector<16xf32>
        %add3A_939 = arith.constant 1.000000e+00 : f32
        %add3A_940 = vector.broadcast %add3A_939 : f32 to vector<16xf32>
        %add3A_941 = arith.addf %add3A_938, %add3A_940 : vector<16xf32>
        %add3A_942 = arith.constant 1.000000e+00 : f32
        %add3A_943 = vector.broadcast %add3A_942 : f32 to vector<16xf32>
        %add3A_944 = arith.addf %get3A_905, %add3A_943 : vector<16xf32>
        %mul3A_945 = arith.constant 5.000000e-01 : f32
        %mul3A_946 = vector.broadcast %mul3A_945 : f32 to vector<16xf32>
        %mul3A_947 = arith.mulf %add3A_944, %mul3A_946 : vector<16xf32>
        %mul3A_948 = arith.constant 0.333333343 : f32
        %mul3A_949 = vector.broadcast %mul3A_948 : f32 to vector<16xf32>
        %mul3A_950 = arith.mulf %add3A_941, %mul3A_949 : vector<16xf32>
        %add3A_951 = arith.addf %add3A_941, %get3A_917 : vector<16xf32>
        %mul3A_952 = arith.constant 2.500000e-01 : f32
        %mul3A_953 = vector.broadcast %mul3A_952 : f32 to vector<16xf32>
        %mul3A_954 = arith.mulf %add3A_951, %mul3A_953 : vector<16xf32>
        tpu.vector_store_idx %arg12[%add3A_930], %mul3A_950 : memref<8192xf32, #tpu.memory_space<vmem>>[vector<16xi32>], vector<16xf32>,
        tpu.vector_store_idx %arg12[%add3A_934], %mul3A_947 : memref<8192xf32, #tpu.memory_space<vmem>>[vector<16xi32>], vector<16xf32>,
        tpu.vector_store_idx %arg12[%add3A_937], %mul3A_954 : memref<8192xf32, #tpu.memory_space<vmem>>[vector<16xi32>], vector<16xf32>,
        %add3A_955 = arith.constant 0 : i32
        %add3A_956 = arith.addi %add3A_955, %add3A_525 : i32
        %add3A_957 = arith.constant 896 : i32
        %add3A_958 = arith.addi %add3A_956, %add3A_957 : i32
        %get3A_959 = arith.index_cast %add3A_958 : i32 to index
        %get3A_960 = tpu.vector_load %arg5[%get3A_959] {strides = array<i32>} : memref<16384xf32, #tpu.memory_space<vmem>>, vector<16xf32>,
        %add3A_961 = arith.constant 4096 : i32
        %add3A_962 = arith.addi %add3A_961, %add3A_525 : i32
        %add3A_963 = arith.constant 896 : i32
        %add3A_964 = arith.addi %add3A_962, %add3A_963 : i32
        %get3A_965 = arith.index_cast %add3A_964 : i32 to index
        %get3A_966 = tpu.vector_load %arg5[%get3A_965] {strides = array<i32>} : memref<16384xf32, #tpu.memory_space<vmem>>, vector<16xf32>,
        %add3A_967 = arith.constant 8192 : i32
        %add3A_968 = arith.addi %add3A_967, %add3A_525 : i32
        %add3A_969 = arith.constant 896 : i32
        %add3A_970 = arith.addi %add3A_968, %add3A_969 : i32
        %get3A_971 = arith.index_cast %add3A_970 : i32 to index
        %get3A_972 = tpu.vector_load %arg5[%get3A_971] {strides = array<i32>} : memref<16384xf32, #tpu.memory_space<vmem>>, vector<16xf32>,
        %add3A_973 = arith.constant 12288 : i32
        %add3A_974 = arith.addi %add3A_973, %add3A_525 : i32
        %add3A_975 = arith.constant 896 : i32
        %add3A_976 = arith.addi %add3A_974, %add3A_975 : i32
        %get3A_977 = arith.index_cast %add3A_976 : i32 to index
        %get3A_978 = tpu.vector_load %arg5[%get3A_977] {strides = array<i32>} : memref<16384xf32, #tpu.memory_space<vmem>>, vector<16xf32>,
        %add3A_979 = arith.constant 768 : i32
        %add3A_980 = arith.addi %add3A_570, %add3A_979 : i32
        %add3A_981 = vector.broadcast %add3A_980 : i32 to vector<16xi32>
        %add3A_982 = arith.addi %mul3A_5, %add3A_981 : vector<16xi32>
        %add3A_983 = arith.constant 1 : i32
        %add3A_984 = vector.broadcast %add3A_983 : i32 to vector<16xi32>
        %add3A_985 = arith.addi %add3A_982, %add3A_984 : vector<16xi32>
        %add3A_986 = arith.constant 896 : i32
        %add3A_987 = arith.addi %add3A_570, %add3A_986 : i32
        %add3A_988 = vector.broadcast %add3A_987 : i32 to vector<16xi32>
        %add3A_989 = arith.addi %mul3A_5, %add3A_988 : vector<16xi32>
        %add3A_990 = arith.constant 1 : i32
        %add3A_991 = vector.broadcast %add3A_990 : i32 to vector<16xi32>
        %add3A_992 = arith.addi %add3A_989, %add3A_991 : vector<16xi32>
        tpu.vector_store_idx %arg8[%add3A_982], %get3A_960 : memref<8192xf32, #tpu.memory_space<vmem>>[vector<16xi32>], vector<16xf32>,
        tpu.vector_store_idx %arg8[%add3A_985], %get3A_972 : memref<8192xf32, #tpu.memory_space<vmem>>[vector<16xi32>], vector<16xf32>,
        tpu.vector_store_idx %arg8[%add3A_989], %get3A_966 : memref<8192xf32, #tpu.memory_space<vmem>>[vector<16xi32>], vector<16xf32>,
        tpu.vector_store_idx %arg8[%add3A_992], %get3A_978 : memref<8192xf32, #tpu.memory_space<vmem>>[vector<16xi32>], vector<16xf32>,
        %add3A_993 = arith.addf %get3A_960, %get3A_966 : vector<16xf32>
        %add3A_994 = arith.constant 1.000000e+00 : f32
        %add3A_995 = vector.broadcast %add3A_994 : f32 to vector<16xf32>
        %add3A_996 = arith.addf %add3A_993, %add3A_995 : vector<16xf32>
        %add3A_997 = arith.constant 1.000000e+00 : f32
        %add3A_998 = vector.broadcast %add3A_997 : f32 to vector<16xf32>
        %add3A_999 = arith.addf %get3A_960, %add3A_998 : vector<16xf32>
        %mul3A_1000 = arith.constant 5.000000e-01 : f32
        %mul3A_1001 = vector.broadcast %mul3A_1000 : f32 to vector<16xf32>
        %mul3A_1002 = arith.mulf %add3A_999, %mul3A_1001 : vector<16xf32>
        %mul3A_1003 = arith.constant 0.333333343 : f32
        %mul3A_1004 = vector.broadcast %mul3A_1003 : f32 to vector<16xf32>
        %mul3A_1005 = arith.mulf %add3A_996, %mul3A_1004 : vector<16xf32>
        %add3A_1006 = arith.addf %add3A_996, %get3A_972 : vector<16xf32>
        %mul3A_1007 = arith.constant 2.500000e-01 : f32
        %mul3A_1008 = vector.broadcast %mul3A_1007 : f32 to vector<16xf32>
        %mul3A_1009 = arith.mulf %add3A_1006, %mul3A_1008 : vector<16xf32>
        tpu.vector_store_idx %arg12[%add3A_985], %mul3A_1005 : memref<8192xf32, #tpu.memory_space<vmem>>[vector<16xi32>], vector<16xf32>,
        tpu.vector_store_idx %arg12[%add3A_989], %mul3A_1002 : memref<8192xf32, #tpu.memory_space<vmem>>[vector<16xi32>], vector<16xf32>,
        tpu.vector_store_idx %arg12[%add3A_992], %mul3A_1009 : memref<8192xf32, #tpu.memory_space<vmem>>[vector<16xi32>], vector<16xf32>,
      }
      %scan3A_242 = arith.constant 32 : i32
      %jit3A_243 = arith.constant 4 : i32
      %div3A_244 = arith.divsi %add3A_166, %jit3A_243 : i32
      %sign3A_245 = arith.constant 0 : i32
      %sign3A_246 = arith.cmpi sgt, %add3A_166, %sign3A_245 : i32
      %sign3A_247 = arith.extui %sign3A_246 : i1 to i32
      %sign3A_248 = arith.constant 0 : i32
      %sign3A_249 = arith.cmpi slt, %add3A_166, %sign3A_248 : i32
      %sign3A_250 = arith.extui %sign3A_249 : i1 to i32
      %sign3A_251 = arith.subi %sign3A_247, %sign3A_250 : i32
      %sign3A_252 = arith.constant 0 : i32
      %sign3A_253 = arith.cmpi sgt, %jit3A_243, %sign3A_252 : i32
      %sign3A_254 = arith.extui %sign3A_253 : i1 to i32
      %sign3A_255 = arith.constant 0 : i32
      %sign3A_256 = arith.cmpi slt, %jit3A_243, %sign3A_255 : i32
      %sign3A_257 = arith.extui %sign3A_256 : i1 to i32
      %sign3A_258 = arith.subi %sign3A_254, %sign3A_257 : i32
      %ne3A_259 = arith.cmpi ne, %sign3A_251, %sign3A_258 : i32
      %rem3A_260 = arith.remsi %add3A_166, %jit3A_243 : i32
      %ne3A_261 = arith.constant 0 : i32
      %ne3A_262 = arith.cmpi ne, %rem3A_260, %ne3A_261 : i32
      %and3A_263 = arith.andi %ne3A_259, %ne3A_262 : i1
      %sub3A_264 = arith.constant 1 : i32
      %sub3A_265 = arith.subi %div3A_244, %sub3A_264 : i32
      %select_n3A_266 = arith.select %and3A_263, %sub3A_265, %div3A_244 : i32
      %add3A_267 = arith.addi %mul3A_2, %select_n3A_266 : i32
      %jit3A_268 = arith.constant 4 : i32
      %eq3A_269 = arith.constant 0 : i32
      %eq3A_270 = arith.cmpi eq, %jit3A_268, %eq3A_269 : i32
      %jit3A_271 = arith.constant 1 : i32
      %select_n3A_272 = arith.select %eq3A_270, %jit3A_271, %jit3A_268 : i32
      %rem3A_273 = arith.remsi %add3A_166, %select_n3A_272 : i32
      %ne3A_274 = arith.constant 0 : i32
      %ne3A_275 = arith.cmpi ne, %rem3A_273, %ne3A_274 : i32
      %lt3A_276 = arith.constant 0 : i32
      %lt3A_277 = arith.cmpi slt, %rem3A_273, %lt3A_276 : i32
      %lt3A_278 = arith.constant 0 : i32
      %lt3A_279 = arith.cmpi slt, %select_n3A_272, %lt3A_278 : i32
      %ne3A_280 = arith.xori %lt3A_277, %lt3A_279 : i1
      %and3A_281 = arith.andi %ne3A_280, %ne3A_275 : i1
      %add3A_282 = arith.addi %rem3A_273, %select_n3A_272 : i32
      %select_n3A_283 = arith.select %and3A_281, %add3A_282, %rem3A_273 : i32
      %mul3A_284 = arith.constant 2 : i32
      %mul3A_285 = arith.muli %mul3A_284, %add3A_267 : i32
      %add3A_286 = arith.constant 0 : i32
      %add3A_287 = arith.addi %mul3A_285, %add3A_286 : i32
      %mul3A_288 = arith.constant 32768 : i32
      %mul3A_289 = arith.muli %add3A_287, %mul3A_288 : i32
      %mul3A_290 = arith.constant 8192 : i32
      %mul3A_291 = arith.muli %select_n3A_283, %mul3A_290 : i32
      %add3A_292 = arith.addi %mul3A_289, %mul3A_291 : i32
      %mul3A_293 = arith.constant 2 : i32
      %mul3A_294 = arith.muli %mul3A_293, %add3A_267 : i32
      %add3A_295 = arith.constant 1 : i32
      %add3A_296 = arith.addi %mul3A_294, %add3A_295 : i32
      %mul3A_297 = arith.constant 32768 : i32
      %mul3A_298 = arith.muli %add3A_296, %mul3A_297 : i32
      %mul3A_299 = arith.constant 8192 : i32
      %mul3A_300 = arith.muli %select_n3A_283, %mul3A_299 : i32
      %add3A_301 = arith.addi %mul3A_298, %mul3A_300 : i32
      %dma_start3A_302 = tpu.memref_slice %arg3[%add3A_292] : memref<16777216xf32, #tpu.memory_space<hbm>> -> memref<8192xf32, #tpu.memory_space<hbm>>
      %dma_start3A_303 = tpu.memref_slice %arg3[%add3A_292] : memref<16777216xf32, #tpu.memory_space<hbm>> -> memref<8192xf32, #tpu.memory_space<hbm>>
      tpu.enqueue_dma source(%arg7 : memref<8192xf32, #tpu.memory_space<vmem>>) target(%dma_start3A_303 : memref<8192xf32, #tpu.memory_space<hbm>>) target_semaphore(%arg17 : memref<!tpu.dma_semaphore, #tpu.memory_space<semaphore_mem>>)
      %dma_start3A_304 = tpu.memref_slice %arg4[%add3A_292] : memref<16777216xf32, #tpu.memory_space<hbm>> -> memref<8192xf32, #tpu.memory_space<hbm>>
      %dma_start3A_305 = tpu.memref_slice %arg4[%add3A_292] : memref<16777216xf32, #tpu.memory_space<hbm>> -> memref<8192xf32, #tpu.memory_space<hbm>>
      tpu.enqueue_dma source(%arg11 : memref<8192xf32, #tpu.memory_space<vmem>>) target(%dma_start3A_305 : memref<8192xf32, #tpu.memory_space<hbm>>) target_semaphore(%arg17 : memref<!tpu.dma_semaphore, #tpu.memory_space<semaphore_mem>>)
      %dma_start3A_306 = tpu.memref_slice %arg3[%add3A_301] : memref<16777216xf32, #tpu.memory_space<hbm>> -> memref<8192xf32, #tpu.memory_space<hbm>>
      %dma_start3A_307 = tpu.memref_slice %arg3[%add3A_301] : memref<16777216xf32, #tpu.memory_space<hbm>> -> memref<8192xf32, #tpu.memory_space<hbm>>
      tpu.enqueue_dma source(%arg8 : memref<8192xf32, #tpu.memory_space<vmem>>) target(%dma_start3A_307 : memref<8192xf32, #tpu.memory_space<hbm>>) target_semaphore(%arg17 : memref<!tpu.dma_semaphore, #tpu.memory_space<semaphore_mem>>)
      %dma_start3A_308 = tpu.memref_slice %arg4[%add3A_301] : memref<16777216xf32, #tpu.memory_space<hbm>> -> memref<8192xf32, #tpu.memory_space<hbm>>
      %dma_start3A_309 = tpu.memref_slice %arg4[%add3A_301] : memref<16777216xf32, #tpu.memory_space<hbm>> -> memref<8192xf32, #tpu.memory_space<hbm>>
      tpu.enqueue_dma source(%arg12 : memref<8192xf32, #tpu.memory_space<vmem>>) target(%dma_start3A_309 : memref<8192xf32, #tpu.memory_space<hbm>>) target_semaphore(%arg17 : memref<!tpu.dma_semaphore, #tpu.memory_space<semaphore_mem>>)
      %lt3A_310 = arith.constant 15 : i32
      %lt3A_311 = arith.cmpi slt, %scan3A_162, %lt3A_310 : i32
      %convert_element_type3A_312 = arith.extui %lt3A_311 : i1 to i32
      %cond3A_313 = arith.constant 0 : i32
      %cond3A_314 = arith.cmpi ne, %convert_element_type3A_312, %cond3A_313 : i32
      scf.if %cond3A_314 {
        %add3A_480 = arith.constant 2 : i32
        %add3A_481 = arith.addi %add3A_166, %add3A_480 : i32
        %jit3A_482 = arith.constant 4 : i32
        %div3A_483 = arith.divsi %add3A_481, %jit3A_482 : i32
        %sign3A_484 = arith.constant 0 : i32
        %sign3A_485 = arith.cmpi sgt, %add3A_481, %sign3A_484 : i32
        %sign3A_486 = arith.extui %sign3A_485 : i1 to i32
        %sign3A_487 = arith.constant 0 : i32
        %sign3A_488 = arith.cmpi slt, %add3A_481, %sign3A_487 : i32
        %sign3A_489 = arith.extui %sign3A_488 : i1 to i32
        %sign3A_490 = arith.subi %sign3A_486, %sign3A_489 : i32
        %sign3A_491 = arith.constant 0 : i32
        %sign3A_492 = arith.cmpi sgt, %jit3A_482, %sign3A_491 : i32
        %sign3A_493 = arith.extui %sign3A_492 : i1 to i32
        %sign3A_494 = arith.constant 0 : i32
        %sign3A_495 = arith.cmpi slt, %jit3A_482, %sign3A_494 : i32
        %sign3A_496 = arith.extui %sign3A_495 : i1 to i32
        %sign3A_497 = arith.subi %sign3A_493, %sign3A_496 : i32
        %ne3A_498 = arith.cmpi ne, %sign3A_490, %sign3A_497 : i32
        %rem3A_499 = arith.remsi %add3A_481, %jit3A_482 : i32
        %ne3A_500 = arith.constant 0 : i32
        %ne3A_501 = arith.cmpi ne, %rem3A_499, %ne3A_500 : i32
        %and3A_502 = arith.andi %ne3A_498, %ne3A_501 : i1
        %sub3A_503 = arith.constant 1 : i32
        %sub3A_504 = arith.subi %div3A_483, %sub3A_503 : i32
        %select_n3A_505 = arith.select %and3A_502, %sub3A_504, %div3A_483 : i32
        %add3A_506 = arith.addi %mul3A_2, %select_n3A_505 : i32
        %jit3A_507 = arith.constant 4 : i32
        %eq3A_508 = arith.constant 0 : i32
        %eq3A_509 = arith.cmpi eq, %jit3A_507, %eq3A_508 : i32
        %jit3A_510 = arith.constant 1 : i32
        %select_n3A_511 = arith.select %eq3A_509, %jit3A_510, %jit3A_507 : i32
        %rem3A_512 = arith.remsi %add3A_481, %select_n3A_511 : i32
        %ne3A_513 = arith.constant 0 : i32
        %ne3A_514 = arith.cmpi ne, %rem3A_512, %ne3A_513 : i32
        %lt3A_515 = arith.constant 0 : i32
        %lt3A_516 = arith.cmpi slt, %rem3A_512, %lt3A_515 : i32
        %lt3A_517 = arith.constant 0 : i32
        %lt3A_518 = arith.cmpi slt, %select_n3A_511, %lt3A_517 : i32
        %ne3A_519 = arith.xori %lt3A_516, %lt3A_518 : i1
        %and3A_520 = arith.andi %ne3A_519, %ne3A_514 : i1
        %add3A_521 = arith.addi %rem3A_512, %select_n3A_511 : i32
        %select_n3A_522 = arith.select %and3A_520, %add3A_521, %rem3A_512 : i32
        %mul3A_523 = arith.constant 16384 : i32
        %mul3A_524 = arith.muli %add3A_506, %mul3A_523 : i32
        %mul3A_525 = arith.constant 4096 : i32
        %mul3A_526 = arith.muli %select_n3A_522, %mul3A_525 : i32
        %add3A_527 = arith.addi %mul3A_524, %mul3A_526 : i32
        %add3A_528 = arith.constant 0 : i32
        %add3A_529 = arith.addi %add3A_528, %add3A_527 : i32
        %add3A_530 = arith.constant 4194304 : i32
        %add3A_531 = arith.addi %add3A_530, %add3A_527 : i32
        %add3A_532 = arith.constant 8388608 : i32
        %add3A_533 = arith.addi %add3A_532, %add3A_527 : i32
        %add3A_534 = arith.constant 12582912 : i32
        %add3A_535 = arith.addi %add3A_534, %add3A_527 : i32
        %dma_start3A_536 = arith.constant 0 : i32
        %dma_start3A_537 = tpu.memref_slice %arg5[%dma_start3A_536] : memref<16384xf32, #tpu.memory_space<vmem>> -> memref<4096xf32, #tpu.memory_space<vmem>>
        %dma_start3A_538 = tpu.memref_slice %arg2[%add3A_529] : memref<16777216xf32, #tpu.memory_space<hbm>> -> memref<4096xf32, #tpu.memory_space<hbm>>
        %dma_start3A_539 = arith.constant 0 : i32
        %dma_start3A_540 = tpu.memref_slice %arg5[%dma_start3A_539] : memref<16384xf32, #tpu.memory_space<vmem>> -> memref<4096xf32, #tpu.memory_space<vmem>>
        %dma_start3A_541 = tpu.memref_slice %arg2[%add3A_529] : memref<16777216xf32, #tpu.memory_space<hbm>> -> memref<4096xf32, #tpu.memory_space<hbm>>
        tpu.enqueue_dma source(%dma_start3A_541 : memref<4096xf32, #tpu.memory_space<hbm>>) target(%dma_start3A_540 : memref<4096xf32, #tpu.memory_space<vmem>>) target_semaphore(%arg15 : memref<!tpu.dma_semaphore, #tpu.memory_space<semaphore_mem>>)
        %dma_start3A_542 = arith.constant 4096 : i32
        %dma_start3A_543 = tpu.memref_slice %arg5[%dma_start3A_542] : memref<16384xf32, #tpu.memory_space<vmem>> -> memref<4096xf32, #tpu.memory_space<vmem>>
        %dma_start3A_544 = tpu.memref_slice %arg2[%add3A_531] : memref<16777216xf32, #tpu.memory_space<hbm>> -> memref<4096xf32, #tpu.memory_space<hbm>>
        %dma_start3A_545 = arith.constant 4096 : i32
        %dma_start3A_546 = tpu.memref_slice %arg5[%dma_start3A_545] : memref<16384xf32, #tpu.memory_space<vmem>> -> memref<4096xf32, #tpu.memory_space<vmem>>
        %dma_start3A_547 = tpu.memref_slice %arg2[%add3A_531] : memref<16777216xf32, #tpu.memory_space<hbm>> -> memref<4096xf32, #tpu.memory_space<hbm>>
        tpu.enqueue_dma source(%dma_start3A_547 : memref<4096xf32, #tpu.memory_space<hbm>>) target(%dma_start3A_546 : memref<4096xf32, #tpu.memory_space<vmem>>) target_semaphore(%arg15 : memref<!tpu.dma_semaphore, #tpu.memory_space<semaphore_mem>>)
        %dma_start3A_548 = arith.constant 8192 : i32
        %dma_start3A_549 = tpu.memref_slice %arg5[%dma_start3A_548] : memref<16384xf32, #tpu.memory_space<vmem>> -> memref<4096xf32, #tpu.memory_space<vmem>>
        %dma_start3A_550 = tpu.memref_slice %arg2[%add3A_533] : memref<16777216xf32, #tpu.memory_space<hbm>> -> memref<4096xf32, #tpu.memory_space<hbm>>
        %dma_start3A_551 = arith.constant 8192 : i32
        %dma_start3A_552 = tpu.memref_slice %arg5[%dma_start3A_551] : memref<16384xf32, #tpu.memory_space<vmem>> -> memref<4096xf32, #tpu.memory_space<vmem>>
        %dma_start3A_553 = tpu.memref_slice %arg2[%add3A_533] : memref<16777216xf32, #tpu.memory_space<hbm>> -> memref<4096xf32, #tpu.memory_space<hbm>>
        tpu.enqueue_dma source(%dma_start3A_553 : memref<4096xf32, #tpu.memory_space<hbm>>) target(%dma_start3A_552 : memref<4096xf32, #tpu.memory_space<vmem>>) target_semaphore(%arg15 : memref<!tpu.dma_semaphore, #tpu.memory_space<semaphore_mem>>)
        %dma_start3A_554 = arith.constant 12288 : i32
        %dma_start3A_555 = tpu.memref_slice %arg5[%dma_start3A_554] : memref<16384xf32, #tpu.memory_space<vmem>> -> memref<4096xf32, #tpu.memory_space<vmem>>
        %dma_start3A_556 = tpu.memref_slice %arg2[%add3A_535] : memref<16777216xf32, #tpu.memory_space<hbm>> -> memref<4096xf32, #tpu.memory_space<hbm>>
        %dma_start3A_557 = arith.constant 12288 : i32
        %dma_start3A_558 = tpu.memref_slice %arg5[%dma_start3A_557] : memref<16384xf32, #tpu.memory_space<vmem>> -> memref<4096xf32, #tpu.memory_space<vmem>>
        %dma_start3A_559 = tpu.memref_slice %arg2[%add3A_535] : memref<16777216xf32, #tpu.memory_space<hbm>> -> memref<4096xf32, #tpu.memory_space<hbm>>
        tpu.enqueue_dma source(%dma_start3A_559 : memref<4096xf32, #tpu.memory_space<hbm>>) target(%dma_start3A_558 : memref<4096xf32, #tpu.memory_space<vmem>>) target_semaphore(%arg15 : memref<!tpu.dma_semaphore, #tpu.memory_space<semaphore_mem>>)
      } else {
      }
      %mul3A_315 = arith.constant 2 : i32
      %mul3A_316 = arith.muli %mul3A_315, %scan3A_162 : i32
      %add3A_317 = arith.constant 1 : i32
      %add3A_318 = arith.addi %mul3A_316, %add3A_317 : i32
      %jit3A_319 = arith.constant 4 : i32
      %div3A_320 = arith.divsi %add3A_318, %jit3A_319 : i32
      %sign3A_321 = arith.constant 0 : i32
      %sign3A_322 = arith.cmpi sgt, %add3A_318, %sign3A_321 : i32
      %sign3A_323 = arith.extui %sign3A_322 : i1 to i32
      %sign3A_324 = arith.constant 0 : i32
      %sign3A_325 = arith.cmpi slt, %add3A_318, %sign3A_324 : i32
      %sign3A_326 = arith.extui %sign3A_325 : i1 to i32
      %sign3A_327 = arith.subi %sign3A_323, %sign3A_326 : i32
      %sign3A_328 = arith.constant 0 : i32
      %sign3A_329 = arith.cmpi sgt, %jit3A_319, %sign3A_328 : i32
      %sign3A_330 = arith.extui %sign3A_329 : i1 to i32
      %sign3A_331 = arith.constant 0 : i32
      %sign3A_332 = arith.cmpi slt, %jit3A_319, %sign3A_331 : i32
      %sign3A_333 = arith.extui %sign3A_332 : i1 to i32
      %sign3A_334 = arith.subi %sign3A_330, %sign3A_333 : i32
      %ne3A_335 = arith.cmpi ne, %sign3A_327, %sign3A_334 : i32
      %rem3A_336 = arith.remsi %add3A_318, %jit3A_319 : i32
      %ne3A_337 = arith.constant 0 : i32
      %ne3A_338 = arith.cmpi ne, %rem3A_336, %ne3A_337 : i32
      %and3A_339 = arith.andi %ne3A_335, %ne3A_338 : i1
      %sub3A_340 = arith.constant 1 : i32
      %sub3A_341 = arith.subi %div3A_320, %sub3A_340 : i32
      %select_n3A_342 = arith.select %and3A_339, %sub3A_341, %div3A_320 : i32
      %add3A_343 = arith.addi %mul3A_2, %select_n3A_342 : i32
      %jit3A_344 = arith.constant 4 : i32
      %eq3A_345 = arith.constant 0 : i32
      %eq3A_346 = arith.cmpi eq, %jit3A_344, %eq3A_345 : i32
      %jit3A_347 = arith.constant 1 : i32
      %select_n3A_348 = arith.select %eq3A_346, %jit3A_347, %jit3A_344 : i32
      %rem3A_349 = arith.remsi %add3A_318, %select_n3A_348 : i32
      %ne3A_350 = arith.constant 0 : i32
      %ne3A_351 = arith.cmpi ne, %rem3A_349, %ne3A_350 : i32
      %lt3A_352 = arith.constant 0 : i32
      %lt3A_353 = arith.cmpi slt, %rem3A_349, %lt3A_352 : i32
      %lt3A_354 = arith.constant 0 : i32
      %lt3A_355 = arith.cmpi slt, %select_n3A_348, %lt3A_354 : i32
      %ne3A_356 = arith.xori %lt3A_353, %lt3A_355 : i1
      %and3A_357 = arith.andi %ne3A_356, %ne3A_351 : i1
      %add3A_358 = arith.addi %rem3A_349, %select_n3A_348 : i32
      %select_n3A_359 = arith.select %and3A_357, %add3A_358, %rem3A_349 : i32
      %mul3A_360 = arith.constant 16384 : i32
      %mul3A_361 = arith.muli %add3A_343, %mul3A_360 : i32
      %mul3A_362 = arith.constant 4096 : i32
      %mul3A_363 = arith.muli %select_n3A_359, %mul3A_362 : i32
      %add3A_364 = arith.addi %mul3A_361, %mul3A_363 : i32
      %add3A_365 = arith.constant 0 : i32
      %add3A_366 = arith.addi %add3A_365, %add3A_364 : i32
      %add3A_367 = arith.constant 4194304 : i32
      %add3A_368 = arith.addi %add3A_367, %add3A_364 : i32
      %add3A_369 = arith.constant 8388608 : i32
      %add3A_370 = arith.addi %add3A_369, %add3A_364 : i32
      %add3A_371 = arith.constant 12582912 : i32
      %add3A_372 = arith.addi %add3A_371, %add3A_364 : i32
      %dma_wait3A_373 = arith.constant 0 : i32
      %dma_wait3A_374 = tpu.memref_slice %arg6[%dma_wait3A_373] : memref<16384xf32, #tpu.memory_space<vmem>> -> memref<4096xf32, #tpu.memory_space<vmem>>
      %dma_wait3A_375 = tpu.memref_slice %arg2[%add3A_366] : memref<16777216xf32, #tpu.memory_space<hbm>> -> memref<4096xf32, #tpu.memory_space<hbm>>
      %dma_wait3A_376 = arith.constant 0 : i32
      %dma_wait3A_377 = tpu.memref_slice %arg6[%dma_wait3A_376] : memref<16384xf32, #tpu.memory_space<vmem>> -> memref<4096xf32, #tpu.memory_space<vmem>>
      %dma_wait3A_378 = tpu.memref_slice %arg2[%add3A_366] : memref<16777216xf32, #tpu.memory_space<hbm>> -> memref<4096xf32, #tpu.memory_space<hbm>>
      tpu.wait_dma2 semaphore(%arg16 : memref<!tpu.dma_semaphore, #tpu.memory_space<semaphore_mem>>) src(%dma_wait3A_378 : memref<4096xf32, #tpu.memory_space<hbm>>) dst(%dma_wait3A_377 : memref<4096xf32, #tpu.memory_space<vmem>>)
      %dma_wait3A_379 = arith.constant 4096 : i32
      %dma_wait3A_380 = tpu.memref_slice %arg6[%dma_wait3A_379] : memref<16384xf32, #tpu.memory_space<vmem>> -> memref<4096xf32, #tpu.memory_space<vmem>>
      %dma_wait3A_381 = tpu.memref_slice %arg2[%add3A_368] : memref<16777216xf32, #tpu.memory_space<hbm>> -> memref<4096xf32, #tpu.memory_space<hbm>>
      %dma_wait3A_382 = arith.constant 4096 : i32
      %dma_wait3A_383 = tpu.memref_slice %arg6[%dma_wait3A_382] : memref<16384xf32, #tpu.memory_space<vmem>> -> memref<4096xf32, #tpu.memory_space<vmem>>
      %dma_wait3A_384 = tpu.memref_slice %arg2[%add3A_368] : memref<16777216xf32, #tpu.memory_space<hbm>> -> memref<4096xf32, #tpu.memory_space<hbm>>
      tpu.wait_dma2 semaphore(%arg16 : memref<!tpu.dma_semaphore, #tpu.memory_space<semaphore_mem>>) src(%dma_wait3A_384 : memref<4096xf32, #tpu.memory_space<hbm>>) dst(%dma_wait3A_383 : memref<4096xf32, #tpu.memory_space<vmem>>)
      %dma_wait3A_385 = arith.constant 8192 : i32
      %dma_wait3A_386 = tpu.memref_slice %arg6[%dma_wait3A_385] : memref<16384xf32, #tpu.memory_space<vmem>> -> memref<4096xf32, #tpu.memory_space<vmem>>
      %dma_wait3A_387 = tpu.memref_slice %arg2[%add3A_370] : memref<16777216xf32, #tpu.memory_space<hbm>> -> memref<4096xf32, #tpu.memory_space<hbm>>
      %dma_wait3A_388 = arith.constant 8192 : i32
      %dma_wait3A_389 = tpu.memref_slice %arg6[%dma_wait3A_388] : memref<16384xf32, #tpu.memory_space<vmem>> -> memref<4096xf32, #tpu.memory_space<vmem>>
      %dma_wait3A_390 = tpu.memref_slice %arg2[%add3A_370] : memref<16777216xf32, #tpu.memory_space<hbm>> -> memref<4096xf32, #tpu.memory_space<hbm>>
      tpu.wait_dma2 semaphore(%arg16 : memref<!tpu.dma_semaphore, #tpu.memory_space<semaphore_mem>>) src(%dma_wait3A_390 : memref<4096xf32, #tpu.memory_space<hbm>>) dst(%dma_wait3A_389 : memref<4096xf32, #tpu.memory_space<vmem>>)
      %dma_wait3A_391 = arith.constant 12288 : i32
      %dma_wait3A_392 = tpu.memref_slice %arg6[%dma_wait3A_391] : memref<16384xf32, #tpu.memory_space<vmem>> -> memref<4096xf32, #tpu.memory_space<vmem>>
      %dma_wait3A_393 = tpu.memref_slice %arg2[%add3A_372] : memref<16777216xf32, #tpu.memory_space<hbm>> -> memref<4096xf32, #tpu.memory_space<hbm>>
      %dma_wait3A_394 = arith.constant 12288 : i32
      %dma_wait3A_395 = tpu.memref_slice %arg6[%dma_wait3A_394] : memref<16384xf32, #tpu.memory_space<vmem>> -> memref<4096xf32, #tpu.memory_space<vmem>>
      %dma_wait3A_396 = tpu.memref_slice %arg2[%add3A_372] : memref<16777216xf32, #tpu.memory_space<hbm>> -> memref<4096xf32, #tpu.memory_space<hbm>>
      tpu.wait_dma2 semaphore(%arg16 : memref<!tpu.dma_semaphore, #tpu.memory_space<semaphore_mem>>) src(%dma_wait3A_396 : memref<4096xf32, #tpu.memory_space<hbm>>) dst(%dma_wait3A_395 : memref<4096xf32, #tpu.memory_space<vmem>>)
      %ge3A_397 = arith.constant 1 : i32
      %ge3A_398 = arith.cmpi sge, %scan3A_162, %ge3A_397 : i32
      %convert_element_type3A_399 = arith.extui %ge3A_398 : i1 to i32
      %cond3A_400 = arith.constant 0 : i32
      %cond3A_401 = arith.cmpi ne, %convert_element_type3A_399, %cond3A_400 : i32
      scf.if %cond3A_401 {
        %sub3A_480 = arith.constant 2 : i32
        %sub3A_481 = arith.subi %add3A_318, %sub3A_480 : i32
        %jit3A_482 = arith.constant 4 : i32
        %div3A_483 = arith.divsi %sub3A_481, %jit3A_482 : i32
        %sign3A_484 = arith.constant 0 : i32
        %sign3A_485 = arith.cmpi sgt, %sub3A_481, %sign3A_484 : i32
        %sign3A_486 = arith.extui %sign3A_485 : i1 to i32
        %sign3A_487 = arith.constant 0 : i32
        %sign3A_488 = arith.cmpi slt, %sub3A_481, %sign3A_487 : i32
        %sign3A_489 = arith.extui %sign3A_488 : i1 to i32
        %sign3A_490 = arith.subi %sign3A_486, %sign3A_489 : i32
        %sign3A_491 = arith.constant 0 : i32
        %sign3A_492 = arith.cmpi sgt, %jit3A_482, %sign3A_491 : i32
        %sign3A_493 = arith.extui %sign3A_492 : i1 to i32
        %sign3A_494 = arith.constant 0 : i32
        %sign3A_495 = arith.cmpi slt, %jit3A_482, %sign3A_494 : i32
        %sign3A_496 = arith.extui %sign3A_495 : i1 to i32
        %sign3A_497 = arith.subi %sign3A_493, %sign3A_496 : i32
        %ne3A_498 = arith.cmpi ne, %sign3A_490, %sign3A_497 : i32
        %rem3A_499 = arith.remsi %sub3A_481, %jit3A_482 : i32
        %ne3A_500 = arith.constant 0 : i32
        %ne3A_501 = arith.cmpi ne, %rem3A_499, %ne3A_500 : i32
        %and3A_502 = arith.andi %ne3A_498, %ne3A_501 : i1
        %sub3A_503 = arith.constant 1 : i32
        %sub3A_504 = arith.subi %div3A_483, %sub3A_503 : i32
        %select_n3A_505 = arith.select %and3A_502, %sub3A_504, %div3A_483 : i32
        %add3A_506 = arith.addi %mul3A_2, %select_n3A_505 : i32
        %jit3A_507 = arith.constant 4 : i32
        %eq3A_508 = arith.constant 0 : i32
        %eq3A_509 = arith.cmpi eq, %jit3A_507, %eq3A_508 : i32
        %jit3A_510 = arith.constant 1 : i32
        %select_n3A_511 = arith.select %eq3A_509, %jit3A_510, %jit3A_507 : i32
        %rem3A_512 = arith.remsi %sub3A_481, %select_n3A_511 : i32
        %ne3A_513 = arith.constant 0 : i32
        %ne3A_514 = arith.cmpi ne, %rem3A_512, %ne3A_513 : i32
        %lt3A_515 = arith.constant 0 : i32
        %lt3A_516 = arith.cmpi slt, %rem3A_512, %lt3A_515 : i32
        %lt3A_517 = arith.constant 0 : i32
        %lt3A_518 = arith.cmpi slt, %select_n3A_511, %lt3A_517 : i32
        %ne3A_519 = arith.xori %lt3A_516, %lt3A_518 : i1
        %and3A_520 = arith.andi %ne3A_519, %ne3A_514 : i1
        %add3A_521 = arith.addi %rem3A_512, %select_n3A_511 : i32
        %select_n3A_522 = arith.select %and3A_520, %add3A_521, %rem3A_512 : i32
        %mul3A_523 = arith.constant 2 : i32
        %mul3A_524 = arith.muli %mul3A_523, %add3A_506 : i32
        %add3A_525 = arith.constant 0 : i32
        %add3A_526 = arith.addi %mul3A_524, %add3A_525 : i32
        %mul3A_527 = arith.constant 32768 : i32
        %mul3A_528 = arith.muli %add3A_526, %mul3A_527 : i32
        %mul3A_529 = arith.constant 8192 : i32
        %mul3A_530 = arith.muli %select_n3A_522, %mul3A_529 : i32
        %add3A_531 = arith.addi %mul3A_528, %mul3A_530 : i32
        %mul3A_532 = arith.constant 2 : i32
        %mul3A_533 = arith.muli %mul3A_532, %add3A_506 : i32
        %add3A_534 = arith.constant 1 : i32
        %add3A_535 = arith.addi %mul3A_533, %add3A_534 : i32
        %mul3A_536 = arith.constant 32768 : i32
        %mul3A_537 = arith.muli %add3A_535, %mul3A_536 : i32
        %mul3A_538 = arith.constant 8192 : i32
        %mul3A_539 = arith.muli %select_n3A_522, %mul3A_538 : i32
        %add3A_540 = arith.addi %mul3A_537, %mul3A_539 : i32
        %dma_wait3A_541 = tpu.memref_slice %arg3[%add3A_531] : memref<16777216xf32, #tpu.memory_space<hbm>> -> memref<8192xf32, #tpu.memory_space<hbm>>
        %dma_wait3A_542 = tpu.memref_slice %arg3[%add3A_531] : memref<16777216xf32, #tpu.memory_space<hbm>> -> memref<8192xf32, #tpu.memory_space<hbm>>
        tpu.wait_dma2 semaphore(%arg18 : memref<!tpu.dma_semaphore, #tpu.memory_space<semaphore_mem>>) src(%arg9 : memref<8192xf32, #tpu.memory_space<vmem>>) dst(%dma_wait3A_542 : memref<8192xf32, #tpu.memory_space<hbm>>)
        %dma_wait3A_543 = tpu.memref_slice %arg4[%add3A_531] : memref<16777216xf32, #tpu.memory_space<hbm>> -> memref<8192xf32, #tpu.memory_space<hbm>>
        %dma_wait3A_544 = tpu.memref_slice %arg4[%add3A_531] : memref<16777216xf32, #tpu.memory_space<hbm>> -> memref<8192xf32, #tpu.memory_space<hbm>>
        tpu.wait_dma2 semaphore(%arg18 : memref<!tpu.dma_semaphore, #tpu.memory_space<semaphore_mem>>) src(%arg13 : memref<8192xf32, #tpu.memory_space<vmem>>) dst(%dma_wait3A_544 : memref<8192xf32, #tpu.memory_space<hbm>>)
        %dma_wait3A_545 = tpu.memref_slice %arg3[%add3A_540] : memref<16777216xf32, #tpu.memory_space<hbm>> -> memref<8192xf32, #tpu.memory_space<hbm>>
        %dma_wait3A_546 = tpu.memref_slice %arg3[%add3A_540] : memref<16777216xf32, #tpu.memory_space<hbm>> -> memref<8192xf32, #tpu.memory_space<hbm>>
        tpu.wait_dma2 semaphore(%arg18 : memref<!tpu.dma_semaphore, #tpu.memory_space<semaphore_mem>>) src(%arg10 : memref<8192xf32, #tpu.memory_space<vmem>>) dst(%dma_wait3A_546 : memref<8192xf32, #tpu.memory_space<hbm>>)
        %dma_wait3A_547 = tpu.memref_slice %arg4[%add3A_540] : memref<16777216xf32, #tpu.memory_space<hbm>> -> memref<8192xf32, #tpu.memory_space<hbm>>
        %dma_wait3A_548 = tpu.memref_slice %arg4[%add3A_540] : memref<16777216xf32, #tpu.memory_space<hbm>> -> memref<8192xf32, #tpu.memory_space<hbm>>
        tpu.wait_dma2 semaphore(%arg18 : memref<!tpu.dma_semaphore, #tpu.memory_space<semaphore_mem>>) src(%arg14 : memref<8192xf32, #tpu.memory_space<vmem>>) dst(%dma_wait3A_548 : memref<8192xf32, #tpu.memory_space<hbm>>)
      } else {
      }
      %scan3A_402 = arith.constant 0 : i32
      %scan3A_403 = arith.constant 0 : i32
      %scan3A_404 = arith.constant 32 : i32
      %scan3A_405 = arith.addi %scan3A_403, %scan3A_404 : i32
      %scan3A_406 = arith.constant 1 : i32
      scf.for %scan3A_480 = %scan3A_403 to %scan3A_405 step %scan3A_406  : i32 {
        %jit3A_481 = arith.constant 8 : i32
        %div3A_482 = arith.divsi %scan3A_480, %jit3A_481 : i32
        %sign3A_483 = arith.constant 0 : i32
        %sign3A_484 = arith.cmpi sgt, %scan3A_480, %sign3A_483 : i32
        %sign3A_485 = arith.extui %sign3A_484 : i1 to i32
        %sign3A_486 = arith.constant 0 : i32
        %sign3A_487 = arith.cmpi slt, %scan3A_480, %sign3A_486 : i32
        %sign3A_488 = arith.extui %sign3A_487 : i1 to i32
        %sign3A_489 = arith.subi %sign3A_485, %sign3A_488 : i32
        %sign3A_490 = arith.constant 0 : i32
        %sign3A_491 = arith.cmpi sgt, %jit3A_481, %sign3A_490 : i32
        %sign3A_492 = arith.extui %sign3A_491 : i1 to i32
        %sign3A_493 = arith.constant 0 : i32
        %sign3A_494 = arith.cmpi slt, %jit3A_481, %sign3A_493 : i32
        %sign3A_495 = arith.extui %sign3A_494 : i1 to i32
        %sign3A_496 = arith.subi %sign3A_492, %sign3A_495 : i32
        %ne3A_497 = arith.cmpi ne, %sign3A_489, %sign3A_496 : i32
        %rem3A_498 = arith.remsi %scan3A_480, %jit3A_481 : i32
        %ne3A_499 = arith.constant 0 : i32
        %ne3A_500 = arith.cmpi ne, %rem3A_498, %ne3A_499 : i32
        %and3A_501 = arith.andi %ne3A_497, %ne3A_500 : i1
        %sub3A_502 = arith.constant 1 : i32
        %sub3A_503 = arith.subi %div3A_482, %sub3A_502 : i32
        %select_n3A_504 = arith.select %and3A_501, %sub3A_503, %div3A_482 : i32
        %jit3A_505 = arith.constant 8 : i32
        %eq3A_506 = arith.constant 0 : i32
        %eq3A_507 = arith.cmpi eq, %jit3A_505, %eq3A_506 : i32
        %jit3A_508 = arith.constant 1 : i32
        %select_n3A_509 = arith.select %eq3A_507, %jit3A_508, %jit3A_505 : i32
        %rem3A_510 = arith.remsi %scan3A_480, %select_n3A_509 : i32
        %ne3A_511 = arith.constant 0 : i32
        %ne3A_512 = arith.cmpi ne, %rem3A_510, %ne3A_511 : i32
        %lt3A_513 = arith.constant 0 : i32
        %lt3A_514 = arith.cmpi slt, %rem3A_510, %lt3A_513 : i32
        %lt3A_515 = arith.constant 0 : i32
        %lt3A_516 = arith.cmpi slt, %select_n3A_509, %lt3A_515 : i32
        %ne3A_517 = arith.xori %lt3A_514, %lt3A_516 : i1
        %and3A_518 = arith.andi %ne3A_517, %ne3A_512 : i1
        %add3A_519 = arith.addi %rem3A_510, %select_n3A_509 : i32
        %select_n3A_520 = arith.select %and3A_518, %add3A_519, %rem3A_510 : i32
        %mul3A_521 = arith.constant 16 : i32
        %mul3A_522 = arith.muli %select_n3A_520, %mul3A_521 : i32
        %mul3A_523 = arith.constant 1024 : i32
        %mul3A_524 = arith.muli %select_n3A_504, %mul3A_523 : i32
        %add3A_525 = arith.addi %mul3A_524, %mul3A_522 : i32
        %jit3A_526 = arith.constant 4 : i32
        %div3A_527 = arith.divsi %scan3A_480, %jit3A_526 : i32
        %sign3A_528 = arith.constant 0 : i32
        %sign3A_529 = arith.cmpi sgt, %scan3A_480, %sign3A_528 : i32
        %sign3A_530 = arith.extui %sign3A_529 : i1 to i32
        %sign3A_531 = arith.constant 0 : i32
        %sign3A_532 = arith.cmpi slt, %scan3A_480, %sign3A_531 : i32
        %sign3A_533 = arith.extui %sign3A_532 : i1 to i32
        %sign3A_534 = arith.subi %sign3A_530, %sign3A_533 : i32
        %sign3A_535 = arith.constant 0 : i32
        %sign3A_536 = arith.cmpi sgt, %jit3A_526, %sign3A_535 : i32
        %sign3A_537 = arith.extui %sign3A_536 : i1 to i32
        %sign3A_538 = arith.constant 0 : i32
        %sign3A_539 = arith.cmpi slt, %jit3A_526, %sign3A_538 : i32
        %sign3A_540 = arith.extui %sign3A_539 : i1 to i32
        %sign3A_541 = arith.subi %sign3A_537, %sign3A_540 : i32
        %ne3A_542 = arith.cmpi ne, %sign3A_534, %sign3A_541 : i32
        %rem3A_543 = arith.remsi %scan3A_480, %jit3A_526 : i32
        %ne3A_544 = arith.constant 0 : i32
        %ne3A_545 = arith.cmpi ne, %rem3A_543, %ne3A_544 : i32
        %and3A_546 = arith.andi %ne3A_542, %ne3A_545 : i1
        %sub3A_547 = arith.constant 1 : i32
        %sub3A_548 = arith.subi %div3A_527, %sub3A_547 : i32
        %select_n3A_549 = arith.select %and3A_546, %sub3A_548, %div3A_527 : i32
        %mul3A_550 = arith.constant 32 : i32
        %mul3A_551 = arith.muli %scan3A_480, %mul3A_550 : i32
        %jit3A_552 = arith.constant 128 : i32
        %eq3A_553 = arith.constant 0 : i32
        %eq3A_554 = arith.cmpi eq, %jit3A_552, %eq3A_553 : i32
        %jit3A_555 = arith.constant 1 : i32
        %select_n3A_556 = arith.select %eq3A_554, %jit3A_555, %jit3A_552 : i32
        %rem3A_557 = arith.remsi %mul3A_551, %select_n3A_556 : i32
        %ne3A_558 = arith.constant 0 : i32
        %ne3A_559 = arith.cmpi ne, %rem3A_557, %ne3A_558 : i32
        %lt3A_560 = arith.constant 0 : i32
        %lt3A_561 = arith.cmpi slt, %rem3A_557, %lt3A_560 : i32
        %lt3A_562 = arith.constant 0 : i32
        %lt3A_563 = arith.cmpi slt, %select_n3A_556, %lt3A_562 : i32
        %ne3A_564 = arith.xori %lt3A_561, %lt3A_563 : i1
        %and3A_565 = arith.andi %ne3A_564, %ne3A_559 : i1
        %add3A_566 = arith.addi %rem3A_557, %select_n3A_556 : i32
        %select_n3A_567 = arith.select %and3A_565, %add3A_566, %rem3A_557 : i32
        %mul3A_568 = arith.constant 1024 : i32
        %mul3A_569 = arith.muli %select_n3A_549, %mul3A_568 : i32
        %add3A_570 = arith.addi %mul3A_569, %select_n3A_567 : i32
        %add3A_571 = arith.constant 0 : i32
        %add3A_572 = arith.addi %add3A_571, %add3A_525 : i32
        %add3A_573 = arith.constant 0 : i32
        %add3A_574 = arith.addi %add3A_572, %add3A_573 : i32
        %get3A = arith.index_cast %add3A_574 : i32 to index
        %get3A_575 = tpu.vector_load %arg6[%get3A] {strides = array<i32>} : memref<16384xf32, #tpu.memory_space<vmem>>, vector<16xf32>,
        %add3A_576 = arith.constant 4096 : i32
        %add3A_577 = arith.addi %add3A_576, %add3A_525 : i32
        %add3A_578 = arith.constant 0 : i32
        %add3A_579 = arith.addi %add3A_577, %add3A_578 : i32
        %get3A_580 = arith.index_cast %add3A_579 : i32 to index
        %get3A_581 = tpu.vector_load %arg6[%get3A_580] {strides = array<i32>} : memref<16384xf32, #tpu.memory_space<vmem>>, vector<16xf32>,
        %add3A_582 = arith.constant 8192 : i32
        %add3A_583 = arith.addi %add3A_582, %add3A_525 : i32
        %add3A_584 = arith.constant 0 : i32
        %add3A_585 = arith.addi %add3A_583, %add3A_584 : i32
        %get3A_586 = arith.index_cast %add3A_585 : i32 to index
        %get3A_587 = tpu.vector_load %arg6[%get3A_586] {strides = array<i32>} : memref<16384xf32, #tpu.memory_space<vmem>>, vector<16xf32>,
        %add3A_588 = arith.constant 12288 : i32
        %add3A_589 = arith.addi %add3A_588, %add3A_525 : i32
        %add3A_590 = arith.constant 0 : i32
        %add3A_591 = arith.addi %add3A_589, %add3A_590 : i32
        %get3A_592 = arith.index_cast %add3A_591 : i32 to index
        %get3A_593 = tpu.vector_load %arg6[%get3A_592] {strides = array<i32>} : memref<16384xf32, #tpu.memory_space<vmem>>, vector<16xf32>,
        %add3A_594 = arith.constant 0 : i32
        %add3A_595 = arith.addi %add3A_570, %add3A_594 : i32
        %add3A_596 = vector.broadcast %add3A_595 : i32 to vector<16xi32>
        %add3A_597 = arith.addi %mul3A_5, %add3A_596 : vector<16xi32>
        %add3A_598 = arith.constant 1 : i32
        %add3A_599 = vector.broadcast %add3A_598 : i32 to vector<16xi32>
        %add3A_600 = arith.addi %add3A_597, %add3A_599 : vector<16xi32>
        %add3A_601 = arith.constant 128 : i32
        %add3A_602 = arith.addi %add3A_570, %add3A_601 : i32
        %add3A_603 = vector.broadcast %add3A_602 : i32 to vector<16xi32>
        %add3A_604 = arith.addi %mul3A_5, %add3A_603 : vector<16xi32>
        %add3A_605 = arith.constant 1 : i32
        %add3A_606 = vector.broadcast %add3A_605 : i32 to vector<16xi32>
        %add3A_607 = arith.addi %add3A_604, %add3A_606 : vector<16xi32>
        tpu.vector_store_idx %arg9[%add3A_597], %get3A_575 : memref<8192xf32, #tpu.memory_space<vmem>>[vector<16xi32>], vector<16xf32>,
        tpu.vector_store_idx %arg9[%add3A_600], %get3A_587 : memref<8192xf32, #tpu.memory_space<vmem>>[vector<16xi32>], vector<16xf32>,
        tpu.vector_store_idx %arg9[%add3A_604], %get3A_581 : memref<8192xf32, #tpu.memory_space<vmem>>[vector<16xi32>], vector<16xf32>,
        tpu.vector_store_idx %arg9[%add3A_607], %get3A_593 : memref<8192xf32, #tpu.memory_space<vmem>>[vector<16xi32>], vector<16xf32>,
        %add3A_608 = arith.addf %get3A_575, %get3A_581 : vector<16xf32>
        %add3A_609 = arith.constant 1.000000e+00 : f32
        %add3A_610 = vector.broadcast %add3A_609 : f32 to vector<16xf32>
        %add3A_611 = arith.addf %add3A_608, %add3A_610 : vector<16xf32>
        %add3A_612 = arith.constant 1.000000e+00 : f32
        %add3A_613 = vector.broadcast %add3A_612 : f32 to vector<16xf32>
        %add3A_614 = arith.addf %get3A_575, %add3A_613 : vector<16xf32>
        %mul3A_615 = arith.constant 5.000000e-01 : f32
        %mul3A_616 = vector.broadcast %mul3A_615 : f32 to vector<16xf32>
        %mul3A_617 = arith.mulf %add3A_614, %mul3A_616 : vector<16xf32>
        %mul3A_618 = arith.constant 0.333333343 : f32
        %mul3A_619 = vector.broadcast %mul3A_618 : f32 to vector<16xf32>
        %mul3A_620 = arith.mulf %add3A_611, %mul3A_619 : vector<16xf32>
        %add3A_621 = arith.addf %add3A_611, %get3A_587 : vector<16xf32>
        %mul3A_622 = arith.constant 2.500000e-01 : f32
        %mul3A_623 = vector.broadcast %mul3A_622 : f32 to vector<16xf32>
        %mul3A_624 = arith.mulf %add3A_621, %mul3A_623 : vector<16xf32>
        tpu.vector_store_idx %arg13[%add3A_600], %mul3A_620 : memref<8192xf32, #tpu.memory_space<vmem>>[vector<16xi32>], vector<16xf32>,
        tpu.vector_store_idx %arg13[%add3A_604], %mul3A_617 : memref<8192xf32, #tpu.memory_space<vmem>>[vector<16xi32>], vector<16xf32>,
        tpu.vector_store_idx %arg13[%add3A_607], %mul3A_624 : memref<8192xf32, #tpu.memory_space<vmem>>[vector<16xi32>], vector<16xf32>,
        %add3A_625 = arith.constant 0 : i32
        %add3A_626 = arith.addi %add3A_625, %add3A_525 : i32
        %add3A_627 = arith.constant 128 : i32
        %add3A_628 = arith.addi %add3A_626, %add3A_627 : i32
        %get3A_629 = arith.index_cast %add3A_628 : i32 to index
        %get3A_630 = tpu.vector_load %arg6[%get3A_629] {strides = array<i32>} : memref<16384xf32, #tpu.memory_space<vmem>>, vector<16xf32>,
        %add3A_631 = arith.constant 4096 : i32
        %add3A_632 = arith.addi %add3A_631, %add3A_525 : i32
        %add3A_633 = arith.constant 128 : i32
        %add3A_634 = arith.addi %add3A_632, %add3A_633 : i32
        %get3A_635 = arith.index_cast %add3A_634 : i32 to index
        %get3A_636 = tpu.vector_load %arg6[%get3A_635] {strides = array<i32>} : memref<16384xf32, #tpu.memory_space<vmem>>, vector<16xf32>,
        %add3A_637 = arith.constant 8192 : i32
        %add3A_638 = arith.addi %add3A_637, %add3A_525 : i32
        %add3A_639 = arith.constant 128 : i32
        %add3A_640 = arith.addi %add3A_638, %add3A_639 : i32
        %get3A_641 = arith.index_cast %add3A_640 : i32 to index
        %get3A_642 = tpu.vector_load %arg6[%get3A_641] {strides = array<i32>} : memref<16384xf32, #tpu.memory_space<vmem>>, vector<16xf32>,
        %add3A_643 = arith.constant 12288 : i32
        %add3A_644 = arith.addi %add3A_643, %add3A_525 : i32
        %add3A_645 = arith.constant 128 : i32
        %add3A_646 = arith.addi %add3A_644, %add3A_645 : i32
        %get3A_647 = arith.index_cast %add3A_646 : i32 to index
        %get3A_648 = tpu.vector_load %arg6[%get3A_647] {strides = array<i32>} : memref<16384xf32, #tpu.memory_space<vmem>>, vector<16xf32>,
        %add3A_649 = arith.constant 256 : i32
        %add3A_650 = arith.addi %add3A_570, %add3A_649 : i32
        %add3A_651 = vector.broadcast %add3A_650 : i32 to vector<16xi32>
        %add3A_652 = arith.addi %mul3A_5, %add3A_651 : vector<16xi32>
        %add3A_653 = arith.constant 1 : i32
        %add3A_654 = vector.broadcast %add3A_653 : i32 to vector<16xi32>
        %add3A_655 = arith.addi %add3A_652, %add3A_654 : vector<16xi32>
        %add3A_656 = arith.constant 384 : i32
        %add3A_657 = arith.addi %add3A_570, %add3A_656 : i32
        %add3A_658 = vector.broadcast %add3A_657 : i32 to vector<16xi32>
        %add3A_659 = arith.addi %mul3A_5, %add3A_658 : vector<16xi32>
        %add3A_660 = arith.constant 1 : i32
        %add3A_661 = vector.broadcast %add3A_660 : i32 to vector<16xi32>
        %add3A_662 = arith.addi %add3A_659, %add3A_661 : vector<16xi32>
        tpu.vector_store_idx %arg9[%add3A_652], %get3A_630 : memref<8192xf32, #tpu.memory_space<vmem>>[vector<16xi32>], vector<16xf32>,
        tpu.vector_store_idx %arg9[%add3A_655], %get3A_642 : memref<8192xf32, #tpu.memory_space<vmem>>[vector<16xi32>], vector<16xf32>,
        tpu.vector_store_idx %arg9[%add3A_659], %get3A_636 : memref<8192xf32, #tpu.memory_space<vmem>>[vector<16xi32>], vector<16xf32>,
        tpu.vector_store_idx %arg9[%add3A_662], %get3A_648 : memref<8192xf32, #tpu.memory_space<vmem>>[vector<16xi32>], vector<16xf32>,
        %add3A_663 = arith.addf %get3A_630, %get3A_636 : vector<16xf32>
        %add3A_664 = arith.constant 1.000000e+00 : f32
        %add3A_665 = vector.broadcast %add3A_664 : f32 to vector<16xf32>
        %add3A_666 = arith.addf %add3A_663, %add3A_665 : vector<16xf32>
        %add3A_667 = arith.constant 1.000000e+00 : f32
        %add3A_668 = vector.broadcast %add3A_667 : f32 to vector<16xf32>
        %add3A_669 = arith.addf %get3A_630, %add3A_668 : vector<16xf32>
        %mul3A_670 = arith.constant 5.000000e-01 : f32
        %mul3A_671 = vector.broadcast %mul3A_670 : f32 to vector<16xf32>
        %mul3A_672 = arith.mulf %add3A_669, %mul3A_671 : vector<16xf32>
        %mul3A_673 = arith.constant 0.333333343 : f32
        %mul3A_674 = vector.broadcast %mul3A_673 : f32 to vector<16xf32>
        %mul3A_675 = arith.mulf %add3A_666, %mul3A_674 : vector<16xf32>
        %add3A_676 = arith.addf %add3A_666, %get3A_642 : vector<16xf32>
        %mul3A_677 = arith.constant 2.500000e-01 : f32
        %mul3A_678 = vector.broadcast %mul3A_677 : f32 to vector<16xf32>
        %mul3A_679 = arith.mulf %add3A_676, %mul3A_678 : vector<16xf32>
        tpu.vector_store_idx %arg13[%add3A_655], %mul3A_675 : memref<8192xf32, #tpu.memory_space<vmem>>[vector<16xi32>], vector<16xf32>,
        tpu.vector_store_idx %arg13[%add3A_659], %mul3A_672 : memref<8192xf32, #tpu.memory_space<vmem>>[vector<16xi32>], vector<16xf32>,
        tpu.vector_store_idx %arg13[%add3A_662], %mul3A_679 : memref<8192xf32, #tpu.memory_space<vmem>>[vector<16xi32>], vector<16xf32>,
        %add3A_680 = arith.constant 0 : i32
        %add3A_681 = arith.addi %add3A_680, %add3A_525 : i32
        %add3A_682 = arith.constant 256 : i32
        %add3A_683 = arith.addi %add3A_681, %add3A_682 : i32
        %get3A_684 = arith.index_cast %add3A_683 : i32 to index
        %get3A_685 = tpu.vector_load %arg6[%get3A_684] {strides = array<i32>} : memref<16384xf32, #tpu.memory_space<vmem>>, vector<16xf32>,
        %add3A_686 = arith.constant 4096 : i32
        %add3A_687 = arith.addi %add3A_686, %add3A_525 : i32
        %add3A_688 = arith.constant 256 : i32
        %add3A_689 = arith.addi %add3A_687, %add3A_688 : i32
        %get3A_690 = arith.index_cast %add3A_689 : i32 to index
        %get3A_691 = tpu.vector_load %arg6[%get3A_690] {strides = array<i32>} : memref<16384xf32, #tpu.memory_space<vmem>>, vector<16xf32>,
        %add3A_692 = arith.constant 8192 : i32
        %add3A_693 = arith.addi %add3A_692, %add3A_525 : i32
        %add3A_694 = arith.constant 256 : i32
        %add3A_695 = arith.addi %add3A_693, %add3A_694 : i32
        %get3A_696 = arith.index_cast %add3A_695 : i32 to index
        %get3A_697 = tpu.vector_load %arg6[%get3A_696] {strides = array<i32>} : memref<16384xf32, #tpu.memory_space<vmem>>, vector<16xf32>,
        %add3A_698 = arith.constant 12288 : i32
        %add3A_699 = arith.addi %add3A_698, %add3A_525 : i32
        %add3A_700 = arith.constant 256 : i32
        %add3A_701 = arith.addi %add3A_699, %add3A_700 : i32
        %get3A_702 = arith.index_cast %add3A_701 : i32 to index
        %get3A_703 = tpu.vector_load %arg6[%get3A_702] {strides = array<i32>} : memref<16384xf32, #tpu.memory_space<vmem>>, vector<16xf32>,
        %add3A_704 = arith.constant 512 : i32
        %add3A_705 = arith.addi %add3A_570, %add3A_704 : i32
        %add3A_706 = vector.broadcast %add3A_705 : i32 to vector<16xi32>
        %add3A_707 = arith.addi %mul3A_5, %add3A_706 : vector<16xi32>
        %add3A_708 = arith.constant 1 : i32
        %add3A_709 = vector.broadcast %add3A_708 : i32 to vector<16xi32>
        %add3A_710 = arith.addi %add3A_707, %add3A_709 : vector<16xi32>
        %add3A_711 = arith.constant 640 : i32
        %add3A_712 = arith.addi %add3A_570, %add3A_711 : i32
        %add3A_713 = vector.broadcast %add3A_712 : i32 to vector<16xi32>
        %add3A_714 = arith.addi %mul3A_5, %add3A_713 : vector<16xi32>
        %add3A_715 = arith.constant 1 : i32
        %add3A_716 = vector.broadcast %add3A_715 : i32 to vector<16xi32>
        %add3A_717 = arith.addi %add3A_714, %add3A_716 : vector<16xi32>
        tpu.vector_store_idx %arg9[%add3A_707], %get3A_685 : memref<8192xf32, #tpu.memory_space<vmem>>[vector<16xi32>], vector<16xf32>,
        tpu.vector_store_idx %arg9[%add3A_710], %get3A_697 : memref<8192xf32, #tpu.memory_space<vmem>>[vector<16xi32>], vector<16xf32>,
        tpu.vector_store_idx %arg9[%add3A_714], %get3A_691 : memref<8192xf32, #tpu.memory_space<vmem>>[vector<16xi32>], vector<16xf32>,
        tpu.vector_store_idx %arg9[%add3A_717], %get3A_703 : memref<8192xf32, #tpu.memory_space<vmem>>[vector<16xi32>], vector<16xf32>,
        %add3A_718 = arith.addf %get3A_685, %get3A_691 : vector<16xf32>
        %add3A_719 = arith.constant 1.000000e+00 : f32
        %add3A_720 = vector.broadcast %add3A_719 : f32 to vector<16xf32>
        %add3A_721 = arith.addf %add3A_718, %add3A_720 : vector<16xf32>
        %add3A_722 = arith.constant 1.000000e+00 : f32
        %add3A_723 = vector.broadcast %add3A_722 : f32 to vector<16xf32>
        %add3A_724 = arith.addf %get3A_685, %add3A_723 : vector<16xf32>
        %mul3A_725 = arith.constant 5.000000e-01 : f32
        %mul3A_726 = vector.broadcast %mul3A_725 : f32 to vector<16xf32>
        %mul3A_727 = arith.mulf %add3A_724, %mul3A_726 : vector<16xf32>
        %mul3A_728 = arith.constant 0.333333343 : f32
        %mul3A_729 = vector.broadcast %mul3A_728 : f32 to vector<16xf32>
        %mul3A_730 = arith.mulf %add3A_721, %mul3A_729 : vector<16xf32>
        %add3A_731 = arith.addf %add3A_721, %get3A_697 : vector<16xf32>
        %mul3A_732 = arith.constant 2.500000e-01 : f32
        %mul3A_733 = vector.broadcast %mul3A_732 : f32 to vector<16xf32>
        %mul3A_734 = arith.mulf %add3A_731, %mul3A_733 : vector<16xf32>
        tpu.vector_store_idx %arg13[%add3A_710], %mul3A_730 : memref<8192xf32, #tpu.memory_space<vmem>>[vector<16xi32>], vector<16xf32>,
        tpu.vector_store_idx %arg13[%add3A_714], %mul3A_727 : memref<8192xf32, #tpu.memory_space<vmem>>[vector<16xi32>], vector<16xf32>,
        tpu.vector_store_idx %arg13[%add3A_717], %mul3A_734 : memref<8192xf32, #tpu.memory_space<vmem>>[vector<16xi32>], vector<16xf32>,
        %add3A_735 = arith.constant 0 : i32
        %add3A_736 = arith.addi %add3A_735, %add3A_525 : i32
        %add3A_737 = arith.constant 384 : i32
        %add3A_738 = arith.addi %add3A_736, %add3A_737 : i32
        %get3A_739 = arith.index_cast %add3A_738 : i32 to index
        %get3A_740 = tpu.vector_load %arg6[%get3A_739] {strides = array<i32>} : memref<16384xf32, #tpu.memory_space<vmem>>, vector<16xf32>,
        %add3A_741 = arith.constant 4096 : i32
        %add3A_742 = arith.addi %add3A_741, %add3A_525 : i32
        %add3A_743 = arith.constant 384 : i32
        %add3A_744 = arith.addi %add3A_742, %add3A_743 : i32
        %get3A_745 = arith.index_cast %add3A_744 : i32 to index
        %get3A_746 = tpu.vector_load %arg6[%get3A_745] {strides = array<i32>} : memref<16384xf32, #tpu.memory_space<vmem>>, vector<16xf32>,
        %add3A_747 = arith.constant 8192 : i32
        %add3A_748 = arith.addi %add3A_747, %add3A_525 : i32
        %add3A_749 = arith.constant 384 : i32
        %add3A_750 = arith.addi %add3A_748, %add3A_749 : i32
        %get3A_751 = arith.index_cast %add3A_750 : i32 to index
        %get3A_752 = tpu.vector_load %arg6[%get3A_751] {strides = array<i32>} : memref<16384xf32, #tpu.memory_space<vmem>>, vector<16xf32>,
        %add3A_753 = arith.constant 12288 : i32
        %add3A_754 = arith.addi %add3A_753, %add3A_525 : i32
        %add3A_755 = arith.constant 384 : i32
        %add3A_756 = arith.addi %add3A_754, %add3A_755 : i32
        %get3A_757 = arith.index_cast %add3A_756 : i32 to index
        %get3A_758 = tpu.vector_load %arg6[%get3A_757] {strides = array<i32>} : memref<16384xf32, #tpu.memory_space<vmem>>, vector<16xf32>,
        %add3A_759 = arith.constant 768 : i32
        %add3A_760 = arith.addi %add3A_570, %add3A_759 : i32
        %add3A_761 = vector.broadcast %add3A_760 : i32 to vector<16xi32>
        %add3A_762 = arith.addi %mul3A_5, %add3A_761 : vector<16xi32>
        %add3A_763 = arith.constant 1 : i32
        %add3A_764 = vector.broadcast %add3A_763 : i32 to vector<16xi32>
        %add3A_765 = arith.addi %add3A_762, %add3A_764 : vector<16xi32>
        %add3A_766 = arith.constant 896 : i32
        %add3A_767 = arith.addi %add3A_570, %add3A_766 : i32
        %add3A_768 = vector.broadcast %add3A_767 : i32 to vector<16xi32>
        %add3A_769 = arith.addi %mul3A_5, %add3A_768 : vector<16xi32>
        %add3A_770 = arith.constant 1 : i32
        %add3A_771 = vector.broadcast %add3A_770 : i32 to vector<16xi32>
        %add3A_772 = arith.addi %add3A_769, %add3A_771 : vector<16xi32>
        tpu.vector_store_idx %arg9[%add3A_762], %get3A_740 : memref<8192xf32, #tpu.memory_space<vmem>>[vector<16xi32>], vector<16xf32>,
        tpu.vector_store_idx %arg9[%add3A_765], %get3A_752 : memref<8192xf32, #tpu.memory_space<vmem>>[vector<16xi32>], vector<16xf32>,
        tpu.vector_store_idx %arg9[%add3A_769], %get3A_746 : memref<8192xf32, #tpu.memory_space<vmem>>[vector<16xi32>], vector<16xf32>,
        tpu.vector_store_idx %arg9[%add3A_772], %get3A_758 : memref<8192xf32, #tpu.memory_space<vmem>>[vector<16xi32>], vector<16xf32>,
        %add3A_773 = arith.addf %get3A_740, %get3A_746 : vector<16xf32>
        %add3A_774 = arith.constant 1.000000e+00 : f32
        %add3A_775 = vector.broadcast %add3A_774 : f32 to vector<16xf32>
        %add3A_776 = arith.addf %add3A_773, %add3A_775 : vector<16xf32>
        %add3A_777 = arith.constant 1.000000e+00 : f32
        %add3A_778 = vector.broadcast %add3A_777 : f32 to vector<16xf32>
        %add3A_779 = arith.addf %get3A_740, %add3A_778 : vector<16xf32>
        %mul3A_780 = arith.constant 5.000000e-01 : f32
        %mul3A_781 = vector.broadcast %mul3A_780 : f32 to vector<16xf32>
        %mul3A_782 = arith.mulf %add3A_779, %mul3A_781 : vector<16xf32>
        %mul3A_783 = arith.constant 0.333333343 : f32
        %mul3A_784 = vector.broadcast %mul3A_783 : f32 to vector<16xf32>
        %mul3A_785 = arith.mulf %add3A_776, %mul3A_784 : vector<16xf32>
        %add3A_786 = arith.addf %add3A_776, %get3A_752 : vector<16xf32>
        %mul3A_787 = arith.constant 2.500000e-01 : f32
        %mul3A_788 = vector.broadcast %mul3A_787 : f32 to vector<16xf32>
        %mul3A_789 = arith.mulf %add3A_786, %mul3A_788 : vector<16xf32>
        tpu.vector_store_idx %arg13[%add3A_765], %mul3A_785 : memref<8192xf32, #tpu.memory_space<vmem>>[vector<16xi32>], vector<16xf32>,
        tpu.vector_store_idx %arg13[%add3A_769], %mul3A_782 : memref<8192xf32, #tpu.memory_space<vmem>>[vector<16xi32>], vector<16xf32>,
        tpu.vector_store_idx %arg13[%add3A_772], %mul3A_789 : memref<8192xf32, #tpu.memory_space<vmem>>[vector<16xi32>], vector<16xf32>,
        %add3A_790 = arith.constant 0 : i32
        %add3A_791 = arith.addi %add3A_790, %add3A_525 : i32
        %add3A_792 = arith.constant 512 : i32
        %add3A_793 = arith.addi %add3A_791, %add3A_792 : i32
        %get3A_794 = arith.index_cast %add3A_793 : i32 to index
        %get3A_795 = tpu.vector_load %arg6[%get3A_794] {strides = array<i32>} : memref<16384xf32, #tpu.memory_space<vmem>>, vector<16xf32>,
        %add3A_796 = arith.constant 4096 : i32
        %add3A_797 = arith.addi %add3A_796, %add3A_525 : i32
        %add3A_798 = arith.constant 512 : i32
        %add3A_799 = arith.addi %add3A_797, %add3A_798 : i32
        %get3A_800 = arith.index_cast %add3A_799 : i32 to index
        %get3A_801 = tpu.vector_load %arg6[%get3A_800] {strides = array<i32>} : memref<16384xf32, #tpu.memory_space<vmem>>, vector<16xf32>,
        %add3A_802 = arith.constant 8192 : i32
        %add3A_803 = arith.addi %add3A_802, %add3A_525 : i32
        %add3A_804 = arith.constant 512 : i32
        %add3A_805 = arith.addi %add3A_803, %add3A_804 : i32
        %get3A_806 = arith.index_cast %add3A_805 : i32 to index
        %get3A_807 = tpu.vector_load %arg6[%get3A_806] {strides = array<i32>} : memref<16384xf32, #tpu.memory_space<vmem>>, vector<16xf32>,
        %add3A_808 = arith.constant 12288 : i32
        %add3A_809 = arith.addi %add3A_808, %add3A_525 : i32
        %add3A_810 = arith.constant 512 : i32
        %add3A_811 = arith.addi %add3A_809, %add3A_810 : i32
        %get3A_812 = arith.index_cast %add3A_811 : i32 to index
        %get3A_813 = tpu.vector_load %arg6[%get3A_812] {strides = array<i32>} : memref<16384xf32, #tpu.memory_space<vmem>>, vector<16xf32>,
        %add3A_814 = arith.constant 0 : i32
        %add3A_815 = arith.addi %add3A_570, %add3A_814 : i32
        %add3A_816 = vector.broadcast %add3A_815 : i32 to vector<16xi32>
        %add3A_817 = arith.addi %mul3A_5, %add3A_816 : vector<16xi32>
        %add3A_818 = arith.constant 1 : i32
        %add3A_819 = vector.broadcast %add3A_818 : i32 to vector<16xi32>
        %add3A_820 = arith.addi %add3A_817, %add3A_819 : vector<16xi32>
        %add3A_821 = arith.constant 128 : i32
        %add3A_822 = arith.addi %add3A_570, %add3A_821 : i32
        %add3A_823 = vector.broadcast %add3A_822 : i32 to vector<16xi32>
        %add3A_824 = arith.addi %mul3A_5, %add3A_823 : vector<16xi32>
        %add3A_825 = arith.constant 1 : i32
        %add3A_826 = vector.broadcast %add3A_825 : i32 to vector<16xi32>
        %add3A_827 = arith.addi %add3A_824, %add3A_826 : vector<16xi32>
        tpu.vector_store_idx %arg10[%add3A_817], %get3A_795 : memref<8192xf32, #tpu.memory_space<vmem>>[vector<16xi32>], vector<16xf32>,
        tpu.vector_store_idx %arg10[%add3A_820], %get3A_807 : memref<8192xf32, #tpu.memory_space<vmem>>[vector<16xi32>], vector<16xf32>,
        tpu.vector_store_idx %arg10[%add3A_824], %get3A_801 : memref<8192xf32, #tpu.memory_space<vmem>>[vector<16xi32>], vector<16xf32>,
        tpu.vector_store_idx %arg10[%add3A_827], %get3A_813 : memref<8192xf32, #tpu.memory_space<vmem>>[vector<16xi32>], vector<16xf32>,
        %add3A_828 = arith.addf %get3A_795, %get3A_801 : vector<16xf32>
        %add3A_829 = arith.constant 1.000000e+00 : f32
        %add3A_830 = vector.broadcast %add3A_829 : f32 to vector<16xf32>
        %add3A_831 = arith.addf %add3A_828, %add3A_830 : vector<16xf32>
        %add3A_832 = arith.constant 1.000000e+00 : f32
        %add3A_833 = vector.broadcast %add3A_832 : f32 to vector<16xf32>
        %add3A_834 = arith.addf %get3A_795, %add3A_833 : vector<16xf32>
        %mul3A_835 = arith.constant 5.000000e-01 : f32
        %mul3A_836 = vector.broadcast %mul3A_835 : f32 to vector<16xf32>
        %mul3A_837 = arith.mulf %add3A_834, %mul3A_836 : vector<16xf32>
        %mul3A_838 = arith.constant 0.333333343 : f32
        %mul3A_839 = vector.broadcast %mul3A_838 : f32 to vector<16xf32>
        %mul3A_840 = arith.mulf %add3A_831, %mul3A_839 : vector<16xf32>
        %add3A_841 = arith.addf %add3A_831, %get3A_807 : vector<16xf32>
        %mul3A_842 = arith.constant 2.500000e-01 : f32
        %mul3A_843 = vector.broadcast %mul3A_842 : f32 to vector<16xf32>
        %mul3A_844 = arith.mulf %add3A_841, %mul3A_843 : vector<16xf32>
        tpu.vector_store_idx %arg14[%add3A_820], %mul3A_840 : memref<8192xf32, #tpu.memory_space<vmem>>[vector<16xi32>], vector<16xf32>,
        tpu.vector_store_idx %arg14[%add3A_824], %mul3A_837 : memref<8192xf32, #tpu.memory_space<vmem>>[vector<16xi32>], vector<16xf32>,
        tpu.vector_store_idx %arg14[%add3A_827], %mul3A_844 : memref<8192xf32, #tpu.memory_space<vmem>>[vector<16xi32>], vector<16xf32>,
        %add3A_845 = arith.constant 0 : i32
        %add3A_846 = arith.addi %add3A_845, %add3A_525 : i32
        %add3A_847 = arith.constant 640 : i32
        %add3A_848 = arith.addi %add3A_846, %add3A_847 : i32
        %get3A_849 = arith.index_cast %add3A_848 : i32 to index
        %get3A_850 = tpu.vector_load %arg6[%get3A_849] {strides = array<i32>} : memref<16384xf32, #tpu.memory_space<vmem>>, vector<16xf32>,
        %add3A_851 = arith.constant 4096 : i32
        %add3A_852 = arith.addi %add3A_851, %add3A_525 : i32
        %add3A_853 = arith.constant 640 : i32
        %add3A_854 = arith.addi %add3A_852, %add3A_853 : i32
        %get3A_855 = arith.index_cast %add3A_854 : i32 to index
        %get3A_856 = tpu.vector_load %arg6[%get3A_855] {strides = array<i32>} : memref<16384xf32, #tpu.memory_space<vmem>>, vector<16xf32>,
        %add3A_857 = arith.constant 8192 : i32
        %add3A_858 = arith.addi %add3A_857, %add3A_525 : i32
        %add3A_859 = arith.constant 640 : i32
        %add3A_860 = arith.addi %add3A_858, %add3A_859 : i32
        %get3A_861 = arith.index_cast %add3A_860 : i32 to index
        %get3A_862 = tpu.vector_load %arg6[%get3A_861] {strides = array<i32>} : memref<16384xf32, #tpu.memory_space<vmem>>, vector<16xf32>,
        %add3A_863 = arith.constant 12288 : i32
        %add3A_864 = arith.addi %add3A_863, %add3A_525 : i32
        %add3A_865 = arith.constant 640 : i32
        %add3A_866 = arith.addi %add3A_864, %add3A_865 : i32
        %get3A_867 = arith.index_cast %add3A_866 : i32 to index
        %get3A_868 = tpu.vector_load %arg6[%get3A_867] {strides = array<i32>} : memref<16384xf32, #tpu.memory_space<vmem>>, vector<16xf32>,
        %add3A_869 = arith.constant 256 : i32
        %add3A_870 = arith.addi %add3A_570, %add3A_869 : i32
        %add3A_871 = vector.broadcast %add3A_870 : i32 to vector<16xi32>
        %add3A_872 = arith.addi %mul3A_5, %add3A_871 : vector<16xi32>
        %add3A_873 = arith.constant 1 : i32
        %add3A_874 = vector.broadcast %add3A_873 : i32 to vector<16xi32>
        %add3A_875 = arith.addi %add3A_872, %add3A_874 : vector<16xi32>
        %add3A_876 = arith.constant 384 : i32
        %add3A_877 = arith.addi %add3A_570, %add3A_876 : i32
        %add3A_878 = vector.broadcast %add3A_877 : i32 to vector<16xi32>
        %add3A_879 = arith.addi %mul3A_5, %add3A_878 : vector<16xi32>
        %add3A_880 = arith.constant 1 : i32
        %add3A_881 = vector.broadcast %add3A_880 : i32 to vector<16xi32>
        %add3A_882 = arith.addi %add3A_879, %add3A_881 : vector<16xi32>
        tpu.vector_store_idx %arg10[%add3A_872], %get3A_850 : memref<8192xf32, #tpu.memory_space<vmem>>[vector<16xi32>], vector<16xf32>,
        tpu.vector_store_idx %arg10[%add3A_875], %get3A_862 : memref<8192xf32, #tpu.memory_space<vmem>>[vector<16xi32>], vector<16xf32>,
        tpu.vector_store_idx %arg10[%add3A_879], %get3A_856 : memref<8192xf32, #tpu.memory_space<vmem>>[vector<16xi32>], vector<16xf32>,
        tpu.vector_store_idx %arg10[%add3A_882], %get3A_868 : memref<8192xf32, #tpu.memory_space<vmem>>[vector<16xi32>], vector<16xf32>,
        %add3A_883 = arith.addf %get3A_850, %get3A_856 : vector<16xf32>
        %add3A_884 = arith.constant 1.000000e+00 : f32
        %add3A_885 = vector.broadcast %add3A_884 : f32 to vector<16xf32>
        %add3A_886 = arith.addf %add3A_883, %add3A_885 : vector<16xf32>
        %add3A_887 = arith.constant 1.000000e+00 : f32
        %add3A_888 = vector.broadcast %add3A_887 : f32 to vector<16xf32>
        %add3A_889 = arith.addf %get3A_850, %add3A_888 : vector<16xf32>
        %mul3A_890 = arith.constant 5.000000e-01 : f32
        %mul3A_891 = vector.broadcast %mul3A_890 : f32 to vector<16xf32>
        %mul3A_892 = arith.mulf %add3A_889, %mul3A_891 : vector<16xf32>
        %mul3A_893 = arith.constant 0.333333343 : f32
        %mul3A_894 = vector.broadcast %mul3A_893 : f32 to vector<16xf32>
        %mul3A_895 = arith.mulf %add3A_886, %mul3A_894 : vector<16xf32>
        %add3A_896 = arith.addf %add3A_886, %get3A_862 : vector<16xf32>
        %mul3A_897 = arith.constant 2.500000e-01 : f32
        %mul3A_898 = vector.broadcast %mul3A_897 : f32 to vector<16xf32>
        %mul3A_899 = arith.mulf %add3A_896, %mul3A_898 : vector<16xf32>
        tpu.vector_store_idx %arg14[%add3A_875], %mul3A_895 : memref<8192xf32, #tpu.memory_space<vmem>>[vector<16xi32>], vector<16xf32>,
        tpu.vector_store_idx %arg14[%add3A_879], %mul3A_892 : memref<8192xf32, #tpu.memory_space<vmem>>[vector<16xi32>], vector<16xf32>,
        tpu.vector_store_idx %arg14[%add3A_882], %mul3A_899 : memref<8192xf32, #tpu.memory_space<vmem>>[vector<16xi32>], vector<16xf32>,
        %add3A_900 = arith.constant 0 : i32
        %add3A_901 = arith.addi %add3A_900, %add3A_525 : i32
        %add3A_902 = arith.constant 768 : i32
        %add3A_903 = arith.addi %add3A_901, %add3A_902 : i32
        %get3A_904 = arith.index_cast %add3A_903 : i32 to index
        %get3A_905 = tpu.vector_load %arg6[%get3A_904] {strides = array<i32>} : memref<16384xf32, #tpu.memory_space<vmem>>, vector<16xf32>,
        %add3A_906 = arith.constant 4096 : i32
        %add3A_907 = arith.addi %add3A_906, %add3A_525 : i32
        %add3A_908 = arith.constant 768 : i32
        %add3A_909 = arith.addi %add3A_907, %add3A_908 : i32
        %get3A_910 = arith.index_cast %add3A_909 : i32 to index
        %get3A_911 = tpu.vector_load %arg6[%get3A_910] {strides = array<i32>} : memref<16384xf32, #tpu.memory_space<vmem>>, vector<16xf32>,
        %add3A_912 = arith.constant 8192 : i32
        %add3A_913 = arith.addi %add3A_912, %add3A_525 : i32
        %add3A_914 = arith.constant 768 : i32
        %add3A_915 = arith.addi %add3A_913, %add3A_914 : i32
        %get3A_916 = arith.index_cast %add3A_915 : i32 to index
        %get3A_917 = tpu.vector_load %arg6[%get3A_916] {strides = array<i32>} : memref<16384xf32, #tpu.memory_space<vmem>>, vector<16xf32>,
        %add3A_918 = arith.constant 12288 : i32
        %add3A_919 = arith.addi %add3A_918, %add3A_525 : i32
        %add3A_920 = arith.constant 768 : i32
        %add3A_921 = arith.addi %add3A_919, %add3A_920 : i32
        %get3A_922 = arith.index_cast %add3A_921 : i32 to index
        %get3A_923 = tpu.vector_load %arg6[%get3A_922] {strides = array<i32>} : memref<16384xf32, #tpu.memory_space<vmem>>, vector<16xf32>,
        %add3A_924 = arith.constant 512 : i32
        %add3A_925 = arith.addi %add3A_570, %add3A_924 : i32
        %add3A_926 = vector.broadcast %add3A_925 : i32 to vector<16xi32>
        %add3A_927 = arith.addi %mul3A_5, %add3A_926 : vector<16xi32>
        %add3A_928 = arith.constant 1 : i32
        %add3A_929 = vector.broadcast %add3A_928 : i32 to vector<16xi32>
        %add3A_930 = arith.addi %add3A_927, %add3A_929 : vector<16xi32>
        %add3A_931 = arith.constant 640 : i32
        %add3A_932 = arith.addi %add3A_570, %add3A_931 : i32
        %add3A_933 = vector.broadcast %add3A_932 : i32 to vector<16xi32>
        %add3A_934 = arith.addi %mul3A_5, %add3A_933 : vector<16xi32>
        %add3A_935 = arith.constant 1 : i32
        %add3A_936 = vector.broadcast %add3A_935 : i32 to vector<16xi32>
        %add3A_937 = arith.addi %add3A_934, %add3A_936 : vector<16xi32>
        tpu.vector_store_idx %arg10[%add3A_927], %get3A_905 : memref<8192xf32, #tpu.memory_space<vmem>>[vector<16xi32>], vector<16xf32>,
        tpu.vector_store_idx %arg10[%add3A_930], %get3A_917 : memref<8192xf32, #tpu.memory_space<vmem>>[vector<16xi32>], vector<16xf32>,
        tpu.vector_store_idx %arg10[%add3A_934], %get3A_911 : memref<8192xf32, #tpu.memory_space<vmem>>[vector<16xi32>], vector<16xf32>,
        tpu.vector_store_idx %arg10[%add3A_937], %get3A_923 : memref<8192xf32, #tpu.memory_space<vmem>>[vector<16xi32>], vector<16xf32>,
        %add3A_938 = arith.addf %get3A_905, %get3A_911 : vector<16xf32>
        %add3A_939 = arith.constant 1.000000e+00 : f32
        %add3A_940 = vector.broadcast %add3A_939 : f32 to vector<16xf32>
        %add3A_941 = arith.addf %add3A_938, %add3A_940 : vector<16xf32>
        %add3A_942 = arith.constant 1.000000e+00 : f32
        %add3A_943 = vector.broadcast %add3A_942 : f32 to vector<16xf32>
        %add3A_944 = arith.addf %get3A_905, %add3A_943 : vector<16xf32>
        %mul3A_945 = arith.constant 5.000000e-01 : f32
        %mul3A_946 = vector.broadcast %mul3A_945 : f32 to vector<16xf32>
        %mul3A_947 = arith.mulf %add3A_944, %mul3A_946 : vector<16xf32>
        %mul3A_948 = arith.constant 0.333333343 : f32
        %mul3A_949 = vector.broadcast %mul3A_948 : f32 to vector<16xf32>
        %mul3A_950 = arith.mulf %add3A_941, %mul3A_949 : vector<16xf32>
        %add3A_951 = arith.addf %add3A_941, %get3A_917 : vector<16xf32>
        %mul3A_952 = arith.constant 2.500000e-01 : f32
        %mul3A_953 = vector.broadcast %mul3A_952 : f32 to vector<16xf32>
        %mul3A_954 = arith.mulf %add3A_951, %mul3A_953 : vector<16xf32>
        tpu.vector_store_idx %arg14[%add3A_930], %mul3A_950 : memref<8192xf32, #tpu.memory_space<vmem>>[vector<16xi32>], vector<16xf32>,
        tpu.vector_store_idx %arg14[%add3A_934], %mul3A_947 : memref<8192xf32, #tpu.memory_space<vmem>>[vector<16xi32>], vector<16xf32>,
        tpu.vector_store_idx %arg14[%add3A_937], %mul3A_954 : memref<8192xf32, #tpu.memory_space<vmem>>[vector<16xi32>], vector<16xf32>,
        %add3A_955 = arith.constant 0 : i32
        %add3A_956 = arith.addi %add3A_955, %add3A_525 : i32
        %add3A_957 = arith.constant 896 : i32
        %add3A_958 = arith.addi %add3A_956, %add3A_957 : i32
        %get3A_959 = arith.index_cast %add3A_958 : i32 to index
        %get3A_960 = tpu.vector_load %arg6[%get3A_959] {strides = array<i32>} : memref<16384xf32, #tpu.memory_space<vmem>>, vector<16xf32>,
        %add3A_961 = arith.constant 4096 : i32
        %add3A_962 = arith.addi %add3A_961, %add3A_525 : i32
        %add3A_963 = arith.constant 896 : i32
        %add3A_964 = arith.addi %add3A_962, %add3A_963 : i32
        %get3A_965 = arith.index_cast %add3A_964 : i32 to index
        %get3A_966 = tpu.vector_load %arg6[%get3A_965] {strides = array<i32>} : memref<16384xf32, #tpu.memory_space<vmem>>, vector<16xf32>,
        %add3A_967 = arith.constant 8192 : i32
        %add3A_968 = arith.addi %add3A_967, %add3A_525 : i32
        %add3A_969 = arith.constant 896 : i32
        %add3A_970 = arith.addi %add3A_968, %add3A_969 : i32
        %get3A_971 = arith.index_cast %add3A_970 : i32 to index
        %get3A_972 = tpu.vector_load %arg6[%get3A_971] {strides = array<i32>} : memref<16384xf32, #tpu.memory_space<vmem>>, vector<16xf32>,
        %add3A_973 = arith.constant 12288 : i32
        %add3A_974 = arith.addi %add3A_973, %add3A_525 : i32
        %add3A_975 = arith.constant 896 : i32
        %add3A_976 = arith.addi %add3A_974, %add3A_975 : i32
        %get3A_977 = arith.index_cast %add3A_976 : i32 to index
        %get3A_978 = tpu.vector_load %arg6[%get3A_977] {strides = array<i32>} : memref<16384xf32, #tpu.memory_space<vmem>>, vector<16xf32>,
        %add3A_979 = arith.constant 768 : i32
        %add3A_980 = arith.addi %add3A_570, %add3A_979 : i32
        %add3A_981 = vector.broadcast %add3A_980 : i32 to vector<16xi32>
        %add3A_982 = arith.addi %mul3A_5, %add3A_981 : vector<16xi32>
        %add3A_983 = arith.constant 1 : i32
        %add3A_984 = vector.broadcast %add3A_983 : i32 to vector<16xi32>
        %add3A_985 = arith.addi %add3A_982, %add3A_984 : vector<16xi32>
        %add3A_986 = arith.constant 896 : i32
        %add3A_987 = arith.addi %add3A_570, %add3A_986 : i32
        %add3A_988 = vector.broadcast %add3A_987 : i32 to vector<16xi32>
        %add3A_989 = arith.addi %mul3A_5, %add3A_988 : vector<16xi32>
        %add3A_990 = arith.constant 1 : i32
        %add3A_991 = vector.broadcast %add3A_990 : i32 to vector<16xi32>
        %add3A_992 = arith.addi %add3A_989, %add3A_991 : vector<16xi32>
        tpu.vector_store_idx %arg10[%add3A_982], %get3A_960 : memref<8192xf32, #tpu.memory_space<vmem>>[vector<16xi32>], vector<16xf32>,
        tpu.vector_store_idx %arg10[%add3A_985], %get3A_972 : memref<8192xf32, #tpu.memory_space<vmem>>[vector<16xi32>], vector<16xf32>,
        tpu.vector_store_idx %arg10[%add3A_989], %get3A_966 : memref<8192xf32, #tpu.memory_space<vmem>>[vector<16xi32>], vector<16xf32>,
        tpu.vector_store_idx %arg10[%add3A_992], %get3A_978 : memref<8192xf32, #tpu.memory_space<vmem>>[vector<16xi32>], vector<16xf32>,
        %add3A_993 = arith.addf %get3A_960, %get3A_966 : vector<16xf32>
        %add3A_994 = arith.constant 1.000000e+00 : f32
        %add3A_995 = vector.broadcast %add3A_994 : f32 to vector<16xf32>
        %add3A_996 = arith.addf %add3A_993, %add3A_995 : vector<16xf32>
        %add3A_997 = arith.constant 1.000000e+00 : f32
        %add3A_998 = vector.broadcast %add3A_997 : f32 to vector<16xf32>
        %add3A_999 = arith.addf %get3A_960, %add3A_998 : vector<16xf32>
        %mul3A_1000 = arith.constant 5.000000e-01 : f32
        %mul3A_1001 = vector.broadcast %mul3A_1000 : f32 to vector<16xf32>
        %mul3A_1002 = arith.mulf %add3A_999, %mul3A_1001 : vector<16xf32>
        %mul3A_1003 = arith.constant 0.333333343 : f32
        %mul3A_1004 = vector.broadcast %mul3A_1003 : f32 to vector<16xf32>
        %mul3A_1005 = arith.mulf %add3A_996, %mul3A_1004 : vector<16xf32>
        %add3A_1006 = arith.addf %add3A_996, %get3A_972 : vector<16xf32>
        %mul3A_1007 = arith.constant 2.500000e-01 : f32
        %mul3A_1008 = vector.broadcast %mul3A_1007 : f32 to vector<16xf32>
        %mul3A_1009 = arith.mulf %add3A_1006, %mul3A_1008 : vector<16xf32>
        tpu.vector_store_idx %arg14[%add3A_985], %mul3A_1005 : memref<8192xf32, #tpu.memory_space<vmem>>[vector<16xi32>], vector<16xf32>,
        tpu.vector_store_idx %arg14[%add3A_989], %mul3A_1002 : memref<8192xf32, #tpu.memory_space<vmem>>[vector<16xi32>], vector<16xf32>,
        tpu.vector_store_idx %arg14[%add3A_992], %mul3A_1009 : memref<8192xf32, #tpu.memory_space<vmem>>[vector<16xi32>], vector<16xf32>,
      }
      %scan3A_407 = arith.constant 32 : i32
      %jit3A_408 = arith.constant 4 : i32
      %div3A_409 = arith.divsi %add3A_318, %jit3A_408 : i32
      %sign3A_410 = arith.constant 0 : i32
      %sign3A_411 = arith.cmpi sgt, %add3A_318, %sign3A_410 : i32
      %sign3A_412 = arith.extui %sign3A_411 : i1 to i32
      %sign3A_413 = arith.constant 0 : i32
      %sign3A_414 = arith.cmpi slt, %add3A_318, %sign3A_413 : i32
      %sign3A_415 = arith.extui %sign3A_414 : i1 to i32
      %sign3A_416 = arith.subi %sign3A_412, %sign3A_415 : i32
      %sign3A_417 = arith.constant 0 : i32
      %sign3A_418 = arith.cmpi sgt, %jit3A_408, %sign3A_417 : i32
      %sign3A_419 = arith.extui %sign3A_418 : i1 to i32
      %sign3A_420 = arith.constant 0 : i32
      %sign3A_421 = arith.cmpi slt, %jit3A_408, %sign3A_420 : i32
      %sign3A_422 = arith.extui %sign3A_421 : i1 to i32
      %sign3A_423 = arith.subi %sign3A_419, %sign3A_422 : i32
      %ne3A_424 = arith.cmpi ne, %sign3A_416, %sign3A_423 : i32
      %rem3A_425 = arith.remsi %add3A_318, %jit3A_408 : i32
      %ne3A_426 = arith.constant 0 : i32
      %ne3A_427 = arith.cmpi ne, %rem3A_425, %ne3A_426 : i32
      %and3A_428 = arith.andi %ne3A_424, %ne3A_427 : i1
      %sub3A_429 = arith.constant 1 : i32
      %sub3A_430 = arith.subi %div3A_409, %sub3A_429 : i32
      %select_n3A_431 = arith.select %and3A_428, %sub3A_430, %div3A_409 : i32
      %add3A_432 = arith.addi %mul3A_2, %select_n3A_431 : i32
      %jit3A_433 = arith.constant 4 : i32
      %eq3A_434 = arith.constant 0 : i32
      %eq3A_435 = arith.cmpi eq, %jit3A_433, %eq3A_434 : i32
      %jit3A_436 = arith.constant 1 : i32
      %select_n3A_437 = arith.select %eq3A_435, %jit3A_436, %jit3A_433 : i32
      %rem3A_438 = arith.remsi %add3A_318, %select_n3A_437 : i32
      %ne3A_439 = arith.constant 0 : i32
      %ne3A_440 = arith.cmpi ne, %rem3A_438, %ne3A_439 : i32
      %lt3A_441 = arith.constant 0 : i32
      %lt3A_442 = arith.cmpi slt, %rem3A_438, %lt3A_441 : i32
      %lt3A_443 = arith.constant 0 : i32
      %lt3A_444 = arith.cmpi slt, %select_n3A_437, %lt3A_443 : i32
      %ne3A_445 = arith.xori %lt3A_442, %lt3A_444 : i1
      %and3A_446 = arith.andi %ne3A_445, %ne3A_440 : i1
      %add3A_447 = arith.addi %rem3A_438, %select_n3A_437 : i32
      %select_n3A_448 = arith.select %and3A_446, %add3A_447, %rem3A_438 : i32
      %mul3A_449 = arith.constant 2 : i32
      %mul3A_450 = arith.muli %mul3A_449, %add3A_432 : i32
      %add3A_451 = arith.constant 0 : i32
      %add3A_452 = arith.addi %mul3A_450, %add3A_451 : i32
      %mul3A_453 = arith.constant 32768 : i32
      %mul3A_454 = arith.muli %add3A_452, %mul3A_453 : i32
      %mul3A_455 = arith.constant 8192 : i32
      %mul3A_456 = arith.muli %select_n3A_448, %mul3A_455 : i32
      %add3A_457 = arith.addi %mul3A_454, %mul3A_456 : i32
      %mul3A_458 = arith.constant 2 : i32
      %mul3A_459 = arith.muli %mul3A_458, %add3A_432 : i32
      %add3A_460 = arith.constant 1 : i32
      %add3A_461 = arith.addi %mul3A_459, %add3A_460 : i32
      %mul3A_462 = arith.constant 32768 : i32
      %mul3A_463 = arith.muli %add3A_461, %mul3A_462 : i32
      %mul3A_464 = arith.constant 8192 : i32
      %mul3A_465 = arith.muli %select_n3A_448, %mul3A_464 : i32
      %add3A_466 = arith.addi %mul3A_463, %mul3A_465 : i32
      %dma_start3A_467 = tpu.memref_slice %arg3[%add3A_457] : memref<16777216xf32, #tpu.memory_space<hbm>> -> memref<8192xf32, #tpu.memory_space<hbm>>
      %dma_start3A_468 = tpu.memref_slice %arg3[%add3A_457] : memref<16777216xf32, #tpu.memory_space<hbm>> -> memref<8192xf32, #tpu.memory_space<hbm>>
      tpu.enqueue_dma source(%arg9 : memref<8192xf32, #tpu.memory_space<vmem>>) target(%dma_start3A_468 : memref<8192xf32, #tpu.memory_space<hbm>>) target_semaphore(%arg18 : memref<!tpu.dma_semaphore, #tpu.memory_space<semaphore_mem>>)
      %dma_start3A_469 = tpu.memref_slice %arg4[%add3A_457] : memref<16777216xf32, #tpu.memory_space<hbm>> -> memref<8192xf32, #tpu.memory_space<hbm>>
      %dma_start3A_470 = tpu.memref_slice %arg4[%add3A_457] : memref<16777216xf32, #tpu.memory_space<hbm>> -> memref<8192xf32, #tpu.memory_space<hbm>>
      tpu.enqueue_dma source(%arg13 : memref<8192xf32, #tpu.memory_space<vmem>>) target(%dma_start3A_470 : memref<8192xf32, #tpu.memory_space<hbm>>) target_semaphore(%arg18 : memref<!tpu.dma_semaphore, #tpu.memory_space<semaphore_mem>>)
      %dma_start3A_471 = tpu.memref_slice %arg3[%add3A_466] : memref<16777216xf32, #tpu.memory_space<hbm>> -> memref<8192xf32, #tpu.memory_space<hbm>>
      %dma_start3A_472 = tpu.memref_slice %arg3[%add3A_466] : memref<16777216xf32, #tpu.memory_space<hbm>> -> memref<8192xf32, #tpu.memory_space<hbm>>
      tpu.enqueue_dma source(%arg10 : memref<8192xf32, #tpu.memory_space<vmem>>) target(%dma_start3A_472 : memref<8192xf32, #tpu.memory_space<hbm>>) target_semaphore(%arg18 : memref<!tpu.dma_semaphore, #tpu.memory_space<semaphore_mem>>)
      %dma_start3A_473 = tpu.memref_slice %arg4[%add3A_466] : memref<16777216xf32, #tpu.memory_space<hbm>> -> memref<8192xf32, #tpu.memory_space<hbm>>
      %dma_start3A_474 = tpu.memref_slice %arg4[%add3A_466] : memref<16777216xf32, #tpu.memory_space<hbm>> -> memref<8192xf32, #tpu.memory_space<hbm>>
      tpu.enqueue_dma source(%arg14 : memref<8192xf32, #tpu.memory_space<vmem>>) target(%dma_start3A_474 : memref<8192xf32, #tpu.memory_space<hbm>>) target_semaphore(%arg18 : memref<!tpu.dma_semaphore, #tpu.memory_space<semaphore_mem>>)
      %lt3A_475 = arith.constant 15 : i32
      %lt3A_476 = arith.cmpi slt, %scan3A_162, %lt3A_475 : i32
      %convert_element_type3A_477 = arith.extui %lt3A_476 : i1 to i32
      %cond3A_478 = arith.constant 0 : i32
      %cond3A_479 = arith.cmpi ne, %convert_element_type3A_477, %cond3A_478 : i32
      scf.if %cond3A_479 {
        %add3A_480 = arith.constant 2 : i32
        %add3A_481 = arith.addi %add3A_318, %add3A_480 : i32
        %jit3A_482 = arith.constant 4 : i32
        %div3A_483 = arith.divsi %add3A_481, %jit3A_482 : i32
        %sign3A_484 = arith.constant 0 : i32
        %sign3A_485 = arith.cmpi sgt, %add3A_481, %sign3A_484 : i32
        %sign3A_486 = arith.extui %sign3A_485 : i1 to i32
        %sign3A_487 = arith.constant 0 : i32
        %sign3A_488 = arith.cmpi slt, %add3A_481, %sign3A_487 : i32
        %sign3A_489 = arith.extui %sign3A_488 : i1 to i32
        %sign3A_490 = arith.subi %sign3A_486, %sign3A_489 : i32
        %sign3A_491 = arith.constant 0 : i32
        %sign3A_492 = arith.cmpi sgt, %jit3A_482, %sign3A_491 : i32
        %sign3A_493 = arith.extui %sign3A_492 : i1 to i32
        %sign3A_494 = arith.constant 0 : i32
        %sign3A_495 = arith.cmpi slt, %jit3A_482, %sign3A_494 : i32
        %sign3A_496 = arith.extui %sign3A_495 : i1 to i32
        %sign3A_497 = arith.subi %sign3A_493, %sign3A_496 : i32
        %ne3A_498 = arith.cmpi ne, %sign3A_490, %sign3A_497 : i32
        %rem3A_499 = arith.remsi %add3A_481, %jit3A_482 : i32
        %ne3A_500 = arith.constant 0 : i32
        %ne3A_501 = arith.cmpi ne, %rem3A_499, %ne3A_500 : i32
        %and3A_502 = arith.andi %ne3A_498, %ne3A_501 : i1
        %sub3A_503 = arith.constant 1 : i32
        %sub3A_504 = arith.subi %div3A_483, %sub3A_503 : i32
        %select_n3A_505 = arith.select %and3A_502, %sub3A_504, %div3A_483 : i32
        %add3A_506 = arith.addi %mul3A_2, %select_n3A_505 : i32
        %jit3A_507 = arith.constant 4 : i32
        %eq3A_508 = arith.constant 0 : i32
        %eq3A_509 = arith.cmpi eq, %jit3A_507, %eq3A_508 : i32
        %jit3A_510 = arith.constant 1 : i32
        %select_n3A_511 = arith.select %eq3A_509, %jit3A_510, %jit3A_507 : i32
        %rem3A_512 = arith.remsi %add3A_481, %select_n3A_511 : i32
        %ne3A_513 = arith.constant 0 : i32
        %ne3A_514 = arith.cmpi ne, %rem3A_512, %ne3A_513 : i32
        %lt3A_515 = arith.constant 0 : i32
        %lt3A_516 = arith.cmpi slt, %rem3A_512, %lt3A_515 : i32
        %lt3A_517 = arith.constant 0 : i32
        %lt3A_518 = arith.cmpi slt, %select_n3A_511, %lt3A_517 : i32
        %ne3A_519 = arith.xori %lt3A_516, %lt3A_518 : i1
        %and3A_520 = arith.andi %ne3A_519, %ne3A_514 : i1
        %add3A_521 = arith.addi %rem3A_512, %select_n3A_511 : i32
        %select_n3A_522 = arith.select %and3A_520, %add3A_521, %rem3A_512 : i32
        %mul3A_523 = arith.constant 16384 : i32
        %mul3A_524 = arith.muli %add3A_506, %mul3A_523 : i32
        %mul3A_525 = arith.constant 4096 : i32
        %mul3A_526 = arith.muli %select_n3A_522, %mul3A_525 : i32
        %add3A_527 = arith.addi %mul3A_524, %mul3A_526 : i32
        %add3A_528 = arith.constant 0 : i32
        %add3A_529 = arith.addi %add3A_528, %add3A_527 : i32
        %add3A_530 = arith.constant 4194304 : i32
        %add3A_531 = arith.addi %add3A_530, %add3A_527 : i32
        %add3A_532 = arith.constant 8388608 : i32
        %add3A_533 = arith.addi %add3A_532, %add3A_527 : i32
        %add3A_534 = arith.constant 12582912 : i32
        %add3A_535 = arith.addi %add3A_534, %add3A_527 : i32
        %dma_start3A_536 = arith.constant 0 : i32
        %dma_start3A_537 = tpu.memref_slice %arg6[%dma_start3A_536] : memref<16384xf32, #tpu.memory_space<vmem>> -> memref<4096xf32, #tpu.memory_space<vmem>>
        %dma_start3A_538 = tpu.memref_slice %arg2[%add3A_529] : memref<16777216xf32, #tpu.memory_space<hbm>> -> memref<4096xf32, #tpu.memory_space<hbm>>
        %dma_start3A_539 = arith.constant 0 : i32
        %dma_start3A_540 = tpu.memref_slice %arg6[%dma_start3A_539] : memref<16384xf32, #tpu.memory_space<vmem>> -> memref<4096xf32, #tpu.memory_space<vmem>>
        %dma_start3A_541 = tpu.memref_slice %arg2[%add3A_529] : memref<16777216xf32, #tpu.memory_space<hbm>> -> memref<4096xf32, #tpu.memory_space<hbm>>
        tpu.enqueue_dma source(%dma_start3A_541 : memref<4096xf32, #tpu.memory_space<hbm>>) target(%dma_start3A_540 : memref<4096xf32, #tpu.memory_space<vmem>>) target_semaphore(%arg16 : memref<!tpu.dma_semaphore, #tpu.memory_space<semaphore_mem>>)
        %dma_start3A_542 = arith.constant 4096 : i32
        %dma_start3A_543 = tpu.memref_slice %arg6[%dma_start3A_542] : memref<16384xf32, #tpu.memory_space<vmem>> -> memref<4096xf32, #tpu.memory_space<vmem>>
        %dma_start3A_544 = tpu.memref_slice %arg2[%add3A_531] : memref<16777216xf32, #tpu.memory_space<hbm>> -> memref<4096xf32, #tpu.memory_space<hbm>>
        %dma_start3A_545 = arith.constant 4096 : i32
        %dma_start3A_546 = tpu.memref_slice %arg6[%dma_start3A_545] : memref<16384xf32, #tpu.memory_space<vmem>> -> memref<4096xf32, #tpu.memory_space<vmem>>
        %dma_start3A_547 = tpu.memref_slice %arg2[%add3A_531] : memref<16777216xf32, #tpu.memory_space<hbm>> -> memref<4096xf32, #tpu.memory_space<hbm>>
        tpu.enqueue_dma source(%dma_start3A_547 : memref<4096xf32, #tpu.memory_space<hbm>>) target(%dma_start3A_546 : memref<4096xf32, #tpu.memory_space<vmem>>) target_semaphore(%arg16 : memref<!tpu.dma_semaphore, #tpu.memory_space<semaphore_mem>>)
        %dma_start3A_548 = arith.constant 8192 : i32
        %dma_start3A_549 = tpu.memref_slice %arg6[%dma_start3A_548] : memref<16384xf32, #tpu.memory_space<vmem>> -> memref<4096xf32, #tpu.memory_space<vmem>>
        %dma_start3A_550 = tpu.memref_slice %arg2[%add3A_533] : memref<16777216xf32, #tpu.memory_space<hbm>> -> memref<4096xf32, #tpu.memory_space<hbm>>
        %dma_start3A_551 = arith.constant 8192 : i32
        %dma_start3A_552 = tpu.memref_slice %arg6[%dma_start3A_551] : memref<16384xf32, #tpu.memory_space<vmem>> -> memref<4096xf32, #tpu.memory_space<vmem>>
        %dma_start3A_553 = tpu.memref_slice %arg2[%add3A_533] : memref<16777216xf32, #tpu.memory_space<hbm>> -> memref<4096xf32, #tpu.memory_space<hbm>>
        tpu.enqueue_dma source(%dma_start3A_553 : memref<4096xf32, #tpu.memory_space<hbm>>) target(%dma_start3A_552 : memref<4096xf32, #tpu.memory_space<vmem>>) target_semaphore(%arg16 : memref<!tpu.dma_semaphore, #tpu.memory_space<semaphore_mem>>)
        %dma_start3A_554 = arith.constant 12288 : i32
        %dma_start3A_555 = tpu.memref_slice %arg6[%dma_start3A_554] : memref<16384xf32, #tpu.memory_space<vmem>> -> memref<4096xf32, #tpu.memory_space<vmem>>
        %dma_start3A_556 = tpu.memref_slice %arg2[%add3A_535] : memref<16777216xf32, #tpu.memory_space<hbm>> -> memref<4096xf32, #tpu.memory_space<hbm>>
        %dma_start3A_557 = arith.constant 12288 : i32
        %dma_start3A_558 = tpu.memref_slice %arg6[%dma_start3A_557] : memref<16384xf32, #tpu.memory_space<vmem>> -> memref<4096xf32, #tpu.memory_space<vmem>>
        %dma_start3A_559 = tpu.memref_slice %arg2[%add3A_535] : memref<16777216xf32, #tpu.memory_space<hbm>> -> memref<4096xf32, #tpu.memory_space<hbm>>
        tpu.enqueue_dma source(%dma_start3A_559 : memref<4096xf32, #tpu.memory_space<hbm>>) target(%dma_start3A_558 : memref<4096xf32, #tpu.memory_space<vmem>>) target_semaphore(%arg16 : memref<!tpu.dma_semaphore, #tpu.memory_space<semaphore_mem>>)
      } else {
      }
    }
    %scan3A_110 = arith.constant 16 : i32
    %add3A_111 = arith.constant 7 : i32
    %add3A_112 = arith.addi %mul3A_2, %add3A_111 : i32
    %mul3A_113 = arith.constant 2 : i32
    %mul3A_114 = arith.muli %mul3A_113, %add3A_112 : i32
    %add3A_115 = arith.constant 0 : i32
    %add3A_116 = arith.addi %mul3A_114, %add3A_115 : i32
    %mul3A_117 = arith.constant 32768 : i32
    %mul3A_118 = arith.muli %add3A_116, %mul3A_117 : i32
    %add3A_119 = arith.constant 16384 : i32
    %add3A_120 = arith.addi %mul3A_118, %add3A_119 : i32
    %mul3A_121 = arith.constant 2 : i32
    %mul3A_122 = arith.muli %mul3A_121, %add3A_112 : i32
    %add3A_123 = arith.constant 1 : i32
    %add3A_124 = arith.addi %mul3A_122, %add3A_123 : i32
    %mul3A_125 = arith.constant 32768 : i32
    %mul3A_126 = arith.muli %add3A_124, %mul3A_125 : i32
    %add3A_127 = arith.constant 16384 : i32
    %add3A_128 = arith.addi %mul3A_126, %add3A_127 : i32
    %dma_wait3A = tpu.memref_slice %arg3[%add3A_120] : memref<16777216xf32, #tpu.memory_space<hbm>> -> memref<8192xf32, #tpu.memory_space<hbm>>
    %dma_wait3A_129 = tpu.memref_slice %arg3[%add3A_120] : memref<16777216xf32, #tpu.memory_space<hbm>> -> memref<8192xf32, #tpu.memory_space<hbm>>
    tpu.wait_dma2 semaphore(%arg17 : memref<!tpu.dma_semaphore, #tpu.memory_space<semaphore_mem>>) src(%arg7 : memref<8192xf32, #tpu.memory_space<vmem>>) dst(%dma_wait3A_129 : memref<8192xf32, #tpu.memory_space<hbm>>)
    %dma_wait3A_130 = tpu.memref_slice %arg4[%add3A_120] : memref<16777216xf32, #tpu.memory_space<hbm>> -> memref<8192xf32, #tpu.memory_space<hbm>>
    %dma_wait3A_131 = tpu.memref_slice %arg4[%add3A_120] : memref<16777216xf32, #tpu.memory_space<hbm>> -> memref<8192xf32, #tpu.memory_space<hbm>>
    tpu.wait_dma2 semaphore(%arg17 : memref<!tpu.dma_semaphore, #tpu.memory_space<semaphore_mem>>) src(%arg11 : memref<8192xf32, #tpu.memory_space<vmem>>) dst(%dma_wait3A_131 : memref<8192xf32, #tpu.memory_space<hbm>>)
    %dma_wait3A_132 = tpu.memref_slice %arg3[%add3A_128] : memref<16777216xf32, #tpu.memory_space<hbm>> -> memref<8192xf32, #tpu.memory_space<hbm>>
    %dma_wait3A_133 = tpu.memref_slice %arg3[%add3A_128] : memref<16777216xf32, #tpu.memory_space<hbm>> -> memref<8192xf32, #tpu.memory_space<hbm>>
    tpu.wait_dma2 semaphore(%arg17 : memref<!tpu.dma_semaphore, #tpu.memory_space<semaphore_mem>>) src(%arg8 : memref<8192xf32, #tpu.memory_space<vmem>>) dst(%dma_wait3A_133 : memref<8192xf32, #tpu.memory_space<hbm>>)
    %dma_wait3A_134 = tpu.memref_slice %arg4[%add3A_128] : memref<16777216xf32, #tpu.memory_space<hbm>> -> memref<8192xf32, #tpu.memory_space<hbm>>
    %dma_wait3A_135 = tpu.memref_slice %arg4[%add3A_128] : memref<16777216xf32, #tpu.memory_space<hbm>> -> memref<8192xf32, #tpu.memory_space<hbm>>
    tpu.wait_dma2 semaphore(%arg17 : memref<!tpu.dma_semaphore, #tpu.memory_space<semaphore_mem>>) src(%arg12 : memref<8192xf32, #tpu.memory_space<vmem>>) dst(%dma_wait3A_135 : memref<8192xf32, #tpu.memory_space<hbm>>)
    %add3A_136 = arith.constant 7 : i32
    %add3A_137 = arith.addi %mul3A_2, %add3A_136 : i32
    %mul3A_138 = arith.constant 2 : i32
    %mul3A_139 = arith.muli %mul3A_138, %add3A_137 : i32
    %add3A_140 = arith.constant 0 : i32
    %add3A_141 = arith.addi %mul3A_139, %add3A_140 : i32
    %mul3A_142 = arith.constant 32768 : i32
    %mul3A_143 = arith.muli %add3A_141, %mul3A_142 : i32
    %add3A_144 = arith.constant 24576 : i32
    %add3A_145 = arith.addi %mul3A_143, %add3A_144 : i32
    %mul3A_146 = arith.constant 2 : i32
    %mul3A_147 = arith.muli %mul3A_146, %add3A_137 : i32
    %add3A_148 = arith.constant 1 : i32
    %add3A_149 = arith.addi %mul3A_147, %add3A_148 : i32
    %mul3A_150 = arith.constant 32768 : i32
    %mul3A_151 = arith.muli %add3A_149, %mul3A_150 : i32
    %add3A_152 = arith.constant 24576 : i32
    %add3A_153 = arith.addi %mul3A_151, %add3A_152 : i32
    %dma_wait3A_154 = tpu.memref_slice %arg3[%add3A_145] : memref<16777216xf32, #tpu.memory_space<hbm>> -> memref<8192xf32, #tpu.memory_space<hbm>>
    %dma_wait3A_155 = tpu.memref_slice %arg3[%add3A_145] : memref<16777216xf32, #tpu.memory_space<hbm>> -> memref<8192xf32, #tpu.memory_space<hbm>>
    tpu.wait_dma2 semaphore(%arg18 : memref<!tpu.dma_semaphore, #tpu.memory_space<semaphore_mem>>) src(%arg9 : memref<8192xf32, #tpu.memory_space<vmem>>) dst(%dma_wait3A_155 : memref<8192xf32, #tpu.memory_space<hbm>>)
    %dma_wait3A_156 = tpu.memref_slice %arg4[%add3A_145] : memref<16777216xf32, #tpu.memory_space<hbm>> -> memref<8192xf32, #tpu.memory_space<hbm>>
    %dma_wait3A_157 = tpu.memref_slice %arg4[%add3A_145] : memref<16777216xf32, #tpu.memory_space<hbm>> -> memref<8192xf32, #tpu.memory_space<hbm>>
    tpu.wait_dma2 semaphore(%arg18 : memref<!tpu.dma_semaphore, #tpu.memory_space<semaphore_mem>>) src(%arg13 : memref<8192xf32, #tpu.memory_space<vmem>>) dst(%dma_wait3A_157 : memref<8192xf32, #tpu.memory_space<hbm>>)
    %dma_wait3A_158 = tpu.memref_slice %arg3[%add3A_153] : memref<16777216xf32, #tpu.memory_space<hbm>> -> memref<8192xf32, #tpu.memory_space<hbm>>
    %dma_wait3A_159 = tpu.memref_slice %arg3[%add3A_153] : memref<16777216xf32, #tpu.memory_space<hbm>> -> memref<8192xf32, #tpu.memory_space<hbm>>
    tpu.wait_dma2 semaphore(%arg18 : memref<!tpu.dma_semaphore, #tpu.memory_space<semaphore_mem>>) src(%arg10 : memref<8192xf32, #tpu.memory_space<vmem>>) dst(%dma_wait3A_159 : memref<8192xf32, #tpu.memory_space<hbm>>)
    %dma_wait3A_160 = tpu.memref_slice %arg4[%add3A_153] : memref<16777216xf32, #tpu.memory_space<hbm>> -> memref<8192xf32, #tpu.memory_space<hbm>>
    %dma_wait3A_161 = tpu.memref_slice %arg4[%add3A_153] : memref<16777216xf32, #tpu.memory_space<hbm>> -> memref<8192xf32, #tpu.memory_space<hbm>>
    tpu.wait_dma2 semaphore(%arg18 : memref<!tpu.dma_semaphore, #tpu.memory_space<semaphore_mem>>) src(%arg14 : memref<8192xf32, #tpu.memory_space<vmem>>) dst(%dma_wait3A_161 : memref<8192xf32, #tpu.memory_space<hbm>>)
    return
  }
}

</mosaic_0001>

<sc_bundles>
// kernel: _unsqueeze_cons.3.cloned.1.call-start
scs
__scs_entry_jumppad:
0x0: {  	(pc) =	sbr.rel $0x88, $3  }
0x1: {  	(tag) =	ssettag $0x0;
	lr =	simm.s32 $0x1  }
0x2: {  	[smem:$0x3FA0] =	sst lr;
	_ =	strace $0xD0000000  }
0x3: {  	_ = 	snop  }
0x4: {  	_ = 	snop  }
0x5: {  	_ = 	snop  }
0x6: {  	_ = 	snop  }
0x7: {  	_ = 	snop  }
__scs_overlays_trampoline_lowered:
0x8: {  	[smem:$0x3FAF] =	sst s0  }
0x9: {  	[smem:$0x3FB0] =	sst s1  }
0xa: {  	[smem:$0x3FB1] =	sst s2  }
0xb: {  	[smem:$0x3FB2] =	sst s3  }
0xc: {  	[smem:$0x3FB3] =	sst s4  }
0xd: {  	[smem:$0x3FB4] =	sst s5  }
0xe: {  	[smem:$0x3FB5] =	sst s6  }
0xf: {  	[smem:$0x3FB6] =	sst s7  }
0x10: {  	[smem:$0x3FB7] =	sst s8  }
0x11: {  	[smem:$0x3FB8] =	sst s9;
	s0 =	simm.s32 @!p0 $0x0  }
0x12: {  	s1 =	sld [smem:$0x3F9E];
	s0 =	simm.s32 @p0 $0x1  }
0x13: {  	[smem:$0x3FB9] =	sst s0;
	s0 =	simm.s32 @!p1 $0x0  }
0x14: {  	s2 =	sld [smem:$0x3F9D];
	s0 =	simm.s32 @p1 $0x1  }
0x15: {  	[smem:$0x3FBA] =	sst s0;
	s0 =	simm.s32 @!p2 $0x0  }
0x16: {  	s3 =	sld [smem:$0x3FDB];
	s0 =	simm.s32 @p2 $0x1  }
0x17: {  	s4 =	simm.s32 $0x1BF5;
	[smem:$0x3FBC] =	sst s0  }
0x18: {  	s0 =	sld [smem:$0x3F9F];
	_ =	swait.ge [sflag:s4], $0x0  }
0x19: {  	s7 =	sld [smem:$0x3FA0]  }
0x1a: {  	s8 =	sadd.s32 $0xFFFFE003, lr  }
0x1b: {  	s9 =	sadd.s32 $0xFFFFFEF7, lr;
	s5 =	simm.s32 $0xFFFFFFFF;
	p2 =	slt.u32 s8, $0xFFFFF086  }
0x1c: {  	p1 =	slt.u32 s9, $0xF7A;
	s5 =	simm.s32 @!p2 $0x0  }
0x1d: {  	s5 =	simm.s32 @p1 $0x1;
	p0 =	seq.s32 s7, s2  }
0x1e: {  	s7 =	smul.u32 @!p0 $0xF7A, s2;
	p2 =	seq.s32 @!p0 s5, $0x0  }
0x1f: {  	s9 =	smul.u32 $0xF7A, s1;
	s8 =	simm.s32 @!p0 $0x1BF5;
	p2 =	por !p2, p0  }
0x20: {  	[sflag:s8] =	ssyncset.s32 @!p0 $0xFFFFF086;
	s6 =	sadd.s32 @!p0 s3, s7;
	s7 =	simm.s32 @!p0 $0x108  }
0x21: {  	s3 =	sadd.s32 s3, s9;
	s6 =	sadd.s32 @!p0 $0x88, s6;
	s7 =	simm.s32 @p2 $0x1082  }
0x22: {  	[simem:s7], [sflag:s8] =	dma.local @!p0 [hbm:s6], $0xF7A  }
0x23: {  	s9 =	sor.u32 $0xD0000000, s2;
	s6 =	simm.s32 $0x108;
	_ =	swait.ge @!p0 [sflag:s8], $0x0  }
0x24: {  	s3 =	sadd.s32 $0x88, s3;
	s6 =	simm.s32 @!p1 $0x1082;
	[sflag:s4] =	ssyncset.s32 $0xFFFFF086  }
0x25: {  	[simem:s6], [sflag:s4] =	dma.local [hbm:s3], $0xF7A  }
0x26: {  	[smem:$0x3FA0] =	sst s1;
	(tag) =	ssettag s2;
	_ =	strace s9  }
0x27: {  	s1 =	sld [smem:$0x3FB0]  }
0x28: {  	s2 =	sld [smem:$0x3FB1]  }
0x29: {  	s4 =	sld [smem:$0x3FB3]  }
0x2a: {  	p0 =	seq.s32 s5, $0x0;
	s5 =	sld [smem:$0x3FB4]  }
0x2b: {  	s6 =	sld [smem:$0x3FB5]  }
0x2c: {  	s7 =	sld [smem:$0x3FB6]  }
0x2d: {  	s3 =	simm.s32 $0x108;
	s8 =	sld [smem:$0x3FB7]  }
0x2e: {  	s3 =	simm.s32 @!p0 $0x1082;
	s9 =	sld [smem:$0x3FB8]  }
0x2f: {  	lr =	sadd.s32 s0, s3;
	s0 =	sld [smem:$0x3FAF]  }
0x30: {  	s3 =	sld [smem:$0x3FB2]  }
0x31: {  	[smem:$0x3FBB] =	sst s10  }
0x32: {  	s10 =	sld [smem:$0x3FB9];
	_ =	sdelay $0x3  }
0x33: {  	p0 =	seq.s32 s10, $0x1;
	s10 =	sld [smem:$0x3FBB];
	_ =	sdelay $0x3  }
0x34: {  	[smem:$0x3FBB] =	sst s10  }
0x35: {  	s10 =	sld [smem:$0x3FBA];
	_ =	sdelay $0x3  }
0x36: {  	p1 =	seq.s32 s10, $0x1;
	s10 =	sld [smem:$0x3FBB];
	_ =	sdelay $0x3  }
0x37: {  	[smem:$0x3FBB] =	sst s10  }
0x38: {  	s10 =	sld [smem:$0x3FBC]  }
0x39: {  	_ = 	snop;
	(pc) =	sbr.ind lr, $3  }
0x3a: {  	_ = 	snop  }
0x3b: {  	_ = 	snop  }
0x3c: {  	p2 =	seq.s32 s10, $0x1;
	s10 =	sld [smem:$0x3FBB]  }
0x3d: {  	_ =	shalt  }
0x3e: {  	_ =	shalt  }
0x3f: {  	_ =	shalt  }
0x40: {  	_ =	shalt  }
0x41: {  	_ =	shalt  }
0x42: {  	_ =	shalt  }
0x43: {  	_ =	shalt  }
0x44: {  	_ =	shalt  }
0x45: {  	_ =	shalt  }
0x46: {  	_ =	shalt  }
0x47: {  	_ =	shalt  }
0x48: {  	_ =	shalt  }
0x49: {  	_ =	shalt  }
0x4a: {  	_ =	shalt  }
0x4b: {  	_ =	shalt  }
0x4c: {  	_ =	shalt  }
0x4d: {  	_ =	shalt  }
0x4e: {  	_ =	shalt  }
0x4f: {  	_ =	shalt  }
0x50: {  	_ =	shalt  }
0x51: {  	_ =	shalt  }
0x52: {  	_ =	shalt  }
0x53: {  	_ =	shalt  }
0x54: {  	_ =	shalt  }
0x55: {  	_ =	shalt  }
0x56: {  	_ =	shalt  }
0x57: {  	_ =	shalt  }
0x58: {  	_ =	shalt  }
0x59: {  	_ =	shalt  }
0x5a: {  	_ =	shalt  }
0x5b: {  	_ =	shalt  }
0x5c: {  	_ =	shalt  }
0x5d: {  	_ =	shalt  }
0x5e: {  	_ =	shalt  }
0x5f: {  	_ =	shalt  }
0x60: {  	_ =	shalt  }
0x61: {  	_ =	shalt  }
0x62: {  	_ =	shalt  }
0x63: {  	_ =	shalt  }
0x64: {  	_ =	shalt  }
0x65: {  	_ =	shalt  }
0x66: {  	_ =	shalt  }
0x67: {  	_ =	shalt  }
0x68: {  	_ =	shalt  }
0x69: {  	_ =	shalt  }
0x6a: {  	_ =	shalt  }
0x6b: {  	_ =	shalt  }
0x6c: {  	_ =	shalt  }
0x6d: {  	_ =	shalt  }
0x6e: {  	_ =	shalt  }
0x6f: {  	_ =	shalt  }
0x70: {  	_ =	shalt  }
0x71: {  	_ =	shalt  }
0x72: {  	_ =	shalt  }
0x73: {  	_ =	shalt  }
0x74: {  	_ =	shalt  }
0x75: {  	_ =	shalt  }
0x76: {  	_ =	shalt  }
0x77: {  	_ =	shalt  }
0x78: {  	_ =	shalt  }
0x79: {  	_ =	shalt  }
0x7a: {  	_ =	shalt  }
0x7b: {  	_ =	shalt  }
0x7c: {  	_ =	shalt  }
0x7d: {  	_ =	shalt  }
0x7e: {  	_ =	shalt  }
0x7f: {  	_ =	shalt  }
0x80: {  	_ =	shalt  }
0x81: {  	_ =	shalt  }
0x82: {  	_ =	shalt  }
0x83: {  	_ =	shalt  }
0x84: {  	_ =	shalt  }
0x85: {  	_ =	shalt  }
0x86: {  	_ =	shalt  }
0x87: {  	_ =	shalt  }
.Lfunc_end0:
.L_simem_size_0:
called_computation_lowered:
.L_overlay_start_0:
0x88: {  	s2 =	sld [smem:$0x3FD9]  }
0x89: {  	s3 =	sld [smem:$0x3FFE];
	_ =	sdelay $0x1  }
0x8a: {  	s1 =	srdreg.scid  }
0x8b: {  	s0 =	sand.u32 $0x1, s1  }
0x8c: {  	s15 =	sshll.u32 s0, $0xA;
	s2 =	sadd.s32 s3, s2  }
0x8d: {  	s2 =	sadd.s32 s2, s15  }
0x8e: {  	[smem:$0x3FC7] =	sst s2  }
0x8f: {  	_ = 	snop  }
0x90: {  	s2 =	sld [smem:$0x3FD0];
	_ =	sdelay $0x2  }
0x91: {  	s4 =	simm.s32 $0xA;
	s5 =	simm.s32 $0x10;
	s16 =	sld [smem:$0x3FC9]  }
0x92: {  	[smem:s5], [sflag:s4] =	dma.local [hbm:s2], $0x1  }
0x93: {  	_ =	swait.eq [sflag:s4], $0x1  }
0x94: {  	[sflag:s4] =	ssyncset.done $0x0  }
0x95: {  	s17 =	sld [smem:$0x10];
	[sflag:s4] =	ssyncadd.s32 $0xFFFFFFFF  }
0x96: {  	s18 =	sld [smem:$0x11];
	(tm) =	ssettm $0x1  }
0x97: {  	s19 =	sld [smem:$0x3FFB];
	_ =	sdelay $0x3  }
0x98: {  	_ =	strace s19  }
0x99: {  	s5 =	sld [smem:$0x3FFC];
	_ =	sdelay $0x3  }
0x9a: {  	_ =	strace s5  }
0x9b: {  	s5 =	sld [smem:$0x3FFD];
	_ =	sdelay $0x3  }
0x9c: {  	_ =	strace s5  }
0x9d: {  	_ =	strace $0x8FFFFFFF  }
0x9e: {  	s20 =	sld [smem:$0x3FDB];
	_ =	sdelay $0x1  }
0x9f: {  	s6 =	simm.s32 $_scs_section_size  }
0xa0: {  	s7 =	simm.s32 $_size__tile_overlayer_lowered;
	s8 =	simm.s32 $_tile_overlayer_lowered  }
0xa1: {  	s23 =	simm.s32 $0x1BFF;
	s22 =	sshll.u32 s8, $0x1;
	s5 =	sadd.s32 s6, s20  }
0xa2: {  	s9 =	simm.s32 $0x0;
	s21 =	sshll.u32 s7, $0x1;
	s7 =	sadd.s32 s22, s5  }
0xa3: {  	[timem:s9], [sflag:s23] =	dma.local [hbm:s7], s21  }
0xa4: {  	_ =	swait.ge [sflag:s23], s21  }
0xa5: {  	s6 =	ssub.s32 $0x0, s21;
	[sflag:s23] =	ssyncset.done $0x0  }
0xa6: {  	[sflag:s23] =	ssyncadd.s32 s6;
	_ =	sdelay $0x1  }
0xa7: {  	s24 =	simm.s32 $0x1B8B  }
0xa8: {  	_ =	swait.ge [sflag:s24], $0x1  }
0xa9: {  	[sflag:s24] =	ssyncset.done $0x0  }
0xaa: {  	s25 =	simm.s32 $0x1B8E;
	[sflag:s24] =	ssyncadd.s32 $0xFFFFFFFF  }
0xab: {  	s26 =	simm.s32 $execute0_lowered;
	[smem:$0x3FD2] =	sst s25  }
0xac: {  	s6 =	sshll.u32 s26, $0x1;
	_ =	strace $0x80000046;
	[dreg:$0x1] =	wrdreg $0xFFFFFFFF  }
0xad: {  	s28 =	simm.s32 $_size_execute0_lowered;
	s5 =	sadd.s32 s5, s6;
	[dreg:$0x0] =	wrdreg $0x0  }
0xae: {  	s6 =	sshll.u32 s28, $0x1;
	[dreg:$0x2] =	wrdreg s5  }
0xaf: {  	[dreg:$0x3] =	wrdreg s6  }
0xb0: {  	[dreg:$0x4] =	wrdreg $0xC0  }
0xb1: {  	_ =	task [dreg:s9], $0x5FFFF  }
0xb2: {  	[dreg:$0x1] =	wrdreg $0xFFFFFFFF  }
0xb3: {  	[dreg:$0x0] =	wrdreg $0x60  }
0xb4: {  	[dreg:$0x2] =	wrdreg s16  }
0xb5: {  	[dreg:$0x3] =	wrdreg s17  }
0xb6: {  	[dreg:$0x4] =	wrdreg s18  }
0xb7: {  	[dreg:$0x5] =	wrdreg $0x9  }
0xb8: {  	_ =	task.clear_ibuf [dreg:s9], $0x6FFFF;
	_ =	strace $0x90000046  }
0xb9: {  	s29 =	simm.s32 $0x9;
	_ =	strace $0x80000048  }
0xba: {  	_ =	swait.ge [sflag:s29], $0x1  }
0xbb: {  	[sflag:s29] =	ssyncadd.s32 $0xFFFFFFFF  }
0xbc: {  	_ =	strace $0x90000048  }
0xbd: {  	_ =	sfence  }
0xbe: {  	s30 =	sld [smem:$0x0];
	_ =	sdelay $0x2  }
0xbf: {  	s31 =	sshll.u32 s1, $0xD;
	s1 =	sshrl.u32 s1, $0x2  }
0xc0: {  	s3 =	sand.u32 $0x4000, s31;
	s1 =	sadd.s32 s1, s30  }
0xc1: {  	s0 =	sor.u32 s3, s0;
	s1 =	sshll.u32 s1, $0x11  }
0xc2: {  	s0 =	sor.u32 s1, s0  }
0xc3: {  	s0 =	sadd.s32 $0x8F2B, s0  }
0xc4: {  	[sflag:s0] =	ssyncadd.remote.s32 $0x1  }
0xc5: {  	_ =	sfence.sel $0xFFFF  }
0xc6: {  	[dreg:$0x0] =	wrdreg $0xFFFFFFFF;
	(pc) =	sbr.abs _section_cstart, $3  }
0xc7: {  	[dreg:$0x1] =	wrdreg $0xFFFFFFFF  }
0xc8: {  	_ =	task.clear_ibuf [dreg:s9], $0x2FFFF;
	_ =	strace $0x9FFFFFFF  }
0xc9: {  	(tm) =	ssettm $0x7FFFFFFF  }
tec
execute0_lowered:
.L_overlay_start_1:
0x0: {  	(tag) =	ssettag $0x1  }
0x1: {  	s1 =	rddreg [dreg:$0x0]  }
0x2: {  	s3 =	rddreg [dreg:$0x1]  }
0x3: {  	s0 =	srdreg.scid;
	s2 =	stileid.u32  }
0x4: {  	s4 =	rddreg [dreg:$0x2];
	s5 =	simm.s32 $0x0;
	s16 =	simm.s32 $0x10000  }
0x5: {  	s17 =	simm.s32 $0x12000;
	s0 =	sand.u32 $0x1, s0;
	s2 =	sshll.u32 s2, $0x1  }
0x6: {  	s18 =	simm.s32 $0x14000;
	s19 =	simm.s32 $0x16000;
	s2 =	sor.u32 s0, s2  }
0x7: {  	s28 =	simm.s32 $0x1;
	s29 =	simm.s32 $0x8000;
	s6 =	sshll.u32 s2, $0xE  }
0x8: {  	s30 =	simm.s32 $0xA000;
	[smem:$0x7FF] =	sst s5;
	s6 =	sadd.s32 s1, s6  }
0x9: {  	_ =	strace $0x80000047;
	s20 =	sadd.s32 $0x80000, s6;
	[dreg:$0x4] =	wrdreg s6  }
0xa: {  	s31 =	simm.s32 $0x2;
	s21 =	sadd.s32 $0x100000, s6;
	[dreg:$0x5] =	wrdreg s20  }
0xb: {  	s9 =	simm.s32 $0x0;
	s22 =	sadd.s32 $0x180000, s6;
	[dreg:$0x6] =	wrdreg s21  }
0xc: {  	s0 =	ssub.s32 $0x2, s0;
	s23 =	sadd.s32 $0x80200, s6;
	[dreg:$0x7] =	wrdreg s22  }
.Ltmp0:
0xd: {  	s24 =	sadd.s32 $0x200, s6;
	[dreg:$0x8] =	wrdreg s23;
	(pc) =	sbr.rel .LBB2_1-.Ltmp0, $4  }
0xe: {  	v0 =	vlaneseq.u32;
	s7 =	sshrl.u32 s0, $0x1;
	s25 =	sadd.s32 $0x100200, s6;
	[dreg:$0x9] =	wrdreg s24  }
0xf: {  	v0 =	vmul.u32 $0x2, v0;
	s0 =	ssub.s32 s0, s7;
	s26 =	sadd.s32 $0x180200, s6;
	[dreg:$0xa] =	wrdreg s25  }
0x10: {  	s7 =	sshll.u32 s2, $0x3;
	s0 =	smax.u32 s0, $0x1;
	[dreg:$0xb] =	wrdreg s26  }
0x11: {  	v1 =	vimm.f32 $1.000000000e+00;
	v2 =	vor.u32 $0x1, v0;
	s2 =	simm.s32 $0xC000;
	[dreg:$0xc] =	wrdreg s0;
	s0 =	simm.s32 $0xE000  }
.LBB2_16:
0x12: {  	s6 =	simm.s32 $0x3  }
0x13: {  	_ =	swait.ge [sflag:s6], $0x2000  }
0x14: {  	[sflag:s6] =	ssyncset.done $0x0  }
0x15: {  	[sflag:s6] =	ssyncadd.s32 $0xFFFFE000  }
0x16: {  	_ =	swait.ge [sflag:s6], $0x2000  }
0x17: {  	[sflag:s6] =	ssyncset.done $0x0  }
0x18: {  	[sflag:s6] =	ssyncadd.s32 $0xFFFFE000  }
0x19: {  	_ =	swait.ge [sflag:s6], $0x2000  }
0x1a: {  	[sflag:s6] =	ssyncset.done $0x0  }
0x1b: {  	[sflag:s6] =	ssyncadd.s32 $0xFFFFE000  }
0x1c: {  	_ =	swait.ge [sflag:s6], $0x2000  }
0x1d: {  	[sflag:s6] =	ssyncset.done $0x0  }
0x1e: {  	s8 =	simm.s32 $0x4;
	[sflag:s6] =	ssyncadd.s32 $0xFFFFE000  }
0x1f: {  	_ =	swait.ge [sflag:s8], $0x2000  }
0x20: {  	[sflag:s8] =	ssyncset.done $0x0  }
0x21: {  	[sflag:s8] =	ssyncadd.s32 $0xFFFFE000  }
0x22: {  	_ =	swait.ge [sflag:s8], $0x2000  }
0x23: {  	[sflag:s8] =	ssyncset.done $0x0  }
0x24: {  	[sflag:s8] =	ssyncadd.s32 $0xFFFFE000  }
0x25: {  	_ =	swait.ge [sflag:s8], $0x2000  }
0x26: {  	[sflag:s8] =	ssyncset.done $0x0  }
0x27: {  	[sflag:s8] =	ssyncadd.s32 $0xFFFFE000  }
0x28: {  	_ =	swait.ge [sflag:s8], $0x2000  }
0x29: {  	s9 =	rddreg [dreg:$0xd]  }
0x2a: {  	s26 =	rddreg [dreg:$0xc];
	s9 =	sadd.s32 $0x1, s9  }
0x2b: {  	p0 =	sne.s32 s9, s26  }
.Ltmp1:
0x2c: {  	_ = 	snop;
	(pc) =	sbr.rel @!p0 .LBB2_17-.Ltmp1, $3  }
0x2d: {  	_ =	sdelay $0x1  }
0x2e: {  	[sflag:s8] =	ssyncset.done $0x0  }
0x2f: {  	[sflag:s8] =	ssyncadd.s32 $0xFFFFE000  }
.LBB2_1:
0x30: {  	s6 =	sand.u32 $0x60, s5;
	s8 =	sand.u32 $0x1F00, s5  }
0x31: {  	s8 =	sor.u32 s6, s8  }
0x32: {  	[dreg:$0xd] =	wrdreg s9;
	s6 =	simm.s32 $0x20;
	v3 =	vor.u32 s8, v0;
	s8 =	simm.s32 $0x0  }
.LBB2_2:
0x33: {  	p0 =	sne.s32 s6, $0xFE0  }
.Ltmp2:
0x34: {  	_ = 	snop;
	(pc) =	sbr.rel @p0 .LBB2_2-.Ltmp2, $4  }
0x35: {  	s8 =	sadd.s32 $0x40, s8  }
0x36: {  	s9 =	sand.u32 $0x60, s6;
	s10 =	sand.u32 $0x1F00, s8  }
0x37: {  	s9 =	sor.u32 s9, s10  }
0x38: {  	s6 =	sadd.s32 $0x20, s6;
	[tilespmem:v3+s16+$0x0] =	vst.idx.msk $0xffff, v1;
	v3 =	vor.u32 s9, v0  }
0x39: {  	_ = 	snop  }
0x3a: {  	s6 =	simm.s32 $0x0  }
0x3b: {  	s8 =	sand.u32 $0x60, s6;
	s9 =	sand.u32 $0x1F00, s6  }
0x3c: {  	s9 =	sor.u32 s8, s9  }
0x3d: {  	[tilespmem:v3+s16+$0x0] =	vst.idx.msk $0xffff, v1;
	s8 =	simm.s32 $0x20;
	v3 =	vor.u32 s9, v0;
	s9 =	simm.s32 $0x0  }
.LBB2_4:
0x3e: {  	p0 =	sne.s32 s8, $0xFE0  }
.Ltmp3:
0x3f: {  	_ = 	snop;
	(pc) =	sbr.rel @p0 .LBB2_4-.Ltmp3, $4  }
0x40: {  	s9 =	sadd.s32 $0x40, s9  }
0x41: {  	s10 =	sand.u32 $0x60, s8;
	s11 =	sand.u32 $0x1F00, s9  }
0x42: {  	s10 =	sor.u32 s10, s11  }
0x43: {  	s8 =	sadd.s32 $0x20, s8;
	[tilespmem:v3+s17+$0x0] =	vst.idx.msk $0xffff, v1;
	v3 =	vor.u32 s10, v0  }
0x44: {  	_ =	sdelay $0x3  }
0x45: {  	[tilespmem:v3+s17+$0x0] =	vst.idx.msk $0xffff, v1;
	s8 =	simm.s32 $0x0  }
.LBB2_6:
0x46: {  	s9 =	sand.u32 $0x1F00, s6;
	s10 =	sand.u32 $0x60, s8  }
0x47: {  	s9 =	sor.u32 s10, s9  }
0x48: {  	p0 =	sne.s32 s8, $0xFE0;
	v3 =	vor.u32 s9, v0  }
.Ltmp4:
0x49: {  	_ = 	snop;
	(pc) =	sbr.rel @p0 .LBB2_6-.Ltmp4, $2  }
0x4a: {  	_ =	sdelay $0x2  }
0x4b: {  	s6 =	sadd.s32 $0x40, s6;
	s8 =	sadd.s32 $0x20, s8;
	[tilespmem:v3+s18+$0x0] =	vst.idx.msk $0xffff, v1  }
0x4c: {  	s6 =	simm.s32 $0x0  }
0x4d: {  	s8 =	sand.u32 $0x60, s6;
	s9 =	sand.u32 $0x1F00, s6  }
0x4e: {  	s9 =	sor.u32 s8, s9  }
0x4f: {  	s8 =	simm.s32 $0x20;
	v3 =	vor.u32 s9, v0  }
.LBB2_8:
0x50: {  	p0 =	sne.s32 s8, $0xFE0  }
.Ltmp5:
0x51: {  	_ = 	snop;
	(pc) =	sbr.rel @p0 .LBB2_8-.Ltmp5, $4  }
0x52: {  	s6 =	sadd.s32 $0x40, s6  }
0x53: {  	s9 =	sand.u32 $0x60, s8;
	s10 =	sand.u32 $0x1F00, s6  }
0x54: {  	s9 =	sor.u32 s9, s10  }
0x55: {  	s8 =	sadd.s32 $0x20, s8;
	[tilespmem:v3+s19+$0x0] =	vst.idx.msk $0xffff, v1;
	v3 =	vor.u32 s9, v0  }
0x56: {  	_ =	sdelay $0x3  }
0x57: {  	[tilespmem:v3+s19+$0x0] =	vst.idx.msk $0xffff, v1;
	s8 =	simm.s32 $0x0;
	s6 =	rddreg [dreg:$0x4]  }
0x58: {  	[tilespmem:s8], [sflag:$0x1] =	stream.linear.gather [hbm4b:s6+s8], $0x1000, $0x38;
	[tilespmem:$0x18000] =	vst v63  }
0x59: {  	s10 =	rddreg [dreg:$0x5];
	s9 =	simm.s32 $0x1000  }
0x5a: {  	[tilespmem:s9], [sflag:$0x1] =	stream.linear.gather [hbm4b:s10+s8], $0x1000, $0x38;
	[tilespmem:$0x18000] =	vst v63  }
0x5b: {  	s11 =	rddreg [dreg:$0x6];
	s12 =	simm.s32 $0x2000  }
0x5c: {  	[tilespmem:s12], [sflag:$0x1] =	stream.linear.gather [hbm4b:s11+s8], $0x1000, $0x38;
	[tilespmem:$0x18000] =	vst v63  }
0x5d: {  	s13 =	rddreg [dreg:$0x7];
	s14 =	simm.s32 $0x3000  }
0x5e: {  	[tilespmem:s14], [sflag:$0x1] =	stream.linear.gather [hbm4b:s13+s8], $0x1000, $0x38;
	[tilespmem:$0x18000] =	vst v63  }
0x5f: {  	s15 =	rddreg [dreg:$0x9];
	s20 =	simm.s32 $0x4000  }
0x60: {  	[tilespmem:s20], [sflag:$0x2] =	stream.linear.gather [hbm4b:s15+s8], $0x1000, $0x38;
	[tilespmem:$0x18000] =	vst v63  }
0x61: {  	s21 =	rddreg [dreg:$0x8];
	s22 =	simm.s32 $0x5000  }
0x62: {  	[tilespmem:s22], [sflag:$0x2] =	stream.linear.gather [hbm4b:s21+s8], $0x1000, $0x38;
	[tilespmem:$0x18000] =	vst v63  }
0x63: {  	s23 =	rddreg [dreg:$0xa];
	s24 =	simm.s32 $0x6000  }
0x64: {  	[tilespmem:s24], [sflag:$0x2] =	stream.linear.gather [hbm4b:s23+s8], $0x1000, $0x38;
	[tilespmem:$0x18000] =	vst v63  }
0x65: {  	s25 =	rddreg [dreg:$0xb];
	s26 =	simm.s32 $0x7000;
	s9 =	simm.s32 $0x0  }
0x66: {  	[tilespmem:s26], [sflag:$0x2] =	stream.linear.gather [hbm4b:s25+s8], $0x1000, $0x38;
	[tilespmem:$0x18000] =	vst v63  }
.LBB2_10:
0x67: {  	_ =	swait.ge [sflag:s28], $0x1000  }
0x68: {  	[sflag:s28] =	ssyncset.done $0x0  }
0x69: {  	[sflag:s28] =	ssyncadd.s32 $0xFFFFF000  }
0x6a: {  	_ =	swait.ge [sflag:s28], $0x1000  }
0x6b: {  	[sflag:s28] =	ssyncset.done $0x0  }
0x6c: {  	[sflag:s28] =	ssyncadd.s32 $0xFFFFF000  }
0x6d: {  	_ =	swait.ge [sflag:s28], $0x1000  }
0x6e: {  	[sflag:s28] =	ssyncset.done $0x0  }
0x6f: {  	[sflag:s28] =	ssyncadd.s32 $0xFFFFF000  }
0x70: {  	_ =	swait.ge [sflag:s28], $0x1000  }
0x71: {  	p0 =	seq.s32 s9, $0x0;
	[sflag:s28] =	ssyncset.done $0x0  }
0x72: {  	s6 =	simm.s32 @!p0 $0x3;
	[sflag:s28] =	ssyncadd.s32 $0xFFFFF000  }
0x73: {  	_ =	swait.ge @!p0 [sflag:s6], $0x2000  }
0x74: {  	[sflag:s6] =	ssyncset.done @!p0 $0x0  }
0x75: {  	[sflag:s6] =	ssyncadd.s32 @!p0 $0xFFFFE000  }
0x76: {  	_ =	swait.ge @!p0 [sflag:s6], $0x2000  }
0x77: {  	[sflag:s6] =	ssyncset.done @!p0 $0x0  }
0x78: {  	[sflag:s6] =	ssyncadd.s32 @!p0 $0xFFFFE000  }
0x79: {  	_ =	swait.ge @!p0 [sflag:s6], $0x2000  }
0x7a: {  	[sflag:s6] =	ssyncset.done @!p0 $0x0  }
0x7b: {  	[sflag:s6] =	ssyncadd.s32 @!p0 $0xFFFFE000  }
0x7c: {  	_ =	swait.ge @!p0 [sflag:s6], $0x2000  }
0x7d: {  	s10 =	sand.u32 $0x70, s8;
	s11 =	sand.u32 $0xC00, s8;
	[sflag:s6] =	ssyncset.done @!p0 $0x0  }
0x7e: {  	s11 =	sor.u32 s10, s11;
	[sflag:s6] =	ssyncadd.s32 @!p0 $0xFFFFE000  }
0x7f: {  	v3 =	vld [tilespmem:s11+$0x0]  }
0x80: {  	s20 =	sand.u32 $0x60, s8;
	s21 =	sand.u32 $0x1C00, s8;
	v4 =	vld [tilespmem:s11+$0x1000]  }
0x81: {  	s6 =	sor.u32 s20, s21  }
0x82: {  	v7 =	vor.u32 s6, v0  }
0x83: {  	v5 =	vld [tilespmem:s11+$0x2000];
	s10 =	sor.u32 $0x80, s6;
	v8 =	vor.u32 s6, v2  }
0x84: {  	v9 =	vor.u32 s10, v0  }
0x85: {  	v6 =	vld [tilespmem:s11+$0x3000];
	v10 =	vor.u32 s10, v2;
	v11 =	vadd.f32 v4, v3;
	_ =	sdelay $0x1  }
0x86: {  	[tilespmem:v7+s29+$0x0] =	vst.idx.msk $0xffff, v3;
	v11 =	vadd.f32 $1.000000000e+00, v11  }
0x87: {  	v3 =	vadd.f32 $1.000000000e+00, v3;
	[tilespmem:v8+s29+$0x0] =	vst.idx.msk $0xffff, v5  }
0x88: {  	[tilespmem:v9+s29+$0x0] =	vst.idx.msk $0xffff, v4;
	v4 =	vmul.f32 $3.333333430e-01, v11;
	v5 =	vadd.f32 v11, v5  }
0x89: {  	v3 =	vmul.f32 $5.000000000e-01, v3;
	[tilespmem:v10+s29+$0x0] =	vst.idx.msk $0xffff, v6  }
0x8a: {  	v5 =	vmul.f32 $2.500000000e-01, v5;
	[tilespmem:v8+s16+$0x0] =	vst.idx.msk $0xffff, v4  }
0x8b: {  	[tilespmem:v9+s16+$0x0] =	vst.idx.msk $0xffff, v3  }
0x8c: {  	[tilespmem:v10+s16+$0x0] =	vst.idx.msk $0xffff, v5  }
0x8d: {  	v3 =	vld [tilespmem:s11+$0x80]  }
0x8e: {  	v4 =	vld [tilespmem:s11+$0x1080]  }
0x8f: {  	s22 =	sor.u32 $0x100, s6  }
0x90: {  	v55 =	vor.u32 s22, v0  }
0x91: {  	s12 =	sor.u32 $0x180, s6;
	v12 =	vor.u32 s22, v2;
	v5 =	vld [tilespmem:s11+$0x2080]  }
0x92: {  	v13 =	vor.u32 s12, v0  }
0x93: {  	v14 =	vor.u32 s12, v2;
	v6 =	vld [tilespmem:s11+$0x3080];
	v15 =	vadd.f32 v4, v3;
	_ =	sdelay $0x1  }
0x94: {  	[tilespmem:v55+s29+$0x0] =	vst.idx.msk $0xffff, v3;
	v15 =	vadd.f32 $1.000000000e+00, v15  }
0x95: {  	v3 =	vadd.f32 $1.000000000e+00, v3;
	[tilespmem:v12+s29+$0x0] =	vst.idx.msk $0xffff, v5  }
0x96: {  	[tilespmem:v13+s29+$0x0] =	vst.idx.msk $0xffff, v4;
	v4 =	vmul.f32 $3.333333430e-01, v15;
	v5 =	vadd.f32 v15, v5  }
0x97: {  	v3 =	vmul.f32 $5.000000000e-01, v3;
	[tilespmem:v14+s29+$0x0] =	vst.idx.msk $0xffff, v6  }
0x98: {  	v5 =	vmul.f32 $2.500000000e-01, v5;
	[tilespmem:v12+s16+$0x0] =	vst.idx.msk $0xffff, v4  }
0x99: {  	[tilespmem:v13+s16+$0x0] =	vst.idx.msk $0xffff, v3  }
0x9a: {  	[tilespmem:v14+s16+$0x0] =	vst.idx.msk $0xffff, v5  }
0x9b: {  	v3 =	vld [tilespmem:s11+$0x100]  }
0x9c: {  	v4 =	vld [tilespmem:s11+$0x1100]  }
0x9d: {  	s23 =	sor.u32 $0x200, s6  }
0x9e: {  	v56 =	vor.u32 s23, v0  }
0x9f: {  	s24 =	sor.u32 $0x280, s6;
	v16 =	vor.u32 s23, v2;
	v5 =	vld [tilespmem:s11+$0x2100]  }
0xa0: {  	v17 =	vor.u32 s24, v0  }
0xa1: {  	v18 =	vor.u32 s24, v2;
	v6 =	vld [tilespmem:s11+$0x3100];
	v19 =	vadd.f32 v4, v3;
	_ =	sdelay $0x1  }
0xa2: {  	[tilespmem:v56+s29+$0x0] =	vst.idx.msk $0xffff, v3;
	v19 =	vadd.f32 $1.000000000e+00, v19  }
0xa3: {  	v3 =	vadd.f32 $1.000000000e+00, v3;
	[tilespmem:v16+s29+$0x0] =	vst.idx.msk $0xffff, v5  }
0xa4: {  	[tilespmem:v17+s29+$0x0] =	vst.idx.msk $0xffff, v4;
	v4 =	vmul.f32 $3.333333430e-01, v19;
	v5 =	vadd.f32 v19, v5  }
0xa5: {  	v3 =	vmul.f32 $5.000000000e-01, v3;
	[tilespmem:v18+s29+$0x0] =	vst.idx.msk $0xffff, v6  }
0xa6: {  	v5 =	vmul.f32 $2.500000000e-01, v5;
	[tilespmem:v16+s16+$0x0] =	vst.idx.msk $0xffff, v4  }
0xa7: {  	[tilespmem:v17+s16+$0x0] =	vst.idx.msk $0xffff, v3  }
0xa8: {  	[tilespmem:v18+s16+$0x0] =	vst.idx.msk $0xffff, v5  }
0xa9: {  	v57 =	vld [tilespmem:s11+$0x180]  }
0xaa: {  	v20 =	vld [tilespmem:s11+$0x1180]  }
0xab: {  	s25 =	sor.u32 $0x300, s6  }
0xac: {  	v6 =	vor.u32 s25, v0  }
0xad: {  	s6 =	sor.u32 $0x380, s6;
	v4 =	vor.u32 s25, v2;
	v21 =	vld [tilespmem:s11+$0x2180]  }
0xae: {  	v3 =	vor.u32 s6, v0  }
0xaf: {  	v5 =	vor.u32 s6, v2;
	v22 =	vld [tilespmem:s11+$0x3180];
	v23 =	vadd.f32 v20, v57;
	_ =	sdelay $0x1  }
0xb0: {  	[tilespmem:v6+s29+$0x0] =	vst.idx.msk $0xffff, v57;
	v23 =	vadd.f32 $1.000000000e+00, v23  }
0xb1: {  	v19 =	vadd.f32 $1.000000000e+00, v57;
	[tilespmem:v4+s29+$0x0] =	vst.idx.msk $0xffff, v21  }
0xb2: {  	[tilespmem:v3+s29+$0x0] =	vst.idx.msk $0xffff, v20;
	v58 =	vmul.f32 $3.333333430e-01, v23;
	v21 =	vadd.f32 v23, v21  }
0xb3: {  	v19 =	vmul.f32 $5.000000000e-01, v19;
	[tilespmem:v5+s29+$0x0] =	vst.idx.msk $0xffff, v22  }
0xb4: {  	v21 =	vmul.f32 $2.500000000e-01, v21;
	[tilespmem:v4+s16+$0x0] =	vst.idx.msk $0xffff, v58  }
0xb5: {  	[tilespmem:v3+s16+$0x0] =	vst.idx.msk $0xffff, v19  }
0xb6: {  	[tilespmem:v5+s16+$0x0] =	vst.idx.msk $0xffff, v21  }
0xb7: {  	v19 =	vld [tilespmem:s11+$0x200]  }
0xb8: {  	v20 =	vld [tilespmem:s11+$0x1200];
	_ =	sdelay $0x2  }
0xb9: {  	v21 =	vld [tilespmem:s11+$0x2200];
	_ =	sdelay $0x1  }
0xba: {  	v22 =	vld [tilespmem:s11+$0x3200];
	v59 =	vadd.f32 v20, v19;
	_ =	sdelay $0x1  }
0xbb: {  	[tilespmem:v7+s30+$0x0] =	vst.idx.msk $0xffff, v19;
	v7 =	vadd.f32 $1.000000000e+00, v59  }
0xbc: {  	v19 =	vadd.f32 $1.000000000e+00, v19;
	[tilespmem:v8+s30+$0x0] =	vst.idx.msk $0xffff, v21  }
0xbd: {  	[tilespmem:v9+s30+$0x0] =	vst.idx.msk $0xffff, v20;
	v60 =	vmul.f32 $3.333333430e-01, v7;
	v7 =	vadd.f32 v7, v21  }
0xbe: {  	v19 =	vmul.f32 $5.000000000e-01, v19;
	[tilespmem:v10+s30+$0x0] =	vst.idx.msk $0xffff, v22  }
0xbf: {  	v7 =	vmul.f32 $2.500000000e-01, v7;
	[tilespmem:v8+s17+$0x0] =	vst.idx.msk $0xffff, v60  }
0xc0: {  	[tilespmem:v9+s17+$0x0] =	vst.idx.msk $0xffff, v19  }
0xc1: {  	[tilespmem:v10+s17+$0x0] =	vst.idx.msk $0xffff, v7  }
0xc2: {  	v7 =	vld [tilespmem:s11+$0x280]  }
0xc3: {  	v8 =	vld [tilespmem:s11+$0x1280];
	_ =	sdelay $0x2  }
0xc4: {  	v9 =	vld [tilespmem:s11+$0x2280];
	_ =	sdelay $0x1  }
0xc5: {  	v10 =	vld [tilespmem:s11+$0x3280];
	v61 =	vadd.f32 v8, v7;
	_ =	sdelay $0x1  }
0xc6: {  	[tilespmem:v55+s30+$0x0] =	vst.idx.msk $0xffff, v7;
	v62 =	vadd.f32 $1.000000000e+00, v61  }
0xc7: {  	v7 =	vadd.f32 $1.000000000e+00, v7;
	[tilespmem:v12+s30+$0x0] =	vst.idx.msk $0xffff, v9  }
0xc8: {  	[tilespmem:v13+s30+$0x0] =	vst.idx.msk $0xffff, v8;
	v8 =	vmul.f32 $3.333333430e-01, v62;
	v9 =	vadd.f32 v62, v9  }
0xc9: {  	v7 =	vmul.f32 $5.000000000e-01, v7;
	[tilespmem:v14+s30+$0x0] =	vst.idx.msk $0xffff, v10  }
0xca: {  	v9 =	vmul.f32 $2.500000000e-01, v9;
	[tilespmem:v12+s17+$0x0] =	vst.idx.msk $0xffff, v8  }
0xcb: {  	[tilespmem:v13+s17+$0x0] =	vst.idx.msk $0xffff, v7  }
0xcc: {  	[tilespmem:v14+s17+$0x0] =	vst.idx.msk $0xffff, v9  }
0xcd: {  	v7 =	vld [tilespmem:s11+$0x300]  }
0xce: {  	v8 =	vld [tilespmem:s11+$0x1300];
	_ =	sdelay $0x2  }
0xcf: {  	v9 =	vld [tilespmem:s11+$0x2300];
	_ =	sdelay $0x1  }
0xd0: {  	v10 =	vld [tilespmem:s11+$0x3300];
	v63 =	vadd.f32 v8, v7;
	_ =	sdelay $0x1  }
0xd1: {  	[tilespmem:v56+s30+$0x0] =	vst.idx.msk $0xffff, v7;
	v11 =	vadd.f32 $1.000000000e+00, v63  }
0xd2: {  	v7 =	vadd.f32 $1.000000000e+00, v7;
	[tilespmem:v16+s30+$0x0] =	vst.idx.msk $0xffff, v9  }
0xd3: {  	[tilespmem:v17+s30+$0x0] =	vst.idx.msk $0xffff, v8;
	v8 =	vmul.f32 $3.333333430e-01, v11;
	v9 =	vadd.f32 v11, v9  }
0xd4: {  	v7 =	vmul.f32 $5.000000000e-01, v7;
	[tilespmem:v18+s30+$0x0] =	vst.idx.msk $0xffff, v10  }
0xd5: {  	s26 =	sshrl.u32 s9, $0x1;
	v9 =	vmul.f32 $2.500000000e-01, v9;
	[tilespmem:v16+s17+$0x0] =	vst.idx.msk $0xffff, v8  }
0xd6: {  	s13 =	simm.s32 $0x100;
	s14 =	simm.s32 $0x0;
	s15 =	simm.s32 $0x0;
	[tilespmem:v17+s17+$0x0] =	vst.idx.msk $0xffff, v7  }
0xd7: {  	s10 =	sshll.u32 s9, $0x1;
	s12 =	sor.u32 s7, s26;
	s6 =	simm.s32 $0x0;
	[tilespmem:v18+s17+$0x0] =	vst.idx.msk $0xffff, v9  }
.LBB2_11:
0xd8: {  	s14 =	sadd.s32 $0x20, s14;
	s15 =	sadd.s32 $0x10, s15;
	s6 =	sadd.s32 $0x80, s6  }
0xd9: {  	p1 =	sne.s32 s13, $0x1F00;
	s20 =	smov.u32 s13;
	s13 =	sadd.s32 $0x100, s13;
	v7 =	vld [tilespmem:s11+$0x1380]  }
0xda: {  	v8 =	vld [tilespmem:s11+$0x380]  }
0xdb: {  	v9 =	vld [tilespmem:s11+$0x2380];
	_ =	sdelay $0x1  }
0xdc: {  	v10 =	vld [tilespmem:s11+$0x3380];
	_ =	sdelay $0x1  }
0xdd: {  	[tilespmem:v6+s30+$0x0] =	vst.idx.msk $0xffff, v8;
	v6 =	vadd.f32 v7, v8;
	v8 =	vadd.f32 $1.000000000e+00, v8  }
0xde: {  	s21 =	sand.u32 $0xC00, s6;
	s11 =	sand.u32 $0x70, s15;
	[tilespmem:v4+s30+$0x0] =	vst.idx.msk $0xffff, v9  }
0xdf: {  	s11 =	sor.u32 s11, s21;
	[tilespmem:v3+s30+$0x0] =	vst.idx.msk $0xffff, v7;
	v6 =	vadd.f32 $1.000000000e+00, v6  }
0xe0: {  	[tilespmem:v5+s30+$0x0] =	vst.idx.msk $0xffff, v10  }
0xe1: {  	v7 =	vmul.f32 $3.333333430e-01, v6;
	v6 =	vadd.f32 v6, v9  }
0xe2: {  	v8 =	vmul.f32 $5.000000000e-01, v8  }
0xe3: {  	v6 =	vmul.f32 $2.500000000e-01, v6;
	[tilespmem:v4+s17+$0x0] =	vst.idx.msk $0xffff, v7  }
0xe4: {  	[tilespmem:v3+s17+$0x0] =	vst.idx.msk $0xffff, v8  }
0xe5: {  	[tilespmem:v5+s17+$0x0] =	vst.idx.msk $0xffff, v6  }
0xe6: {  	v3 =	vld [tilespmem:s11+$0x0]  }
0xe7: {  	s20 =	sand.u32 $0x1C00, s20;
	s21 =	sand.u32 $0x60, s14;
	v4 =	vld [tilespmem:s11+$0x1000]  }
0xe8: {  	s24 =	sor.u32 s21, s20;
	v5 =	vld [tilespmem:s11+$0x2000]  }
0xe9: {  	v13 =	vor.u32 s24, v0;
	s25 =	sor.u32 $0x80, s24;
	s26 =	sor.u32 $0x180, s24;
	s23 =	sor.u32 $0x200, s24  }
0xea: {  	s22 =	sor.u32 $0x280, s24;
	s21 =	sor.u32 $0x300, s24;
	s20 =	sor.u32 $0x380, s24;
	v7 =	vor.u32 s24, v2  }
0xeb: {  	v8 =	vor.u32 s25, v0  }
0xec: {  	v9 =	vor.u32 s25, v2;
	v6 =	vld [tilespmem:s11+$0x3000];
	v10 =	vadd.f32 v4, v3  }
0xed: {  	v11 =	vadd.f32 $1.000000000e+00, v3  }
0xee: {  	[tilespmem:v13+s29+$0x0] =	vst.idx.msk $0xffff, v3;
	v3 =	vadd.f32 $1.000000000e+00, v10  }
0xef: {  	v10 =	vmul.f32 $5.000000000e-01, v11;
	[tilespmem:v7+s29+$0x0] =	vst.idx.msk $0xffff, v5  }
0xf0: {  	[tilespmem:v8+s29+$0x0] =	vst.idx.msk $0xffff, v4;
	v4 =	vmul.f32 $3.333333430e-01, v3;
	v3 =	vadd.f32 v3, v5  }
0xf1: {  	[tilespmem:v9+s29+$0x0] =	vst.idx.msk $0xffff, v6  }
0xf2: {  	v3 =	vmul.f32 $2.500000000e-01, v3;
	[tilespmem:v7+s16+$0x0] =	vst.idx.msk $0xffff, v4  }
0xf3: {  	[tilespmem:v8+s16+$0x0] =	vst.idx.msk $0xffff, v10  }
0xf4: {  	[tilespmem:v9+s16+$0x0] =	vst.idx.msk $0xffff, v3  }
0xf5: {  	v3 =	vld [tilespmem:s11+$0x80]  }
0xf6: {  	v4 =	vld [tilespmem:s11+$0x1080]  }
0xf7: {  	s24 =	sor.u32 $0x100, s24  }
0xf8: {  	v17 =	vor.u32 s24, v0  }
0xf9: {  	v10 =	vor.u32 s24, v2;
	v5 =	vld [tilespmem:s11+$0x2080]  }
0xfa: {  	v11 =	vor.u32 s26, v0;
	v6 =	vadd.f32 $1.000000000e+00, v3  }
0xfb: {  	v12 =	vor.u32 s26, v2;
	v14 =	vld [tilespmem:s11+$0x3080];
	v15 =	vadd.f32 v4, v3;
	_ =	sdelay $0x1  }
0xfc: {  	[tilespmem:v17+s29+$0x0] =	vst.idx.msk $0xffff, v3;
	v3 =	vadd.f32 $1.000000000e+00, v15  }
0xfd: {  	[tilespmem:v10+s29+$0x0] =	vst.idx.msk $0xffff, v5  }
0xfe: {  	[tilespmem:v11+s29+$0x0] =	vst.idx.msk $0xffff, v4;
	v4 =	vmul.f32 $3.333333430e-01, v3;
	v3 =	vadd.f32 v3, v5  }
0xff: {  	v5 =	vmul.f32 $5.000000000e-01, v6;
	[tilespmem:v12+s29+$0x0] =	vst.idx.msk $0xffff, v14  }
0x100: {  	v3 =	vmul.f32 $2.500000000e-01, v3;
	[tilespmem:v10+s16+$0x0] =	vst.idx.msk $0xffff, v4  }
0x101: {  	[tilespmem:v11+s16+$0x0] =	vst.idx.msk $0xffff, v5  }
0x102: {  	[tilespmem:v12+s16+$0x0] =	vst.idx.msk $0xffff, v3  }
0x103: {  	v18 =	vor.u32 s23, v0;
	v3 =	vld [tilespmem:s11+$0x100]  }
0x104: {  	v4 =	vld [tilespmem:s11+$0x1100]  }
0x105: {  	v5 =	vld [tilespmem:s11+$0x3100];
	_ =	sdelay $0x1  }
0x106: {  	v14 =	vor.u32 s23, v2;
	v6 =	vld [tilespmem:s11+$0x2100]  }
0x107: {  	v15 =	vor.u32 s22, v0;
	[tilespmem:v18+s29+$0x0] =	vst.idx.msk $0xffff, v3;
	v19 =	vadd.f32 $1.000000000e+00, v3  }
0x108: {  	v16 =	vor.u32 s22, v2;
	v3 =	vadd.f32 v4, v3;
	_ =	sdelay $0x1  }
0x109: {  	v3 =	vadd.f32 $1.000000000e+00, v3  }
0x10a: {  	[tilespmem:v14+s29+$0x0] =	vst.idx.msk $0xffff, v6  }
0x10b: {  	[tilespmem:v15+s29+$0x0] =	vst.idx.msk $0xffff, v4;
	v4 =	vmul.f32 $3.333333430e-01, v3;
	v3 =	vadd.f32 v3, v6  }
0x10c: {  	[tilespmem:v16+s29+$0x0] =	vst.idx.msk $0xffff, v5;
	v5 =	vmul.f32 $5.000000000e-01, v19  }
0x10d: {  	v3 =	vmul.f32 $2.500000000e-01, v3;
	[tilespmem:v14+s16+$0x0] =	vst.idx.msk $0xffff, v4  }
0x10e: {  	[tilespmem:v15+s16+$0x0] =	vst.idx.msk $0xffff, v5  }
0x10f: {  	[tilespmem:v16+s16+$0x0] =	vst.idx.msk $0xffff, v3  }
0x110: {  	v6 =	vor.u32 s21, v0;
	v19 =	vld [tilespmem:s11+$0x180]  }
0x111: {  	v20 =	vld [tilespmem:s11+$0x1180];
	_ =	sdelay $0x1  }
0x112: {  	v21 =	vld [tilespmem:s11+$0x3180]  }
0x113: {  	v4 =	vor.u32 s21, v2;
	v22 =	vld [tilespmem:s11+$0x2180]  }
0x114: {  	v3 =	vor.u32 s20, v0;
	[tilespmem:v6+s29+$0x0] =	vst.idx.msk $0xffff, v19;
	v23 =	vadd.f32 $1.000000000e+00, v19  }
0x115: {  	v5 =	vor.u32 s20, v2;
	v19 =	vadd.f32 v20, v19;
	_ =	sdelay $0x1  }
0x116: {  	v19 =	vadd.f32 $1.000000000e+00, v19  }
0x117: {  	[tilespmem:v4+s29+$0x0] =	vst.idx.msk $0xffff, v22  }
0x118: {  	[tilespmem:v3+s29+$0x0] =	vst.idx.msk $0xffff, v20;
	v20 =	vmul.f32 $3.333333430e-01, v19;
	v19 =	vadd.f32 v19, v22  }
0x119: {  	[tilespmem:v5+s29+$0x0] =	vst.idx.msk $0xffff, v21;
	v21 =	vmul.f32 $5.000000000e-01, v23  }
0x11a: {  	v19 =	vmul.f32 $2.500000000e-01, v19;
	[tilespmem:v4+s16+$0x0] =	vst.idx.msk $0xffff, v20  }
0x11b: {  	[tilespmem:v3+s16+$0x0] =	vst.idx.msk $0xffff, v21  }
0x11c: {  	[tilespmem:v5+s16+$0x0] =	vst.idx.msk $0xffff, v19  }
0x11d: {  	v19 =	vld [tilespmem:s11+$0x200]  }
0x11e: {  	v20 =	vld [tilespmem:s11+$0x1200]  }
0x11f: {  	v21 =	vld [tilespmem:s11+$0x3200];
	_ =	sdelay $0x1  }
0x120: {  	v22 =	vld [tilespmem:s11+$0x2200]  }
0x121: {  	[tilespmem:v13+s30+$0x0] =	vst.idx.msk $0xffff, v19;
	v13 =	vadd.f32 $1.000000000e+00, v19  }
0x122: {  	v19 =	vadd.f32 v20, v19;
	_ =	sdelay $0x1  }
0x123: {  	v19 =	vadd.f32 $1.000000000e+00, v19  }
0x124: {  	[tilespmem:v7+s30+$0x0] =	vst.idx.msk $0xffff, v22  }
0x125: {  	[tilespmem:v8+s30+$0x0] =	vst.idx.msk $0xffff, v20;
	v20 =	vmul.f32 $3.333333430e-01, v19;
	v19 =	vadd.f32 v19, v22  }
0x126: {  	v13 =	vmul.f32 $5.000000000e-01, v13;
	[tilespmem:v9+s30+$0x0] =	vst.idx.msk $0xffff, v21  }
0x127: {  	v19 =	vmul.f32 $2.500000000e-01, v19;
	[tilespmem:v7+s17+$0x0] =	vst.idx.msk $0xffff, v20  }
0x128: {  	[tilespmem:v8+s17+$0x0] =	vst.idx.msk $0xffff, v13  }
0x129: {  	[tilespmem:v9+s17+$0x0] =	vst.idx.msk $0xffff, v19  }
0x12a: {  	v7 =	vld [tilespmem:s11+$0x280]  }
0x12b: {  	v8 =	vld [tilespmem:s11+$0x1280]  }
0x12c: {  	v9 =	vld [tilespmem:s11+$0x2280]  }
0x12d: {  	v13 =	vld [tilespmem:s11+$0x3280];
	_ =	sdelay $0x1  }
0x12e: {  	[tilespmem:v17+s30+$0x0] =	vst.idx.msk $0xffff, v7;
	v17 =	vadd.f32 $1.000000000e+00, v7  }
0x12f: {  	v7 =	vadd.f32 v8, v7  }
0x130: {  	[tilespmem:v10+s30+$0x0] =	vst.idx.msk $0xffff, v9  }
0x131: {  	[tilespmem:v11+s30+$0x0] =	vst.idx.msk $0xffff, v8;
	v7 =	vadd.f32 $1.000000000e+00, v7  }
0x132: {  	[tilespmem:v12+s30+$0x0] =	vst.idx.msk $0xffff, v13  }
0x133: {  	v8 =	vmul.f32 $3.333333430e-01, v7;
	v7 =	vadd.f32 v7, v9  }
0x134: {  	v9 =	vmul.f32 $5.000000000e-01, v17  }
0x135: {  	v7 =	vmul.f32 $2.500000000e-01, v7;
	[tilespmem:v10+s17+$0x0] =	vst.idx.msk $0xffff, v8  }
0x136: {  	[tilespmem:v11+s17+$0x0] =	vst.idx.msk $0xffff, v9  }
0x137: {  	[tilespmem:v12+s17+$0x0] =	vst.idx.msk $0xffff, v7  }
0x138: {  	v7 =	vld [tilespmem:s11+$0x300]  }
0x139: {  	v8 =	vld [tilespmem:s11+$0x1300]  }
0x13a: {  	v9 =	vld [tilespmem:s11+$0x2300]  }
0x13b: {  	v10 =	vld [tilespmem:s11+$0x3300];
	_ =	sdelay $0x1  }
0x13c: {  	[tilespmem:v18+s30+$0x0] =	vst.idx.msk $0xffff, v7;
	v11 =	vadd.f32 $1.000000000e+00, v7  }
0x13d: {  	v7 =	vadd.f32 v8, v7  }
0x13e: {  	[tilespmem:v14+s30+$0x0] =	vst.idx.msk $0xffff, v9  }
0x13f: {  	[tilespmem:v15+s30+$0x0] =	vst.idx.msk $0xffff, v8;
	v7 =	vadd.f32 $1.000000000e+00, v7  }
0x140: {  	[tilespmem:v16+s30+$0x0] =	vst.idx.msk $0xffff, v10  }
.Ltmp6:
0x141: {  	v8 =	vmul.f32 $3.333333430e-01, v7;
	v7 =	vadd.f32 v7, v9;
	(pc) =	sbr.rel @p1 .LBB2_11-.Ltmp6, $4  }
0x142: {  	v9 =	vmul.f32 $5.000000000e-01, v11  }
0x143: {  	v7 =	vmul.f32 $2.500000000e-01, v7;
	[tilespmem:v14+s17+$0x0] =	vst.idx.msk $0xffff, v8  }
0x144: {  	[tilespmem:v15+s17+$0x0] =	vst.idx.msk $0xffff, v9  }
0x145: {  	[tilespmem:v16+s17+$0x0] =	vst.idx.msk $0xffff, v7  }
0x146: {  	v7 =	vld [tilespmem:s11+$0x1380]  }
0x147: {  	v8 =	vld [tilespmem:s11+$0x380];
	_ =	sdelay $0x2  }
0x148: {  	v9 =	vld [tilespmem:s11+$0x2380];
	_ =	sdelay $0x1  }
0x149: {  	v10 =	vld [tilespmem:s11+$0x3380];
	v11 =	vadd.f32 v7, v8;
	_ =	sdelay $0x1  }
0x14a: {  	[tilespmem:v6+s30+$0x0] =	vst.idx.msk $0xffff, v8;
	v6 =	vadd.f32 $1.000000000e+00, v11  }
0x14b: {  	v8 =	vadd.f32 $1.000000000e+00, v8;
	[tilespmem:v4+s30+$0x0] =	vst.idx.msk $0xffff, v9  }
0x14c: {  	s6 =	sshll.u32 s9, $0xE;
	[tilespmem:v3+s30+$0x0] =	vst.idx.msk $0xffff, v7;
	v7 =	vmul.f32 $3.333333430e-01, v6;
	v6 =	vadd.f32 v6, v9  }
0x14d: {  	s26 =	sshll.u32 s12, $0x10;
	s6 =	sand.u32 $0x4000, s6;
	v8 =	vmul.f32 $5.000000000e-01, v8;
	[tilespmem:v5+s30+$0x0] =	vst.idx.msk $0xffff, v10  }
0x14e: {  	s6 =	sor.u32 s6, s26;
	v6 =	vmul.f32 $2.500000000e-01, v6;
	[tilespmem:v4+s17+$0x0] =	vst.idx.msk $0xffff, v7  }
0x14f: {  	s11 =	sshrl.u32 s6, $0x3;
	[tilespmem:v3+s17+$0x0] =	vst.idx.msk $0xffff, v8  }
0x150: {  	s6 =	sadd.s32 s3, s11;
	[tilespmem:v5+s17+$0x0] =	vst.idx.msk $0xffff, v6  }
0x151: {  	[hbm4b:s6+s5] =	stream.linear.scatter [tilespmem:s29], [sflag:$0x3], $0x2000, $0x38;
	[tilespmem:$0x18000] =	vst v63  }
0x152: {  	s12 =	sadd.s32 s4, s11;
	s13 =	sor.u32 $0x1000, s11  }
0x153: {  	[hbm4b:s12+s5] =	stream.linear.scatter [tilespmem:s16], [sflag:$0x3], $0x2000, $0x38;
	[tilespmem:$0x18000] =	vst v63  }
0x154: {  	s14 =	sadd.s32 s3, s13  }
0x155: {  	[hbm4b:s14+s5] =	stream.linear.scatter [tilespmem:s30], [sflag:$0x3], $0x2000, $0x38;
	[tilespmem:$0x18000] =	vst v63  }
0x156: {  	p1 =	seq.s32 s9, $0xF;
	s6 =	sadd.s32 s4, s13  }
0x157: {  	[hbm4b:s6+s5] =	stream.linear.scatter [tilespmem:s17], [sflag:$0x3], $0x2000, $0x38;
	[tilespmem:$0x18000] =	vst v63  }
0x158: {  	s6 =	sadd.s32 @!p1 $0x2, s10  }
0x159: {  	s12 =	sshrl.u32 @!p1 s6, $0x2  }
0x15a: {  	s6 =	sshll.u32 @!p1 s6, $0xC;
	s12 =	sadd.s32 @!p1 s7, s12  }
0x15b: {  	s6 =	sand.u32 @!p1 $0x2000, s6;
	s12 =	sshll.u32 @!p1 s12, $0xE  }
0x15c: {  	s6 =	sor.u32 @!p1 s6, s12  }
0x15d: {  	s6 =	sshrl.u32 @!p1 s6, $0x3  }
0x15e: {  	s12 =	simm.s32 @!p1 $0x0;
	s6 =	sadd.s32 @!p1 s1, s6  }
0x15f: {  	[tilespmem:s12], [sflag:$0x1] =	stream.linear.gather @!p1 [hbm4b:s6+s12], $0x1000, $0x38;
	[tilespmem:$0x18000] =	vst v63  }
0x160: {  	s14 =	simm.s32 @!p1 $0x1000;
	s13 =	sadd.s32 @!p1 $0x80000, s6  }
0x161: {  	[tilespmem:s14], [sflag:$0x1] =	stream.linear.gather @!p1 [hbm4b:s13+s12], $0x1000, $0x38;
	[tilespmem:$0x18000] =	vst v63  }
0x162: {  	s13 =	sadd.s32 @!p1 $0x100000, s6;
	s14 =	simm.s32 @!p1 $0x2000  }
0x163: {  	[tilespmem:s14], [sflag:$0x1] =	stream.linear.gather @!p1 [hbm4b:s13+s12], $0x1000, $0x38;
	[tilespmem:$0x18000] =	vst v63  }
0x164: {  	s6 =	sadd.s32 @!p1 $0x180000, s6;
	s13 =	simm.s32 @!p1 $0x3000  }
0x165: {  	[tilespmem:s13], [sflag:$0x1] =	stream.linear.gather @!p1 [hbm4b:s6+s12], $0x1000, $0x38;
	[tilespmem:$0x18000] =	vst v63  }
0x166: {  	_ =	swait.ge [sflag:s31], $0x1000  }
0x167: {  	[sflag:s31] =	ssyncset.done $0x0  }
0x168: {  	[sflag:s31] =	ssyncadd.s32 $0xFFFFF000  }
0x169: {  	_ =	swait.ge [sflag:s31], $0x1000  }
0x16a: {  	[sflag:s31] =	ssyncset.done $0x0  }
0x16b: {  	[sflag:s31] =	ssyncadd.s32 $0xFFFFF000  }
0x16c: {  	_ =	swait.ge [sflag:s31], $0x1000  }
0x16d: {  	[sflag:s31] =	ssyncset.done $0x0  }
0x16e: {  	[sflag:s31] =	ssyncadd.s32 $0xFFFFF000  }
0x16f: {  	_ =	swait.ge [sflag:s31], $0x1000  }
0x170: {  	[sflag:s31] =	ssyncset.done $0x0  }
0x171: {  	s6 =	simm.s32 @!p0 $0x4;
	[sflag:s31] =	ssyncadd.s32 $0xFFFFF000  }
0x172: {  	_ =	swait.ge @!p0 [sflag:s6], $0x2000  }
0x173: {  	[sflag:s6] =	ssyncset.done @!p0 $0x0  }
0x174: {  	[sflag:s6] =	ssyncadd.s32 @!p0 $0xFFFFE000  }
0x175: {  	_ =	swait.ge @!p0 [sflag:s6], $0x2000  }
0x176: {  	[sflag:s6] =	ssyncset.done @!p0 $0x0  }
0x177: {  	[sflag:s6] =	ssyncadd.s32 @!p0 $0xFFFFE000  }
0x178: {  	_ =	swait.ge @!p0 [sflag:s6], $0x2000  }
0x179: {  	[sflag:s6] =	ssyncset.done @!p0 $0x0  }
0x17a: {  	[sflag:s6] =	ssyncadd.s32 @!p0 $0xFFFFE000  }
0x17b: {  	s12 =	simm.s32 $0x0;
	_ =	swait.ge @!p0 [sflag:s6], $0x2000  }
0x17c: {  	s15 =	sand.u32 $0x70, s12;
	s20 =	sand.u32 $0xC00, s12;
	[sflag:s6] =	ssyncset.done @!p0 $0x0  }
0x17d: {  	s13 =	sor.u32 s15, s20;
	[sflag:s6] =	ssyncadd.s32 @!p0 $0xFFFFE000  }
0x17e: {  	v3 =	vld [tilespmem:s13+$0x4000]  }
0x17f: {  	s21 =	sand.u32 $0x60, s12;
	s22 =	sand.u32 $0x1C00, s12;
	v4 =	vld [tilespmem:s13+$0x5000]  }
0x180: {  	s6 =	sor.u32 s21, s22  }
0x181: {  	v7 =	vor.u32 s6, v0  }
0x182: {  	v5 =	vld [tilespmem:s13+$0x6000];
	s14 =	sor.u32 $0x80, s6;
	v8 =	vor.u32 s6, v2  }
0x183: {  	v52 =	vor.u32 s14, v0  }
0x184: {  	v6 =	vld [tilespmem:s13+$0x7000];
	v53 =	vor.u32 s14, v2;
	v54 =	vadd.f32 v4, v3;
	_ =	sdelay $0x1  }
0x185: {  	[tilespmem:v7+s2+$0x0] =	vst.idx.msk $0xffff, v3;
	v11 =	vadd.f32 $1.000000000e+00, v54  }
0x186: {  	v3 =	vadd.f32 $1.000000000e+00, v3;
	[tilespmem:v8+s2+$0x0] =	vst.idx.msk $0xffff, v5  }
0x187: {  	[tilespmem:v52+s2+$0x0] =	vst.idx.msk $0xffff, v4;
	v4 =	vmul.f32 $3.333333430e-01, v11;
	v5 =	vadd.f32 v11, v5  }
0x188: {  	v3 =	vmul.f32 $5.000000000e-01, v3;
	[tilespmem:v53+s2+$0x0] =	vst.idx.msk $0xffff, v6  }
0x189: {  	v5 =	vmul.f32 $2.500000000e-01, v5;
	[tilespmem:v8+s18+$0x0] =	vst.idx.msk $0xffff, v4  }
0x18a: {  	[tilespmem:v52+s18+$0x0] =	vst.idx.msk $0xffff, v3  }
0x18b: {  	[tilespmem:v53+s18+$0x0] =	vst.idx.msk $0xffff, v5  }
0x18c: {  	v3 =	vld [tilespmem:s13+$0x4080]  }
0x18d: {  	v4 =	vld [tilespmem:s13+$0x5080]  }
0x18e: {  	s23 =	sor.u32 $0x100, s6  }
0x18f: {  	v55 =	vor.u32 s23, v0  }
0x190: {  	s15 =	sor.u32 $0x180, s6;
	v12 =	vor.u32 s23, v2;
	v5 =	vld [tilespmem:s13+$0x6080]  }
0x191: {  	v13 =	vor.u32 s15, v0  }
0x192: {  	v14 =	vor.u32 s15, v2;
	v6 =	vld [tilespmem:s13+$0x7080];
	v15 =	vadd.f32 v4, v3;
	_ =	sdelay $0x1  }
0x193: {  	[tilespmem:v55+s2+$0x0] =	vst.idx.msk $0xffff, v3;
	v15 =	vadd.f32 $1.000000000e+00, v15  }
0x194: {  	v3 =	vadd.f32 $1.000000000e+00, v3;
	[tilespmem:v12+s2+$0x0] =	vst.idx.msk $0xffff, v5  }
0x195: {  	[tilespmem:v13+s2+$0x0] =	vst.idx.msk $0xffff, v4;
	v4 =	vmul.f32 $3.333333430e-01, v15;
	v5 =	vadd.f32 v15, v5  }
0x196: {  	v3 =	vmul.f32 $5.000000000e-01, v3;
	[tilespmem:v14+s2+$0x0] =	vst.idx.msk $0xffff, v6  }
0x197: {  	v5 =	vmul.f32 $2.500000000e-01, v5;
	[tilespmem:v12+s18+$0x0] =	vst.idx.msk $0xffff, v4  }
0x198: {  	[tilespmem:v13+s18+$0x0] =	vst.idx.msk $0xffff, v3  }
0x199: {  	[tilespmem:v14+s18+$0x0] =	vst.idx.msk $0xffff, v5  }
0x19a: {  	v3 =	vld [tilespmem:s13+$0x4100]  }
0x19b: {  	v4 =	vld [tilespmem:s13+$0x5100]  }
0x19c: {  	s24 =	sor.u32 $0x200, s6  }
0x19d: {  	v56 =	vor.u32 s24, v0  }
0x19e: {  	s25 =	sor.u32 $0x280, s6;
	v16 =	vor.u32 s24, v2;
	v5 =	vld [tilespmem:s13+$0x6100]  }
0x19f: {  	v17 =	vor.u32 s25, v0  }
0x1a0: {  	v18 =	vor.u32 s25, v2;
	v6 =	vld [tilespmem:s13+$0x7100];
	v19 =	vadd.f32 v4, v3;
	_ =	sdelay $0x1  }
0x1a1: {  	[tilespmem:v56+s2+$0x0] =	vst.idx.msk $0xffff, v3;
	v19 =	vadd.f32 $1.000000000e+00, v19  }
0x1a2: {  	v3 =	vadd.f32 $1.000000000e+00, v3;
	[tilespmem:v16+s2+$0x0] =	vst.idx.msk $0xffff, v5  }
0x1a3: {  	[tilespmem:v17+s2+$0x0] =	vst.idx.msk $0xffff, v4;
	v4 =	vmul.f32 $3.333333430e-01, v19;
	v5 =	vadd.f32 v19, v5  }
0x1a4: {  	v3 =	vmul.f32 $5.000000000e-01, v3;
	[tilespmem:v18+s2+$0x0] =	vst.idx.msk $0xffff, v6  }
0x1a5: {  	v5 =	vmul.f32 $2.500000000e-01, v5;
	[tilespmem:v16+s18+$0x0] =	vst.idx.msk $0xffff, v4  }
0x1a6: {  	[tilespmem:v17+s18+$0x0] =	vst.idx.msk $0xffff, v3  }
0x1a7: {  	[tilespmem:v18+s18+$0x0] =	vst.idx.msk $0xffff, v5  }
0x1a8: {  	v57 =	vld [tilespmem:s13+$0x4180]  }
0x1a9: {  	v20 =	vld [tilespmem:s13+$0x5180]  }
0x1aa: {  	s26 =	sor.u32 $0x300, s6  }
0x1ab: {  	v6 =	vor.u32 s26, v0  }
0x1ac: {  	s6 =	sor.u32 $0x380, s6;
	v3 =	vor.u32 s26, v2;
	v21 =	vld [tilespmem:s13+$0x6180]  }
0x1ad: {  	v4 =	vor.u32 s6, v0  }
0x1ae: {  	v5 =	vor.u32 s6, v2;
	v22 =	vld [tilespmem:s13+$0x7180];
	v23 =	vadd.f32 v20, v57;
	_ =	sdelay $0x1  }
0x1af: {  	[tilespmem:v6+s2+$0x0] =	vst.idx.msk $0xffff, v57;
	v23 =	vadd.f32 $1.000000000e+00, v23  }
0x1b0: {  	v19 =	vadd.f32 $1.000000000e+00, v57;
	[tilespmem:v3+s2+$0x0] =	vst.idx.msk $0xffff, v21  }
0x1b1: {  	[tilespmem:v4+s2+$0x0] =	vst.idx.msk $0xffff, v20;
	v58 =	vmul.f32 $3.333333430e-01, v23;
	v21 =	vadd.f32 v23, v21  }
0x1b2: {  	v19 =	vmul.f32 $5.000000000e-01, v19;
	[tilespmem:v5+s2+$0x0] =	vst.idx.msk $0xffff, v22  }
0x1b3: {  	v21 =	vmul.f32 $2.500000000e-01, v21;
	[tilespmem:v3+s18+$0x0] =	vst.idx.msk $0xffff, v58  }
0x1b4: {  	[tilespmem:v4+s18+$0x0] =	vst.idx.msk $0xffff, v19  }
0x1b5: {  	[tilespmem:v5+s18+$0x0] =	vst.idx.msk $0xffff, v21  }
0x1b6: {  	v19 =	vld [tilespmem:s13+$0x4200]  }
0x1b7: {  	v20 =	vld [tilespmem:s13+$0x5200];
	_ =	sdelay $0x2  }
0x1b8: {  	v21 =	vld [tilespmem:s13+$0x6200];
	_ =	sdelay $0x1  }
0x1b9: {  	v22 =	vld [tilespmem:s13+$0x7200];
	v59 =	vadd.f32 v20, v19;
	_ =	sdelay $0x1  }
0x1ba: {  	[tilespmem:v7+s0+$0x0] =	vst.idx.msk $0xffff, v19;
	v7 =	vadd.f32 $1.000000000e+00, v59  }
0x1bb: {  	v19 =	vadd.f32 $1.000000000e+00, v19;
	[tilespmem:v8+s0+$0x0] =	vst.idx.msk $0xffff, v21  }
0x1bc: {  	[tilespmem:v52+s0+$0x0] =	vst.idx.msk $0xffff, v20;
	v60 =	vmul.f32 $3.333333430e-01, v7;
	v7 =	vadd.f32 v7, v21  }
0x1bd: {  	v19 =	vmul.f32 $5.000000000e-01, v19;
	[tilespmem:v53+s0+$0x0] =	vst.idx.msk $0xffff, v22  }
0x1be: {  	v7 =	vmul.f32 $2.500000000e-01, v7;
	[tilespmem:v8+s19+$0x0] =	vst.idx.msk $0xffff, v60  }
0x1bf: {  	[tilespmem:v52+s19+$0x0] =	vst.idx.msk $0xffff, v19  }
0x1c0: {  	[tilespmem:v53+s19+$0x0] =	vst.idx.msk $0xffff, v7  }
0x1c1: {  	v7 =	vld [tilespmem:s13+$0x4280]  }
0x1c2: {  	v8 =	vld [tilespmem:s13+$0x5280];
	_ =	sdelay $0x2  }
0x1c3: {  	v9 =	vld [tilespmem:s13+$0x6280];
	_ =	sdelay $0x1  }
0x1c4: {  	v10 =	vld [tilespmem:s13+$0x7280];
	v61 =	vadd.f32 v8, v7;
	_ =	sdelay $0x1  }
0x1c5: {  	[tilespmem:v55+s0+$0x0] =	vst.idx.msk $0xffff, v7;
	v62 =	vadd.f32 $1.000000000e+00, v61  }
0x1c6: {  	v7 =	vadd.f32 $1.000000000e+00, v7;
	[tilespmem:v12+s0+$0x0] =	vst.idx.msk $0xffff, v9  }
0x1c7: {  	[tilespmem:v13+s0+$0x0] =	vst.idx.msk $0xffff, v8;
	v8 =	vmul.f32 $3.333333430e-01, v62;
	v9 =	vadd.f32 v62, v9  }
0x1c8: {  	v7 =	vmul.f32 $5.000000000e-01, v7;
	[tilespmem:v14+s0+$0x0] =	vst.idx.msk $0xffff, v10  }
0x1c9: {  	v9 =	vmul.f32 $2.500000000e-01, v9;
	[tilespmem:v12+s19+$0x0] =	vst.idx.msk $0xffff, v8  }
0x1ca: {  	[tilespmem:v13+s19+$0x0] =	vst.idx.msk $0xffff, v7  }
0x1cb: {  	[tilespmem:v14+s19+$0x0] =	vst.idx.msk $0xffff, v9  }
0x1cc: {  	v7 =	vld [tilespmem:s13+$0x4300]  }
0x1cd: {  	v8 =	vld [tilespmem:s13+$0x5300];
	_ =	sdelay $0x2  }
0x1ce: {  	v9 =	vld [tilespmem:s13+$0x6300];
	_ =	sdelay $0x1  }
0x1cf: {  	v10 =	vld [tilespmem:s13+$0x7300];
	v63 =	vadd.f32 v8, v7;
	_ =	sdelay $0x1  }
0x1d0: {  	[tilespmem:v56+s0+$0x0] =	vst.idx.msk $0xffff, v7;
	v11 =	vadd.f32 $1.000000000e+00, v63  }
0x1d1: {  	v7 =	vadd.f32 $1.000000000e+00, v7;
	[tilespmem:v16+s0+$0x0] =	vst.idx.msk $0xffff, v9  }
0x1d2: {  	[tilespmem:v17+s0+$0x0] =	vst.idx.msk $0xffff, v8;
	v8 =	vmul.f32 $3.333333430e-01, v11;
	v9 =	vadd.f32 v11, v9  }
0x1d3: {  	v7 =	vmul.f32 $5.000000000e-01, v7;
	[tilespmem:v18+s0+$0x0] =	vst.idx.msk $0xffff, v10  }
0x1d4: {  	v9 =	vmul.f32 $2.500000000e-01, v9;
	[tilespmem:v16+s19+$0x0] =	vst.idx.msk $0xffff, v8  }
0x1d5: {  	[tilespmem:v17+s19+$0x0] =	vst.idx.msk $0xffff, v7  }
0x1d6: {  	s14 =	simm.s32 $0x100;
	s15 =	simm.s32 $0x0;
	s6 =	simm.s32 $0x0;
	[tilespmem:v18+s19+$0x0] =	vst.idx.msk $0xffff, v9  }
.LBB2_13:
0x1d7: {  	s12 =	sadd.s32 $0x20, s12;
	s15 =	sadd.s32 $0x10, s15;
	s6 =	sadd.s32 $0x80, s6  }
0x1d8: {  	p0 =	sne.s32 s14, $0x1F00;
	s20 =	smov.u32 s14;
	s14 =	sadd.s32 $0x100, s14;
	v7 =	vld [tilespmem:s13+$0x5380]  }
0x1d9: {  	v8 =	vld [tilespmem:s13+$0x4380]  }
0x1da: {  	v9 =	vld [tilespmem:s13+$0x6380];
	_ =	sdelay $0x1  }
0x1db: {  	v10 =	vld [tilespmem:s13+$0x7380];
	_ =	sdelay $0x1  }
0x1dc: {  	[tilespmem:v6+s0+$0x0] =	vst.idx.msk $0xffff, v8;
	v6 =	vadd.f32 v7, v8;
	v8 =	vadd.f32 $1.000000000e+00, v8  }
0x1dd: {  	s21 =	sand.u32 $0xC00, s6;
	s13 =	sand.u32 $0x70, s15;
	[tilespmem:v3+s0+$0x0] =	vst.idx.msk $0xffff, v9  }
0x1de: {  	s13 =	sor.u32 s13, s21;
	[tilespmem:v4+s0+$0x0] =	vst.idx.msk $0xffff, v7;
	v6 =	vadd.f32 $1.000000000e+00, v6  }
0x1df: {  	[tilespmem:v5+s0+$0x0] =	vst.idx.msk $0xffff, v10  }
0x1e0: {  	v7 =	vmul.f32 $3.333333430e-01, v6;
	v6 =	vadd.f32 v6, v9  }
0x1e1: {  	v8 =	vmul.f32 $5.000000000e-01, v8  }
0x1e2: {  	v6 =	vmul.f32 $2.500000000e-01, v6;
	[tilespmem:v3+s19+$0x0] =	vst.idx.msk $0xffff, v7  }
0x1e3: {  	[tilespmem:v4+s19+$0x0] =	vst.idx.msk $0xffff, v8  }
0x1e4: {  	[tilespmem:v5+s19+$0x0] =	vst.idx.msk $0xffff, v6  }
0x1e5: {  	v3 =	vld [tilespmem:s13+$0x4000]  }
0x1e6: {  	s20 =	sand.u32 $0x1C00, s20;
	s21 =	sand.u32 $0x60, s12;
	v4 =	vld [tilespmem:s13+$0x5000]  }
0x1e7: {  	s24 =	sor.u32 s21, s20;
	v5 =	vld [tilespmem:s13+$0x6000]  }
0x1e8: {  	v13 =	vor.u32 s24, v0;
	s25 =	sor.u32 $0x80, s24;
	s26 =	sor.u32 $0x180, s24;
	s23 =	sor.u32 $0x200, s24  }
0x1e9: {  	s22 =	sor.u32 $0x280, s24;
	s21 =	sor.u32 $0x300, s24;
	s20 =	sor.u32 $0x380, s24;
	v7 =	vor.u32 s24, v2  }
0x1ea: {  	v8 =	vor.u32 s25, v0  }
0x1eb: {  	v9 =	vor.u32 s25, v2;
	v6 =	vld [tilespmem:s13+$0x7000];
	v10 =	vadd.f32 v4, v3  }
0x1ec: {  	v11 =	vadd.f32 $1.000000000e+00, v3  }
0x1ed: {  	[tilespmem:v13+s2+$0x0] =	vst.idx.msk $0xffff, v3;
	v3 =	vadd.f32 $1.000000000e+00, v10  }
0x1ee: {  	v10 =	vmul.f32 $5.000000000e-01, v11;
	[tilespmem:v7+s2+$0x0] =	vst.idx.msk $0xffff, v5  }
0x1ef: {  	[tilespmem:v8+s2+$0x0] =	vst.idx.msk $0xffff, v4;
	v4 =	vmul.f32 $3.333333430e-01, v3;
	v3 =	vadd.f32 v3, v5  }
0x1f0: {  	[tilespmem:v9+s2+$0x0] =	vst.idx.msk $0xffff, v6  }
0x1f1: {  	v3 =	vmul.f32 $2.500000000e-01, v3;
	[tilespmem:v7+s18+$0x0] =	vst.idx.msk $0xffff, v4  }
0x1f2: {  	[tilespmem:v8+s18+$0x0] =	vst.idx.msk $0xffff, v10  }
0x1f3: {  	[tilespmem:v9+s18+$0x0] =	vst.idx.msk $0xffff, v3  }
0x1f4: {  	v3 =	vld [tilespmem:s13+$0x4080]  }
0x1f5: {  	v4 =	vld [tilespmem:s13+$0x5080]  }
0x1f6: {  	s24 =	sor.u32 $0x100, s24  }
0x1f7: {  	v17 =	vor.u32 s24, v0  }
0x1f8: {  	v10 =	vor.u32 s24, v2;
	v5 =	vld [tilespmem:s13+$0x6080]  }
0x1f9: {  	v11 =	vor.u32 s26, v0;
	v6 =	vadd.f32 $1.000000000e+00, v3  }
0x1fa: {  	v12 =	vor.u32 s26, v2;
	v14 =	vld [tilespmem:s13+$0x7080];
	v15 =	vadd.f32 v4, v3;
	_ =	sdelay $0x1  }
0x1fb: {  	[tilespmem:v17+s2+$0x0] =	vst.idx.msk $0xffff, v3;
	v3 =	vadd.f32 $1.000000000e+00, v15  }
0x1fc: {  	[tilespmem:v10+s2+$0x0] =	vst.idx.msk $0xffff, v5  }
0x1fd: {  	[tilespmem:v11+s2+$0x0] =	vst.idx.msk $0xffff, v4;
	v4 =	vmul.f32 $3.333333430e-01, v3;
	v3 =	vadd.f32 v3, v5  }
0x1fe: {  	v5 =	vmul.f32 $5.000000000e-01, v6;
	[tilespmem:v12+s2+$0x0] =	vst.idx.msk $0xffff, v14  }
0x1ff: {  	v3 =	vmul.f32 $2.500000000e-01, v3;
	[tilespmem:v10+s18+$0x0] =	vst.idx.msk $0xffff, v4  }
0x200: {  	[tilespmem:v11+s18+$0x0] =	vst.idx.msk $0xffff, v5  }
0x201: {  	[tilespmem:v12+s18+$0x0] =	vst.idx.msk $0xffff, v3  }
0x202: {  	v18 =	vor.u32 s23, v0;
	v3 =	vld [tilespmem:s13+$0x4100]  }
0x203: {  	v4 =	vld [tilespmem:s13+$0x5100]  }
0x204: {  	v5 =	vld [tilespmem:s13+$0x7100];
	_ =	sdelay $0x1  }
0x205: {  	v14 =	vor.u32 s23, v2;
	v6 =	vld [tilespmem:s13+$0x6100]  }
0x206: {  	v15 =	vor.u32 s22, v0;
	[tilespmem:v18+s2+$0x0] =	vst.idx.msk $0xffff, v3;
	v19 =	vadd.f32 $1.000000000e+00, v3  }
0x207: {  	v16 =	vor.u32 s22, v2;
	v3 =	vadd.f32 v4, v3;
	_ =	sdelay $0x1  }
0x208: {  	v3 =	vadd.f32 $1.000000000e+00, v3  }
0x209: {  	[tilespmem:v14+s2+$0x0] =	vst.idx.msk $0xffff, v6  }
0x20a: {  	[tilespmem:v15+s2+$0x0] =	vst.idx.msk $0xffff, v4;
	v4 =	vmul.f32 $3.333333430e-01, v3;
	v3 =	vadd.f32 v3, v6  }
0x20b: {  	[tilespmem:v16+s2+$0x0] =	vst.idx.msk $0xffff, v5;
	v5 =	vmul.f32 $5.000000000e-01, v19  }
0x20c: {  	v3 =	vmul.f32 $2.500000000e-01, v3;
	[tilespmem:v14+s18+$0x0] =	vst.idx.msk $0xffff, v4  }
0x20d: {  	[tilespmem:v15+s18+$0x0] =	vst.idx.msk $0xffff, v5  }
0x20e: {  	[tilespmem:v16+s18+$0x0] =	vst.idx.msk $0xffff, v3  }
0x20f: {  	v6 =	vor.u32 s21, v0;
	v19 =	vld [tilespmem:s13+$0x4180]  }
0x210: {  	v20 =	vld [tilespmem:s13+$0x5180];
	_ =	sdelay $0x1  }
0x211: {  	v21 =	vld [tilespmem:s13+$0x7180]  }
0x212: {  	v3 =	vor.u32 s21, v2;
	v22 =	vld [tilespmem:s13+$0x6180]  }
0x213: {  	v4 =	vor.u32 s20, v0;
	[tilespmem:v6+s2+$0x0] =	vst.idx.msk $0xffff, v19;
	v23 =	vadd.f32 $1.000000000e+00, v19  }
0x214: {  	v5 =	vor.u32 s20, v2;
	v19 =	vadd.f32 v20, v19;
	_ =	sdelay $0x1  }
0x215: {  	v19 =	vadd.f32 $1.000000000e+00, v19  }
0x216: {  	[tilespmem:v3+s2+$0x0] =	vst.idx.msk $0xffff, v22  }
0x217: {  	[tilespmem:v4+s2+$0x0] =	vst.idx.msk $0xffff, v20;
	v20 =	vmul.f32 $3.333333430e-01, v19;
	v19 =	vadd.f32 v19, v22  }
0x218: {  	[tilespmem:v5+s2+$0x0] =	vst.idx.msk $0xffff, v21;
	v21 =	vmul.f32 $5.000000000e-01, v23  }
0x219: {  	v19 =	vmul.f32 $2.500000000e-01, v19;
	[tilespmem:v3+s18+$0x0] =	vst.idx.msk $0xffff, v20  }
0x21a: {  	[tilespmem:v4+s18+$0x0] =	vst.idx.msk $0xffff, v21  }
0x21b: {  	[tilespmem:v5+s18+$0x0] =	vst.idx.msk $0xffff, v19  }
0x21c: {  	v19 =	vld [tilespmem:s13+$0x4200]  }
0x21d: {  	v20 =	vld [tilespmem:s13+$0x5200]  }
0x21e: {  	v21 =	vld [tilespmem:s13+$0x7200];
	_ =	sdelay $0x1  }
0x21f: {  	v22 =	vld [tilespmem:s13+$0x6200]  }
0x220: {  	[tilespmem:v13+s0+$0x0] =	vst.idx.msk $0xffff, v19;
	v13 =	vadd.f32 $1.000000000e+00, v19  }
0x221: {  	v19 =	vadd.f32 v20, v19;
	_ =	sdelay $0x1  }
0x222: {  	v19 =	vadd.f32 $1.000000000e+00, v19  }
0x223: {  	[tilespmem:v7+s0+$0x0] =	vst.idx.msk $0xffff, v22  }
0x224: {  	[tilespmem:v8+s0+$0x0] =	vst.idx.msk $0xffff, v20;
	v20 =	vmul.f32 $3.333333430e-01, v19;
	v19 =	vadd.f32 v19, v22  }
0x225: {  	v13 =	vmul.f32 $5.000000000e-01, v13;
	[tilespmem:v9+s0+$0x0] =	vst.idx.msk $0xffff, v21  }
0x226: {  	v19 =	vmul.f32 $2.500000000e-01, v19;
	[tilespmem:v7+s19+$0x0] =	vst.idx.msk $0xffff, v20  }
0x227: {  	[tilespmem:v8+s19+$0x0] =	vst.idx.msk $0xffff, v13  }
0x228: {  	[tilespmem:v9+s19+$0x0] =	vst.idx.msk $0xffff, v19  }
0x229: {  	v7 =	vld [tilespmem:s13+$0x4280]  }
0x22a: {  	v8 =	vld [tilespmem:s13+$0x5280]  }
0x22b: {  	v9 =	vld [tilespmem:s13+$0x6280]  }
0x22c: {  	v13 =	vld [tilespmem:s13+$0x7280];
	_ =	sdelay $0x1  }
0x22d: {  	[tilespmem:v17+s0+$0x0] =	vst.idx.msk $0xffff, v7;
	v17 =	vadd.f32 $1.000000000e+00, v7  }
0x22e: {  	v7 =	vadd.f32 v8, v7  }
0x22f: {  	[tilespmem:v10+s0+$0x0] =	vst.idx.msk $0xffff, v9  }
0x230: {  	[tilespmem:v11+s0+$0x0] =	vst.idx.msk $0xffff, v8;
	v7 =	vadd.f32 $1.000000000e+00, v7  }
0x231: {  	[tilespmem:v12+s0+$0x0] =	vst.idx.msk $0xffff, v13  }
0x232: {  	v8 =	vmul.f32 $3.333333430e-01, v7;
	v7 =	vadd.f32 v7, v9  }
0x233: {  	v9 =	vmul.f32 $5.000000000e-01, v17  }
0x234: {  	v7 =	vmul.f32 $2.500000000e-01, v7;
	[tilespmem:v10+s19+$0x0] =	vst.idx.msk $0xffff, v8  }
0x235: {  	[tilespmem:v11+s19+$0x0] =	vst.idx.msk $0xffff, v9  }
0x236: {  	[tilespmem:v12+s19+$0x0] =	vst.idx.msk $0xffff, v7  }
0x237: {  	v7 =	vld [tilespmem:s13+$0x4300]  }
0x238: {  	v8 =	vld [tilespmem:s13+$0x5300]  }
0x239: {  	v9 =	vld [tilespmem:s13+$0x6300]  }
0x23a: {  	v10 =	vld [tilespmem:s13+$0x7300];
	_ =	sdelay $0x1  }
0x23b: {  	[tilespmem:v18+s0+$0x0] =	vst.idx.msk $0xffff, v7;
	v11 =	vadd.f32 $1.000000000e+00, v7  }
0x23c: {  	v7 =	vadd.f32 v8, v7  }
0x23d: {  	[tilespmem:v14+s0+$0x0] =	vst.idx.msk $0xffff, v9  }
0x23e: {  	[tilespmem:v15+s0+$0x0] =	vst.idx.msk $0xffff, v8;
	v7 =	vadd.f32 $1.000000000e+00, v7  }
0x23f: {  	[tilespmem:v16+s0+$0x0] =	vst.idx.msk $0xffff, v10  }
.Ltmp7:
0x240: {  	v8 =	vmul.f32 $3.333333430e-01, v7;
	v7 =	vadd.f32 v7, v9;
	(pc) =	sbr.rel @p0 .LBB2_13-.Ltmp7, $4  }
0x241: {  	v9 =	vmul.f32 $5.000000000e-01, v11  }
0x242: {  	v7 =	vmul.f32 $2.500000000e-01, v7;
	[tilespmem:v14+s19+$0x0] =	vst.idx.msk $0xffff, v8  }
0x243: {  	[tilespmem:v15+s19+$0x0] =	vst.idx.msk $0xffff, v9  }
0x244: {  	[tilespmem:v16+s19+$0x0] =	vst.idx.msk $0xffff, v7  }
0x245: {  	v7 =	vld [tilespmem:s13+$0x5380]  }
0x246: {  	v8 =	vld [tilespmem:s13+$0x4380];
	_ =	sdelay $0x2  }
0x247: {  	v9 =	vld [tilespmem:s13+$0x6380];
	_ =	sdelay $0x1  }
0x248: {  	v10 =	vld [tilespmem:s13+$0x7380];
	v11 =	vadd.f32 v7, v8;
	_ =	sdelay $0x1  }
0x249: {  	[tilespmem:v6+s0+$0x0] =	vst.idx.msk $0xffff, v8;
	v62 =	vadd.f32 $1.000000000e+00, v11  }
0x24a: {  	v8 =	vadd.f32 $1.000000000e+00, v8;
	[tilespmem:v3+s0+$0x0] =	vst.idx.msk $0xffff, v9  }
0x24b: {  	[tilespmem:v4+s0+$0x0] =	vst.idx.msk $0xffff, v7;
	v63 =	vmul.f32 $3.333333430e-01, v62;
	v6 =	vadd.f32 v62, v9  }
0x24c: {  	v8 =	vmul.f32 $5.000000000e-01, v8;
	[tilespmem:v5+s0+$0x0] =	vst.idx.msk $0xffff, v10  }
0x24d: {  	v6 =	vmul.f32 $2.500000000e-01, v6;
	[tilespmem:v3+s19+$0x0] =	vst.idx.msk $0xffff, v63  }
0x24e: {  	s6 =	sor.u32 $0x400, s11;
	[tilespmem:v4+s19+$0x0] =	vst.idx.msk $0xffff, v8  }
0x24f: {  	s12 =	sadd.s32 s3, s6;
	[tilespmem:v5+s19+$0x0] =	vst.idx.msk $0xffff, v6  }
0x250: {  	[hbm4b:s12+s5] =	stream.linear.scatter [tilespmem:s2], [sflag:$0x4], $0x2000, $0x38;
	[tilespmem:$0x18000] =	vst v63  }
0x251: {  	s6 =	sadd.s32 s4, s6  }
0x252: {  	[hbm4b:s6+s5] =	stream.linear.scatter [tilespmem:s18], [sflag:$0x4], $0x2000, $0x38;
	[tilespmem:$0x18000] =	vst v63  }
.Ltmp8:
0x253: {  	s26 =	sor.u32 $0x1400, s11;
	(pc) =	sbr.rel @p1 .LBB2_16-.Ltmp8, $4  }
0x254: {  	s11 =	sadd.s32 s3, s26  }
0x255: {  	[hbm4b:s11+s5] =	stream.linear.scatter [tilespmem:s0], [sflag:$0x4], $0x2000, $0x38;
	[tilespmem:$0x18000] =	vst v63  }
0x256: {  	s6 =	sadd.s32 s4, s26  }
0x257: {  	[hbm4b:s6+s5] =	stream.linear.scatter [tilespmem:s19], [sflag:$0x4], $0x2000, $0x38;
	[tilespmem:$0x18000] =	vst v63  }
0x258: {  	s6 =	sadd.s32 $0x3, s10  }
0x259: {  	s10 =	sshrl.u32 s6, $0x2  }
0x25a: {  	s6 =	sshll.u32 s6, $0xC;
	s10 =	sadd.s32 s7, s10  }
0x25b: {  	s6 =	sand.u32 $0x3000, s6;
	s10 =	sshll.u32 s10, $0xE  }
0x25c: {  	s6 =	sor.u32 s6, s10  }
0x25d: {  	s6 =	sshrl.u32 s6, $0x3  }
0x25e: {  	s22 =	simm.s32 $0x4000;
	s6 =	sadd.s32 s1, s6  }
0x25f: {  	[tilespmem:s22], [sflag:$0x2] =	stream.linear.gather [hbm4b:s6+s5], $0x1000, $0x38;
	[tilespmem:$0x18000] =	vst v63  }
0x260: {  	s11 =	simm.s32 $0x5000;
	s23 =	sadd.s32 $0x80000, s6  }
0x261: {  	[tilespmem:s11], [sflag:$0x2] =	stream.linear.gather [hbm4b:s23+s5], $0x1000, $0x38;
	[tilespmem:$0x18000] =	vst v63  }
.Ltmp9:
0x262: {  	_ = 	snop;
	(pc) =	sbr.rel .LBB2_10-.Ltmp9, $4  }
0x263: {  	s25 =	simm.s32 $0x6000;
	s24 =	sadd.s32 $0x100000, s6  }
0x264: {  	[tilespmem:s25], [sflag:$0x2] =	stream.linear.gather [hbm4b:s24+s5], $0x1000, $0x38;
	[tilespmem:$0x18000] =	vst v63  }
0x265: {  	s26 =	simm.s32 $0x7000;
	s9 =	sadd.s32 $0x1, s9;
	s6 =	sadd.s32 $0x180000, s6  }
0x266: {  	[tilespmem:s26], [sflag:$0x2] =	stream.linear.gather [hbm4b:s6+s5], $0x1000, $0x38;
	[tilespmem:$0x18000] =	vst v63  }
.LBB2_17:
0x267: {  	_ =	sfence.sel $0x180000  }
0x268: {  	[bflag:$0x0] =	sbarrier.arrive $0xFFFF  }
0x269: {  	_ =	strace $0x90000047  }
0x26a: {  	s0 =	stileid.u32;
	[bflag:$0x2] =	sbarrier.arrive $0xFFFF  }
0x26b: {  	p0 =	sne.s32 s0, $0x0;
	s0 =	rddreg [dreg:$0x3]  }
0x26c: {  	s0 =	sadd.s32 @!p0 $0x100000, s0  }
0x26d: {  	[sflag:s0] =	ssyncadd.tile.s32 @!p0 $0x1;
	_ =	shalt  }
.Lfunc_end2:
_tile_overlayer_lowered:
.L_overlay_start_2:
0x26e: {  	(tag) =	ssettag $0x2  }
0x26f: {  	s0 =	rddreg [dreg:$0x0];
	s2 =	stileid.u32  }
0x270: {  	s1 =	rddreg [dreg:$0x1];
	p0 =	sne.s32 s2, $0x0  }
0x271: {  	s3 =	rddreg [dreg:$0x2];
	[bflag:$0x3] =	sbarrier.arrive $0xFFFF;
	s2 =	simm.s32 @!p0 $0x1C05  }
0x272: {  	[timem:s3], [sflag:s2] =	dma.local @!p0 [hbm:s0], s1  }
0x273: {  	s0 =	simm.s32 @!p0 $0x5  }
0x274: {  	_ =	swait.ge @!p0 [sflag:s0], s1  }
0x275: {  	s1 =	ssub.s32 @!p0 $0x0, s1;
	[sflag:s0] =	ssyncset.done @!p0 $0x0  }
0x276: {  	[sflag:s0] =	ssyncadd.s32 @!p0 s1  }
0x277: {  	[bflag:$0x3] =	sbarrier.arrive $0xFFFF  }
0x278: {  	_ =	shalt  }

</sc_bundles>
